<compile_context>
chip_gen: v7x
topology: tpu7x:2x2x1
jax: 0.10.2.dev20260603
libtpu: 0.0.44.dev20260713+nightly
codegen_flags: <defaults>
</compile_context>

<pallas_src>
import functools

import jax
import jax.numpy as jnp
from jax import lax
from jax.experimental import pallas as pl
from jax.experimental.pallas import tpu as pltpu
from jax.experimental.pallas import tpu_sc as plsc

N_NODES = 100000
EMBED_DIM = 128
BATCH = 16384

L = 16
NUM_CORES = 2
NUM_SUBCORES = 16
NW = NUM_CORES * NUM_SUBCORES
B_PER_W = BATCH // NW
CHUNK = 128
N_CHUNKS = B_PER_W // CHUNK
NBUF = 2
N_SEG = EMBED_DIM // L
TR_STRIDE = L + 1

_mesh = plsc.VectorSubcoreMesh(core_axis_name="c", subcore_axis_name="s")


@functools.partial(
    pl.kernel,
    mesh=_mesh,
    out_type=jax.ShapeDtypeStruct((BATCH,), jnp.float32),
    scratch_types=[
        pltpu.VMEM((B_PER_W,), jnp.int32),
        pltpu.VMEM((B_PER_W,), jnp.int32),
        pltpu.VMEM((NBUF * CHUNK, EMBED_DIM), jnp.float32),
        pltpu.VMEM((NBUF * CHUNK, EMBED_DIM), jnp.float32),
        pltpu.VMEM((EMBED_DIM,), jnp.float32),
        pltpu.VMEM((B_PER_W,), jnp.float32),
        pltpu.VMEM((L * TR_STRIDE,), jnp.float32),
        [pltpu.SemaphoreType.DMA] * NBUF,
        [pltpu.SemaphoreType.DMA] * NBUF,
        pltpu.SemaphoreType.DMA,
    ],
    compiler_params=pltpu.CompilerParams(
        needs_layout_passes=False,
        use_tc_tiling_on_sc=False,
        skip_device_barrier=True,
        disable_bounds_checks=True,
        disable_semaphore_checks=True,
    ),
)
def _distmult_sc(head_hbm, tail_hbm, table_hbm, rel_hbm, out_hbm,
                 hidx_v, tidx_v, h_bufs, t_bufs, r_v, o_v, tr_v,
                 sems_h, sems_t, sem_p):
    wid = lax.axis_index("s") * NUM_CORES + lax.axis_index("c")
    base = wid * B_PER_W

    cp_hi = pltpu.async_copy(head_hbm.at[pl.ds(base, B_PER_W)], hidx_v,
                             sems_h[0])
    cp_ti = pltpu.async_copy(tail_hbm.at[pl.ds(base, B_PER_W)], tidx_v,
                             sems_t[0])
    cp_r = pltpu.async_copy(rel_hbm, r_v, sem_p)
    cp_hi.wait()
    cp_ti.wait()

    tr_idx = lax.iota(jnp.int32, L) * TR_STRIDE

    def _issue(c, p):
        pltpu.async_copy(
            table_hbm.at[hidx_v.at[pl.ds(c * CHUNK, CHUNK)]],
            h_bufs.at[pl.ds(p * CHUNK, CHUNK)], sems_h[p])
        pltpu.async_copy(
            table_hbm.at[tidx_v.at[pl.ds(c * CHUNK, CHUNK)]],
            t_bufs.at[pl.ds(p * CHUNK, CHUNK)], sems_t[p])

    for i in range(NBUF):
        _issue(i, i)
    cp_r.wait()

    rsegs0 = tuple(r_v[pl.ds(k * L, L)] for k in range(N_SEG))

    def _chunk(c, rsegs_outer):
        p = lax.rem(c, NBUF)
        for b in range(NBUF):

            @pl.when(p == b)
            def _(b=b):
                pltpu.make_async_copy(
                    table_hbm.at[pl.ds(0, CHUNK)],
                    h_bufs.at[pl.ds(b * CHUNK, CHUNK)], sems_h[b]).wait()
                pltpu.make_async_copy(
                    table_hbm.at[pl.ds(0, CHUNK)],
                    t_bufs.at[pl.ds(b * CHUNK, CHUNK)], sems_t[b]).wait()

        boff = p * CHUNK

        def _groups(g, rsegs, c=c):
            b0 = boff + g * L
            for ub in range(0, L, 4):
                accs = [None] * 4
                for k in range(N_SEG):
                    for u in range(4):
                        p_ = (h_bufs[b0 + ub + u, pl.ds(k * L, L)]
                              * t_bufs[b0 + ub + u, pl.ds(k * L, L)]
                              * rsegs[k])
                        accs[u] = p_ if k == 0 else accs[u] + p_
                for u in range(4):
                    plsc.store_scatter(tr_v, [tr_idx + ub + u], accs[u])
            sv = tr_v[pl.ds(0, L)]
            for l in range(1, L):
                sv = sv + tr_v[pl.ds(l * TR_STRIDE, L)]
            o_v[pl.ds(c * CHUNK + g * L, L)] = sv
            return rsegs

        rsegs_cur = lax.fori_loop(0, CHUNK // L, _groups, rsegs_outer)

        for b in range(NBUF):

            @pl.when((p == b) & (c + NBUF < N_CHUNKS))
            def _(b=b):
                _issue(c + NBUF, b)

        return rsegs_cur

    lax.fori_loop(0, N_CHUNKS, _chunk, rsegs0)

    pltpu.sync_copy(o_v, out_hbm.at[pl.ds(base, B_PER_W)])


def kernel(head_indices, tail_indices, node_embedding, relation_vector):
    return _distmult_sc(head_indices, tail_indices, node_embedding,
                        relation_vector)

# --- scband reference (transcript-rebuilt; emitter-appended) ---
"""Pipeline reference for scband-dist-mult-42700564856979 (READ-ONLY COPY).

The authoritative reference and input builder live on the scoring server;
editing this copy changes nothing except your own understanding.
"""

import jax, jax.numpy as jnp
import numpy as np

N_NODES = 100000
EMBED_DIM = 128
BATCH = 16384


def setup_inputs(seed: int = 0) -> dict:
    key = jax.random.key(seed)
    k1, k2, k3, k4 = jax.random.split(key, 4)
    head_indices = jax.random.randint(k1, (BATCH,), 0, N_NODES, dtype=jnp.int64 if jax.config.jax_enable_x64 else jnp.int32).astype(jnp.int32)
    tail_indices = jax.random.randint(k2, (BATCH,), 0, N_NODES, dtype=jnp.int64 if jax.config.jax_enable_x64 else jnp.int32).astype(jnp.int32)
    # learned parameters: embedding table and relation vector (normal init, matching nn.Embedding default N(0,1) and torch.nn.init.normal_)
    node_embedding = jax.random.normal(k3, (N_NODES, EMBED_DIM), dtype=jnp.float32)
    relation_vector = jax.random.normal(k4, (EMBED_DIM,), dtype=jnp.float32)
    return {
        "head_indices": head_indices,
        "tail_indices": tail_indices,
        "node_embedding": node_embedding,
        "relation_vector": relation_vector,
    }


def reference(head_indices, tail_indices, node_embedding, relation_vector):
    # gather embeddings (SparseCore-friendly gather)
    head_embeddings = jnp.take(node_embedding, head_indices, axis=0)
    tail_embeddings = jnp.take(node_embedding, tail_indices, axis=0)
    # DistMult trilinear score: sum(h * r * t)
    scores = jnp.sum(head_embeddings * relation_vector * tail_embeddings, axis=-1)
    return scores

if __name__ == "__main__":
    import jax
    _d = setup_inputs()
    print(jax.jit(kernel)(*tuple(_d.values())))

</pallas_src>

<mosaic_0001>
#map = affine_map<(d0, d1) -> (0)>
#map1 = affine_map<(d0, d1) -> (0, 0)>
module attributes {stable_mosaic.version = 14 : i64} {
  func.func @_distmult_sc(%arg0: i32, %arg1: i32, %arg2: memref<16384xi32, #tpu.memory_space<hbm>>, %arg3: memref<16384xi32, #tpu.memory_space<hbm>>, %arg4: memref<100000x128xf32, #tpu.memory_space<hbm>>, %arg5: memref<128xf32, #tpu.memory_space<hbm>>, %arg6: memref<16384xf32, #tpu.memory_space<hbm>>, %arg7: memref<512xi32, #tpu.memory_space<vmem>>, %arg8: memref<512xi32, #tpu.memory_space<vmem>>, %arg9: memref<256x128xf32, #tpu.memory_space<vmem>>, %arg10: memref<256x128xf32, #tpu.memory_space<vmem>>, %arg11: memref<128xf32, #tpu.memory_space<vmem>>, %arg12: memref<512xf32, #tpu.memory_space<vmem>>, %arg13: memref<272xf32, #tpu.memory_space<vmem>>, %arg14: memref<!tpu.dma_semaphore, #tpu.memory_space<semaphore_mem>>, %arg15: memref<!tpu.dma_semaphore, #tpu.memory_space<semaphore_mem>>, %arg16: memref<!tpu.dma_semaphore, #tpu.memory_space<semaphore_mem>>, %arg17: memref<!tpu.dma_semaphore, #tpu.memory_space<semaphore_mem>>, %arg18: memref<!tpu.dma_semaphore, #tpu.memory_space<semaphore_mem>>) attributes {dimension_semantics = [#tpu.dimension_semantics<core_parallel>, #tpu.dimension_semantics<subcore_parallel>], iteration_bounds = array<i64: 2, 16>, scalar_prefetch = 0 : i64, scratch_operands = 12 : i64, tpu.core_type = #tpu.core_type<sc_vector_subcore>, window_params = [{transform_indices = #map}, {transform_indices = #map}, {transform_indices = #map1}, {transform_indices = #map}, {transform_indices = #map}]} {
    %mul3A = arith.constant 2 : i32
    %mul3A_0 = arith.muli %arg1, %mul3A : i32
    %add3A = arith.addi %mul3A_0, %arg0 : i32
    %mul3A_1 = arith.constant 512 : i32
    %mul3A_2 = arith.muli %add3A, %mul3A_1 : i32
    %dma_start3A = tpu.memref_slice %arg2[%mul3A_2] : memref<16384xi32, #tpu.memory_space<hbm>> -> memref<512xi32, #tpu.memory_space<hbm>>
    %dma_start3A_3 = tpu.memref_slice %arg2[%mul3A_2] : memref<16384xi32, #tpu.memory_space<hbm>> -> memref<512xi32, #tpu.memory_space<hbm>>
    tpu.enqueue_dma source(%dma_start3A_3 : memref<512xi32, #tpu.memory_space<hbm>>) target(%arg7 : memref<512xi32, #tpu.memory_space<vmem>>) target_semaphore(%arg14 : memref<!tpu.dma_semaphore, #tpu.memory_space<semaphore_mem>>)
    %dma_start3A_4 = tpu.memref_slice %arg3[%mul3A_2] : memref<16384xi32, #tpu.memory_space<hbm>> -> memref<512xi32, #tpu.memory_space<hbm>>
    %dma_start3A_5 = tpu.memref_slice %arg3[%mul3A_2] : memref<16384xi32, #tpu.memory_space<hbm>> -> memref<512xi32, #tpu.memory_space<hbm>>
    tpu.enqueue_dma source(%dma_start3A_5 : memref<512xi32, #tpu.memory_space<hbm>>) target(%arg8 : memref<512xi32, #tpu.memory_space<vmem>>) target_semaphore(%arg16 : memref<!tpu.dma_semaphore, #tpu.memory_space<semaphore_mem>>)
    tpu.enqueue_dma source(%arg5 : memref<128xf32, #tpu.memory_space<hbm>>) target(%arg11 : memref<128xf32, #tpu.memory_space<vmem>>) target_semaphore(%arg18 : memref<!tpu.dma_semaphore, #tpu.memory_space<semaphore_mem>>)
    %dma_wait3A = tpu.memref_slice %arg2[%mul3A_2] : memref<16384xi32, #tpu.memory_space<hbm>> -> memref<512xi32, #tpu.memory_space<hbm>>
    %dma_wait3A_6 = tpu.memref_slice %arg2[%mul3A_2] : memref<16384xi32, #tpu.memory_space<hbm>> -> memref<512xi32, #tpu.memory_space<hbm>>
    tpu.wait_dma2 semaphore(%arg14 : memref<!tpu.dma_semaphore, #tpu.memory_space<semaphore_mem>>) src(%dma_wait3A_6 : memref<512xi32, #tpu.memory_space<hbm>>) dst(%arg7 : memref<512xi32, #tpu.memory_space<vmem>>)
    %dma_wait3A_7 = tpu.memref_slice %arg3[%mul3A_2] : memref<16384xi32, #tpu.memory_space<hbm>> -> memref<512xi32, #tpu.memory_space<hbm>>
    %dma_wait3A_8 = tpu.memref_slice %arg3[%mul3A_2] : memref<16384xi32, #tpu.memory_space<hbm>> -> memref<512xi32, #tpu.memory_space<hbm>>
    tpu.wait_dma2 semaphore(%arg16 : memref<!tpu.dma_semaphore, #tpu.memory_space<semaphore_mem>>) src(%dma_wait3A_8 : memref<512xi32, #tpu.memory_space<hbm>>) dst(%arg8 : memref<512xi32, #tpu.memory_space<vmem>>)
    %iota3A = tpu.iota {dimensions = array<i32: 0>} : vector<16xi32>
    %mul3A_9 = arith.constant 17 : i32
    %mul3A_10 = vector.broadcast %mul3A_9 : i32 to vector<16xi32>
    %mul3A_11 = arith.muli %iota3A, %mul3A_10 : vector<16xi32>
    %dma_start3A_12 = arith.constant 0 : i32
    %dma_start3A_13 = arith.constant 0 : i32
    %dma_start3A_14 = tpu.memref_slice %arg9[%dma_start3A_12, %dma_start3A_13] : memref<256x128xf32, #tpu.memory_space<vmem>> -> memref<128x128xf32, #tpu.memory_space<vmem>>
    %dma_start3A_15 = arith.constant 0 : i32
    %dma_start3A_16 = tpu.memref_slice %arg7[%dma_start3A_15] : memref<512xi32, #tpu.memory_space<vmem>> -> memref<128xi32, #tpu.memory_space<vmem>>
    %dma_start3A_17 = arith.constant 0 : i32
    %dma_start3A_18 = arith.constant 0 : i32
    %dma_start3A_19 = tpu.memref_slice %arg4[%dma_start3A_17, %dma_start3A_18] : memref<100000x128xf32, #tpu.memory_space<hbm>> -> memref<100000x128xf32, #tpu.memory_space<hbm>>
    tpu.enqueue_indirect_dma source(%dma_start3A_19 : memref<100000x128xf32, #tpu.memory_space<hbm>>) target(%dma_start3A_14 : memref<128x128xf32, #tpu.memory_space<vmem>>) offsets(%dma_start3A_16 : memref<128xi32, #tpu.memory_space<vmem>>) semaphore(%arg14 : memref<!tpu.dma_semaphore, #tpu.memory_space<semaphore_mem>>)
    %dma_start3A_20 = arith.constant 0 : i32
    %dma_start3A_21 = arith.constant 0 : i32
    %dma_start3A_22 = tpu.memref_slice %arg10[%dma_start3A_20, %dma_start3A_21] : memref<256x128xf32, #tpu.memory_space<vmem>> -> memref<128x128xf32, #tpu.memory_space<vmem>>
    %dma_start3A_23 = arith.constant 0 : i32
    %dma_start3A_24 = tpu.memref_slice %arg8[%dma_start3A_23] : memref<512xi32, #tpu.memory_space<vmem>> -> memref<128xi32, #tpu.memory_space<vmem>>
    %dma_start3A_25 = arith.constant 0 : i32
    %dma_start3A_26 = arith.constant 0 : i32
    %dma_start3A_27 = tpu.memref_slice %arg4[%dma_start3A_25, %dma_start3A_26] : memref<100000x128xf32, #tpu.memory_space<hbm>> -> memref<100000x128xf32, #tpu.memory_space<hbm>>
    tpu.enqueue_indirect_dma source(%dma_start3A_27 : memref<100000x128xf32, #tpu.memory_space<hbm>>) target(%dma_start3A_22 : memref<128x128xf32, #tpu.memory_space<vmem>>) offsets(%dma_start3A_24 : memref<128xi32, #tpu.memory_space<vmem>>) semaphore(%arg16 : memref<!tpu.dma_semaphore, #tpu.memory_space<semaphore_mem>>)
    %dma_start3A_28 = arith.constant 128 : i32
    %dma_start3A_29 = arith.constant 0 : i32
    %dma_start3A_30 = tpu.memref_slice %arg9[%dma_start3A_28, %dma_start3A_29] : memref<256x128xf32, #tpu.memory_space<vmem>> -> memref<128x128xf32, #tpu.memory_space<vmem>>
    %dma_start3A_31 = arith.constant 128 : i32
    %dma_start3A_32 = tpu.memref_slice %arg7[%dma_start3A_31] : memref<512xi32, #tpu.memory_space<vmem>> -> memref<128xi32, #tpu.memory_space<vmem>>
    %dma_start3A_33 = arith.constant 0 : i32
    %dma_start3A_34 = arith.constant 0 : i32
    %dma_start3A_35 = tpu.memref_slice %arg4[%dma_start3A_33, %dma_start3A_34] : memref<100000x128xf32, #tpu.memory_space<hbm>> -> memref<100000x128xf32, #tpu.memory_space<hbm>>
    tpu.enqueue_indirect_dma source(%dma_start3A_35 : memref<100000x128xf32, #tpu.memory_space<hbm>>) target(%dma_start3A_30 : memref<128x128xf32, #tpu.memory_space<vmem>>) offsets(%dma_start3A_32 : memref<128xi32, #tpu.memory_space<vmem>>) semaphore(%arg15 : memref<!tpu.dma_semaphore, #tpu.memory_space<semaphore_mem>>)
    %dma_start3A_36 = arith.constant 128 : i32
    %dma_start3A_37 = arith.constant 0 : i32
    %dma_start3A_38 = tpu.memref_slice %arg10[%dma_start3A_36, %dma_start3A_37] : memref<256x128xf32, #tpu.memory_space<vmem>> -> memref<128x128xf32, #tpu.memory_space<vmem>>
    %dma_start3A_39 = arith.constant 128 : i32
    %dma_start3A_40 = tpu.memref_slice %arg8[%dma_start3A_39] : memref<512xi32, #tpu.memory_space<vmem>> -> memref<128xi32, #tpu.memory_space<vmem>>
    %dma_start3A_41 = arith.constant 0 : i32
    %dma_start3A_42 = arith.constant 0 : i32
    %dma_start3A_43 = tpu.memref_slice %arg4[%dma_start3A_41, %dma_start3A_42] : memref<100000x128xf32, #tpu.memory_space<hbm>> -> memref<100000x128xf32, #tpu.memory_space<hbm>>
    tpu.enqueue_indirect_dma source(%dma_start3A_43 : memref<100000x128xf32, #tpu.memory_space<hbm>>) target(%dma_start3A_38 : memref<128x128xf32, #tpu.memory_space<vmem>>) offsets(%dma_start3A_40 : memref<128xi32, #tpu.memory_space<vmem>>) semaphore(%arg17 : memref<!tpu.dma_semaphore, #tpu.memory_space<semaphore_mem>>)
    tpu.wait_dma2 semaphore(%arg18 : memref<!tpu.dma_semaphore, #tpu.memory_space<semaphore_mem>>) src(%arg5 : memref<128xf32, #tpu.memory_space<hbm>>) dst(%arg11 : memref<128xf32, #tpu.memory_space<vmem>>)
    %get3A = arith.constant 0 : index
    %get3A_44 = tpu.vector_load %arg11[%get3A] {strides = array<i32>} : memref<128xf32, #tpu.memory_space<vmem>>, vector<16xf32>,
    %get3A_45 = arith.constant 16 : index
    %get3A_46 = tpu.vector_load %arg11[%get3A_45] {strides = array<i32>} : memref<128xf32, #tpu.memory_space<vmem>>, vector<16xf32>,
    %get3A_47 = arith.constant 32 : index
    %get3A_48 = tpu.vector_load %arg11[%get3A_47] {strides = array<i32>} : memref<128xf32, #tpu.memory_space<vmem>>, vector<16xf32>,
    %get3A_49 = arith.constant 48 : index
    %get3A_50 = tpu.vector_load %arg11[%get3A_49] {strides = array<i32>} : memref<128xf32, #tpu.memory_space<vmem>>, vector<16xf32>,
    %get3A_51 = arith.constant 64 : index
    %get3A_52 = tpu.vector_load %arg11[%get3A_51] {strides = array<i32>} : memref<128xf32, #tpu.memory_space<vmem>>, vector<16xf32>,
    %get3A_53 = arith.constant 80 : index
    %get3A_54 = tpu.vector_load %arg11[%get3A_53] {strides = array<i32>} : memref<128xf32, #tpu.memory_space<vmem>>, vector<16xf32>,
    %get3A_55 = arith.constant 96 : index
    %get3A_56 = tpu.vector_load %arg11[%get3A_55] {strides = array<i32>} : memref<128xf32, #tpu.memory_space<vmem>>, vector<16xf32>,
    %get3A_57 = arith.constant 112 : index
    %get3A_58 = tpu.vector_load %arg11[%get3A_57] {strides = array<i32>} : memref<128xf32, #tpu.memory_space<vmem>>, vector<16xf32>,
    %scan3A = arith.constant 0 : i32
    %scan3A_59 = arith.constant 4 : i32
    %scan3A_60 = arith.addi %scan3A, %scan3A_59 : i32
    %scan3A_61 = arith.constant 1 : i32
    scf.for %scan3A_63 = %scan3A to %scan3A_60 step %scan3A_61  : i32 {
      %rem3A = arith.constant 2 : i32
      %rem3A_64 = arith.remsi %scan3A_63, %rem3A : i32
      %eq3A = arith.constant 0 : i32
      %eq3A_65 = arith.cmpi eq, %rem3A_64, %eq3A : i32
      %convert_element_type3A = arith.extui %eq3A_65 : i1 to i32
      %cond3A = arith.constant 0 : i32
      %cond3A_66 = arith.cmpi ne, %convert_element_type3A, %cond3A : i32
      scf.if %cond3A_66 {
        %dma_wait3A_97 = arith.constant 0 : i32
        %dma_wait3A_98 = arith.constant 0 : i32
        %dma_wait3A_99 = tpu.memref_slice %arg9[%dma_wait3A_97, %dma_wait3A_98] : memref<256x128xf32, #tpu.memory_space<vmem>> -> memref<128x128xf32, #tpu.memory_space<vmem>>
        %dma_wait3A_100 = arith.constant 0 : i32
        %dma_wait3A_101 = arith.constant 0 : i32
        %dma_wait3A_102 = tpu.memref_slice %arg4[%dma_wait3A_100, %dma_wait3A_101] : memref<100000x128xf32, #tpu.memory_space<hbm>> -> memref<128x128xf32, #tpu.memory_space<hbm>>
        %dma_wait3A_103 = arith.constant 0 : i32
        %dma_wait3A_104 = arith.constant 0 : i32
        %dma_wait3A_105 = tpu.memref_slice %arg9[%dma_wait3A_103, %dma_wait3A_104] : memref<256x128xf32, #tpu.memory_space<vmem>> -> memref<128x128xf32, #tpu.memory_space<vmem>>
        %dma_wait3A_106 = arith.constant 0 : i32
        %dma_wait3A_107 = arith.constant 0 : i32
        %dma_wait3A_108 = tpu.memref_slice %arg4[%dma_wait3A_106, %dma_wait3A_107] : memref<100000x128xf32, #tpu.memory_space<hbm>> -> memref<128x128xf32, #tpu.memory_space<hbm>>
        tpu.wait_dma2 semaphore(%arg14 : memref<!tpu.dma_semaphore, #tpu.memory_space<semaphore_mem>>) src(%dma_wait3A_108 : memref<128x128xf32, #tpu.memory_space<hbm>>) dst(%dma_wait3A_105 : memref<128x128xf32, #tpu.memory_space<vmem>>)
        %dma_wait3A_109 = arith.constant 0 : i32
        %dma_wait3A_110 = arith.constant 0 : i32
        %dma_wait3A_111 = tpu.memref_slice %arg10[%dma_wait3A_109, %dma_wait3A_110] : memref<256x128xf32, #tpu.memory_space<vmem>> -> memref<128x128xf32, #tpu.memory_space<vmem>>
        %dma_wait3A_112 = arith.constant 0 : i32
        %dma_wait3A_113 = arith.constant 0 : i32
        %dma_wait3A_114 = tpu.memref_slice %arg4[%dma_wait3A_112, %dma_wait3A_113] : memref<100000x128xf32, #tpu.memory_space<hbm>> -> memref<128x128xf32, #tpu.memory_space<hbm>>
        %dma_wait3A_115 = arith.constant 0 : i32
        %dma_wait3A_116 = arith.constant 0 : i32
        %dma_wait3A_117 = tpu.memref_slice %arg10[%dma_wait3A_115, %dma_wait3A_116] : memref<256x128xf32, #tpu.memory_space<vmem>> -> memref<128x128xf32, #tpu.memory_space<vmem>>
        %dma_wait3A_118 = arith.constant 0 : i32
        %dma_wait3A_119 = arith.constant 0 : i32
        %dma_wait3A_120 = tpu.memref_slice %arg4[%dma_wait3A_118, %dma_wait3A_119] : memref<100000x128xf32, #tpu.memory_space<hbm>> -> memref<128x128xf32, #tpu.memory_space<hbm>>
        tpu.wait_dma2 semaphore(%arg16 : memref<!tpu.dma_semaphore, #tpu.memory_space<semaphore_mem>>) src(%dma_wait3A_120 : memref<128x128xf32, #tpu.memory_space<hbm>>) dst(%dma_wait3A_117 : memref<128x128xf32, #tpu.memory_space<vmem>>)
      } else {
      }
      %eq3A_67 = arith.constant 1 : i32
      %eq3A_68 = arith.cmpi eq, %rem3A_64, %eq3A_67 : i32
      %convert_element_type3A_69 = arith.extui %eq3A_68 : i1 to i32
      %cond3A_70 = arith.constant 0 : i32
      %cond3A_71 = arith.cmpi ne, %convert_element_type3A_69, %cond3A_70 : i32
      scf.if %cond3A_71 {
        %dma_wait3A_97 = arith.constant 128 : i32
        %dma_wait3A_98 = arith.constant 0 : i32
        %dma_wait3A_99 = tpu.memref_slice %arg9[%dma_wait3A_97, %dma_wait3A_98] : memref<256x128xf32, #tpu.memory_space<vmem>> -> memref<128x128xf32, #tpu.memory_space<vmem>>
        %dma_wait3A_100 = arith.constant 0 : i32
        %dma_wait3A_101 = arith.constant 0 : i32
        %dma_wait3A_102 = tpu.memref_slice %arg4[%dma_wait3A_100, %dma_wait3A_101] : memref<100000x128xf32, #tpu.memory_space<hbm>> -> memref<128x128xf32, #tpu.memory_space<hbm>>
        %dma_wait3A_103 = arith.constant 128 : i32
        %dma_wait3A_104 = arith.constant 0 : i32
        %dma_wait3A_105 = tpu.memref_slice %arg9[%dma_wait3A_103, %dma_wait3A_104] : memref<256x128xf32, #tpu.memory_space<vmem>> -> memref<128x128xf32, #tpu.memory_space<vmem>>
        %dma_wait3A_106 = arith.constant 0 : i32
        %dma_wait3A_107 = arith.constant 0 : i32
        %dma_wait3A_108 = tpu.memref_slice %arg4[%dma_wait3A_106, %dma_wait3A_107] : memref<100000x128xf32, #tpu.memory_space<hbm>> -> memref<128x128xf32, #tpu.memory_space<hbm>>
        tpu.wait_dma2 semaphore(%arg15 : memref<!tpu.dma_semaphore, #tpu.memory_space<semaphore_mem>>) src(%dma_wait3A_108 : memref<128x128xf32, #tpu.memory_space<hbm>>) dst(%dma_wait3A_105 : memref<128x128xf32, #tpu.memory_space<vmem>>)
        %dma_wait3A_109 = arith.constant 128 : i32
        %dma_wait3A_110 = arith.constant 0 : i32
        %dma_wait3A_111 = tpu.memref_slice %arg10[%dma_wait3A_109, %dma_wait3A_110] : memref<256x128xf32, #tpu.memory_space<vmem>> -> memref<128x128xf32, #tpu.memory_space<vmem>>
        %dma_wait3A_112 = arith.constant 0 : i32
        %dma_wait3A_113 = arith.constant 0 : i32
        %dma_wait3A_114 = tpu.memref_slice %arg4[%dma_wait3A_112, %dma_wait3A_113] : memref<100000x128xf32, #tpu.memory_space<hbm>> -> memref<128x128xf32, #tpu.memory_space<hbm>>
        %dma_wait3A_115 = arith.constant 128 : i32
        %dma_wait3A_116 = arith.constant 0 : i32
        %dma_wait3A_117 = tpu.memref_slice %arg10[%dma_wait3A_115, %dma_wait3A_116] : memref<256x128xf32, #tpu.memory_space<vmem>> -> memref<128x128xf32, #tpu.memory_space<vmem>>
        %dma_wait3A_118 = arith.constant 0 : i32
        %dma_wait3A_119 = arith.constant 0 : i32
        %dma_wait3A_120 = tpu.memref_slice %arg4[%dma_wait3A_118, %dma_wait3A_119] : memref<100000x128xf32, #tpu.memory_space<hbm>> -> memref<128x128xf32, #tpu.memory_space<hbm>>
        tpu.wait_dma2 semaphore(%arg17 : memref<!tpu.dma_semaphore, #tpu.memory_space<semaphore_mem>>) src(%dma_wait3A_120 : memref<128x128xf32, #tpu.memory_space<hbm>>) dst(%dma_wait3A_117 : memref<128x128xf32, #tpu.memory_space<vmem>>)
      } else {
      }
      %mul3A_72 = arith.constant 128 : i32
      %mul3A_73 = arith.muli %rem3A_64, %mul3A_72 : i32
      %scan3A_74 = arith.constant 0 : i32
      %scan3A_75 = arith.constant 8 : i32
      %scan3A_76 = arith.addi %scan3A_74, %scan3A_75 : i32
      %scan3A_77 = arith.constant 1 : i32
      scf.for %scan3A_97 = %scan3A_74 to %scan3A_76 step %scan3A_77  : i32 {
        %mul3A_98 = arith.constant 16 : i32
        %mul3A_99 = arith.muli %scan3A_97, %mul3A_98 : i32
        %add3A_100 = arith.addi %mul3A_73, %mul3A_99 : i32
        %add3A_101 = arith.constant 0 : i32
        %add3A_102 = arith.addi %add3A_100, %add3A_101 : i32
        %add3A_103 = arith.constant 0 : i32
        %add3A_104 = arith.addi %add3A_102, %add3A_103 : i32
        %get3A_105 = arith.index_cast %add3A_104 : i32 to index
        %get3A_106 = arith.constant 0 : index
        %get3A_107 = tpu.vector_load %arg9[%get3A_105, %get3A_106] {strides = array<i32>} : memref<256x128xf32, #tpu.memory_space<vmem>>, vector<16xf32>,
        %add3A_108 = arith.constant 0 : i32
        %add3A_109 = arith.addi %add3A_100, %add3A_108 : i32
        %add3A_110 = arith.constant 0 : i32
        %add3A_111 = arith.addi %add3A_109, %add3A_110 : i32
        %get3A_112 = arith.index_cast %add3A_111 : i32 to index
        %get3A_113 = arith.constant 0 : index
        %get3A_114 = tpu.vector_load %arg10[%get3A_112, %get3A_113] {strides = array<i32>} : memref<256x128xf32, #tpu.memory_space<vmem>>, vector<16xf32>,
        %mul3A_115 = arith.mulf %get3A_107, %get3A_114 : vector<16xf32>
        %mul3A_116 = arith.mulf %mul3A_115, %get3A_44 : vector<16xf32>
        %add3A_117 = arith.constant 0 : i32
        %add3A_118 = arith.addi %add3A_100, %add3A_117 : i32
        %add3A_119 = arith.constant 1 : i32
        %add3A_120 = arith.addi %add3A_118, %add3A_119 : i32
        %get3A_121 = arith.index_cast %add3A_120 : i32 to index
        %get3A_122 = arith.constant 0 : index
        %get3A_123 = tpu.vector_load %arg9[%get3A_121, %get3A_122] {strides = array<i32>} : memref<256x128xf32, #tpu.memory_space<vmem>>, vector<16xf32>,
        %add3A_124 = arith.constant 0 : i32
        %add3A_125 = arith.addi %add3A_100, %add3A_124 : i32
        %add3A_126 = arith.constant 1 : i32
        %add3A_127 = arith.addi %add3A_125, %add3A_126 : i32
        %get3A_128 = arith.index_cast %add3A_127 : i32 to index
        %get3A_129 = arith.constant 0 : index
        %get3A_130 = tpu.vector_load %arg10[%get3A_128, %get3A_129] {strides = array<i32>} : memref<256x128xf32, #tpu.memory_space<vmem>>, vector<16xf32>,
        %mul3A_131 = arith.mulf %get3A_123, %get3A_130 : vector<16xf32>
        %mul3A_132 = arith.mulf %mul3A_131, %get3A_44 : vector<16xf32>
        %add3A_133 = arith.constant 0 : i32
        %add3A_134 = arith.addi %add3A_100, %add3A_133 : i32
        %add3A_135 = arith.constant 2 : i32
        %add3A_136 = arith.addi %add3A_134, %add3A_135 : i32
        %get3A_137 = arith.index_cast %add3A_136 : i32 to index
        %get3A_138 = arith.constant 0 : index
        %get3A_139 = tpu.vector_load %arg9[%get3A_137, %get3A_138] {strides = array<i32>} : memref<256x128xf32, #tpu.memory_space<vmem>>, vector<16xf32>,
        %add3A_140 = arith.constant 0 : i32
        %add3A_141 = arith.addi %add3A_100, %add3A_140 : i32
        %add3A_142 = arith.constant 2 : i32
        %add3A_143 = arith.addi %add3A_141, %add3A_142 : i32
        %get3A_144 = arith.index_cast %add3A_143 : i32 to index
        %get3A_145 = arith.constant 0 : index
        %get3A_146 = tpu.vector_load %arg10[%get3A_144, %get3A_145] {strides = array<i32>} : memref<256x128xf32, #tpu.memory_space<vmem>>, vector<16xf32>,
        %mul3A_147 = arith.mulf %get3A_139, %get3A_146 : vector<16xf32>
        %mul3A_148 = arith.mulf %mul3A_147, %get3A_44 : vector<16xf32>
        %add3A_149 = arith.constant 0 : i32
        %add3A_150 = arith.addi %add3A_100, %add3A_149 : i32
        %add3A_151 = arith.constant 3 : i32
        %add3A_152 = arith.addi %add3A_150, %add3A_151 : i32
        %get3A_153 = arith.index_cast %add3A_152 : i32 to index
        %get3A_154 = arith.constant 0 : index
        %get3A_155 = tpu.vector_load %arg9[%get3A_153, %get3A_154] {strides = array<i32>} : memref<256x128xf32, #tpu.memory_space<vmem>>, vector<16xf32>,
        %add3A_156 = arith.constant 0 : i32
        %add3A_157 = arith.addi %add3A_100, %add3A_156 : i32
        %add3A_158 = arith.constant 3 : i32
        %add3A_159 = arith.addi %add3A_157, %add3A_158 : i32
        %get3A_160 = arith.index_cast %add3A_159 : i32 to index
        %get3A_161 = arith.constant 0 : index
        %get3A_162 = tpu.vector_load %arg10[%get3A_160, %get3A_161] {strides = array<i32>} : memref<256x128xf32, #tpu.memory_space<vmem>>, vector<16xf32>,
        %mul3A_163 = arith.mulf %get3A_155, %get3A_162 : vector<16xf32>
        %mul3A_164 = arith.mulf %mul3A_163, %get3A_44 : vector<16xf32>
        %add3A_165 = arith.constant 0 : i32
        %add3A_166 = arith.addi %add3A_100, %add3A_165 : i32
        %add3A_167 = arith.constant 0 : i32
        %add3A_168 = arith.addi %add3A_166, %add3A_167 : i32
        %get3A_169 = arith.index_cast %add3A_168 : i32 to index
        %get3A_170 = arith.constant 16 : index
        %get3A_171 = tpu.vector_load %arg9[%get3A_169, %get3A_170] {strides = array<i32>} : memref<256x128xf32, #tpu.memory_space<vmem>>, vector<16xf32>,
        %add3A_172 = arith.constant 0 : i32
        %add3A_173 = arith.addi %add3A_100, %add3A_172 : i32
        %add3A_174 = arith.constant 0 : i32
        %add3A_175 = arith.addi %add3A_173, %add3A_174 : i32
        %get3A_176 = arith.index_cast %add3A_175 : i32 to index
        %get3A_177 = arith.constant 16 : index
        %get3A_178 = tpu.vector_load %arg10[%get3A_176, %get3A_177] {strides = array<i32>} : memref<256x128xf32, #tpu.memory_space<vmem>>, vector<16xf32>,
        %mul3A_179 = arith.mulf %get3A_171, %get3A_178 : vector<16xf32>
        %mul3A_180 = arith.mulf %mul3A_179, %get3A_46 : vector<16xf32>
        %add3A_181 = arith.addf %mul3A_116, %mul3A_180 : vector<16xf32>
        %add3A_182 = arith.constant 0 : i32
        %add3A_183 = arith.addi %add3A_100, %add3A_182 : i32
        %add3A_184 = arith.constant 1 : i32
        %add3A_185 = arith.addi %add3A_183, %add3A_184 : i32
        %get3A_186 = arith.index_cast %add3A_185 : i32 to index
        %get3A_187 = arith.constant 16 : index
        %get3A_188 = tpu.vector_load %arg9[%get3A_186, %get3A_187] {strides = array<i32>} : memref<256x128xf32, #tpu.memory_space<vmem>>, vector<16xf32>,
        %add3A_189 = arith.constant 0 : i32
        %add3A_190 = arith.addi %add3A_100, %add3A_189 : i32
        %add3A_191 = arith.constant 1 : i32
        %add3A_192 = arith.addi %add3A_190, %add3A_191 : i32
        %get3A_193 = arith.index_cast %add3A_192 : i32 to index
        %get3A_194 = arith.constant 16 : index
        %get3A_195 = tpu.vector_load %arg10[%get3A_193, %get3A_194] {strides = array<i32>} : memref<256x128xf32, #tpu.memory_space<vmem>>, vector<16xf32>,
        %mul3A_196 = arith.mulf %get3A_188, %get3A_195 : vector<16xf32>
        %mul3A_197 = arith.mulf %mul3A_196, %get3A_46 : vector<16xf32>
        %add3A_198 = arith.addf %mul3A_132, %mul3A_197 : vector<16xf32>
        %add3A_199 = arith.constant 0 : i32
        %add3A_200 = arith.addi %add3A_100, %add3A_199 : i32
        %add3A_201 = arith.constant 2 : i32
        %add3A_202 = arith.addi %add3A_200, %add3A_201 : i32
        %get3A_203 = arith.index_cast %add3A_202 : i32 to index
        %get3A_204 = arith.constant 16 : index
        %get3A_205 = tpu.vector_load %arg9[%get3A_203, %get3A_204] {strides = array<i32>} : memref<256x128xf32, #tpu.memory_space<vmem>>, vector<16xf32>,
        %add3A_206 = arith.constant 0 : i32
        %add3A_207 = arith.addi %add3A_100, %add3A_206 : i32
        %add3A_208 = arith.constant 2 : i32
        %add3A_209 = arith.addi %add3A_207, %add3A_208 : i32
        %get3A_210 = arith.index_cast %add3A_209 : i32 to index
        %get3A_211 = arith.constant 16 : index
        %get3A_212 = tpu.vector_load %arg10[%get3A_210, %get3A_211] {strides = array<i32>} : memref<256x128xf32, #tpu.memory_space<vmem>>, vector<16xf32>,
        %mul3A_213 = arith.mulf %get3A_205, %get3A_212 : vector<16xf32>
        %mul3A_214 = arith.mulf %mul3A_213, %get3A_46 : vector<16xf32>
        %add3A_215 = arith.addf %mul3A_148, %mul3A_214 : vector<16xf32>
        %add3A_216 = arith.constant 0 : i32
        %add3A_217 = arith.addi %add3A_100, %add3A_216 : i32
        %add3A_218 = arith.constant 3 : i32
        %add3A_219 = arith.addi %add3A_217, %add3A_218 : i32
        %get3A_220 = arith.index_cast %add3A_219 : i32 to index
        %get3A_221 = arith.constant 16 : index
        %get3A_222 = tpu.vector_load %arg9[%get3A_220, %get3A_221] {strides = array<i32>} : memref<256x128xf32, #tpu.memory_space<vmem>>, vector<16xf32>,
        %add3A_223 = arith.constant 0 : i32
        %add3A_224 = arith.addi %add3A_100, %add3A_223 : i32
        %add3A_225 = arith.constant 3 : i32
        %add3A_226 = arith.addi %add3A_224, %add3A_225 : i32
        %get3A_227 = arith.index_cast %add3A_226 : i32 to index
        %get3A_228 = arith.constant 16 : index
        %get3A_229 = tpu.vector_load %arg10[%get3A_227, %get3A_228] {strides = array<i32>} : memref<256x128xf32, #tpu.memory_space<vmem>>, vector<16xf32>,
        %mul3A_230 = arith.mulf %get3A_222, %get3A_229 : vector<16xf32>
        %mul3A_231 = arith.mulf %mul3A_230, %get3A_46 : vector<16xf32>
        %add3A_232 = arith.addf %mul3A_164, %mul3A_231 : vector<16xf32>
        %add3A_233 = arith.constant 0 : i32
        %add3A_234 = arith.addi %add3A_100, %add3A_233 : i32
        %add3A_235 = arith.constant 0 : i32
        %add3A_236 = arith.addi %add3A_234, %add3A_235 : i32
        %get3A_237 = arith.index_cast %add3A_236 : i32 to index
        %get3A_238 = arith.constant 32 : index
        %get3A_239 = tpu.vector_load %arg9[%get3A_237, %get3A_238] {strides = array<i32>} : memref<256x128xf32, #tpu.memory_space<vmem>>, vector<16xf32>,
        %add3A_240 = arith.constant 0 : i32
        %add3A_241 = arith.addi %add3A_100, %add3A_240 : i32
        %add3A_242 = arith.constant 0 : i32
        %add3A_243 = arith.addi %add3A_241, %add3A_242 : i32
        %get3A_244 = arith.index_cast %add3A_243 : i32 to index
        %get3A_245 = arith.constant 32 : index
        %get3A_246 = tpu.vector_load %arg10[%get3A_244, %get3A_245] {strides = array<i32>} : memref<256x128xf32, #tpu.memory_space<vmem>>, vector<16xf32>,
        %mul3A_247 = arith.mulf %get3A_239, %get3A_246 : vector<16xf32>
        %mul3A_248 = arith.mulf %mul3A_247, %get3A_48 : vector<16xf32>
        %add3A_249 = arith.addf %add3A_181, %mul3A_248 : vector<16xf32>
        %add3A_250 = arith.constant 0 : i32
        %add3A_251 = arith.addi %add3A_100, %add3A_250 : i32
        %add3A_252 = arith.constant 1 : i32
        %add3A_253 = arith.addi %add3A_251, %add3A_252 : i32
        %get3A_254 = arith.index_cast %add3A_253 : i32 to index
        %get3A_255 = arith.constant 32 : index
        %get3A_256 = tpu.vector_load %arg9[%get3A_254, %get3A_255] {strides = array<i32>} : memref<256x128xf32, #tpu.memory_space<vmem>>, vector<16xf32>,
        %add3A_257 = arith.constant 0 : i32
        %add3A_258 = arith.addi %add3A_100, %add3A_257 : i32
        %add3A_259 = arith.constant 1 : i32
        %add3A_260 = arith.addi %add3A_258, %add3A_259 : i32
        %get3A_261 = arith.index_cast %add3A_260 : i32 to index
        %get3A_262 = arith.constant 32 : index
        %get3A_263 = tpu.vector_load %arg10[%get3A_261, %get3A_262] {strides = array<i32>} : memref<256x128xf32, #tpu.memory_space<vmem>>, vector<16xf32>,
        %mul3A_264 = arith.mulf %get3A_256, %get3A_263 : vector<16xf32>
        %mul3A_265 = arith.mulf %mul3A_264, %get3A_48 : vector<16xf32>
        %add3A_266 = arith.addf %add3A_198, %mul3A_265 : vector<16xf32>
        %add3A_267 = arith.constant 0 : i32
        %add3A_268 = arith.addi %add3A_100, %add3A_267 : i32
        %add3A_269 = arith.constant 2 : i32
        %add3A_270 = arith.addi %add3A_268, %add3A_269 : i32
        %get3A_271 = arith.index_cast %add3A_270 : i32 to index
        %get3A_272 = arith.constant 32 : index
        %get3A_273 = tpu.vector_load %arg9[%get3A_271, %get3A_272] {strides = array<i32>} : memref<256x128xf32, #tpu.memory_space<vmem>>, vector<16xf32>,
        %add3A_274 = arith.constant 0 : i32
        %add3A_275 = arith.addi %add3A_100, %add3A_274 : i32
        %add3A_276 = arith.constant 2 : i32
        %add3A_277 = arith.addi %add3A_275, %add3A_276 : i32
        %get3A_278 = arith.index_cast %add3A_277 : i32 to index
        %get3A_279 = arith.constant 32 : index
        %get3A_280 = tpu.vector_load %arg10[%get3A_278, %get3A_279] {strides = array<i32>} : memref<256x128xf32, #tpu.memory_space<vmem>>, vector<16xf32>,
        %mul3A_281 = arith.mulf %get3A_273, %get3A_280 : vector<16xf32>
        %mul3A_282 = arith.mulf %mul3A_281, %get3A_48 : vector<16xf32>
        %add3A_283 = arith.addf %add3A_215, %mul3A_282 : vector<16xf32>
        %add3A_284 = arith.constant 0 : i32
        %add3A_285 = arith.addi %add3A_100, %add3A_284 : i32
        %add3A_286 = arith.constant 3 : i32
        %add3A_287 = arith.addi %add3A_285, %add3A_286 : i32
        %get3A_288 = arith.index_cast %add3A_287 : i32 to index
        %get3A_289 = arith.constant 32 : index
        %get3A_290 = tpu.vector_load %arg9[%get3A_288, %get3A_289] {strides = array<i32>} : memref<256x128xf32, #tpu.memory_space<vmem>>, vector<16xf32>,
        %add3A_291 = arith.constant 0 : i32
        %add3A_292 = arith.addi %add3A_100, %add3A_291 : i32
        %add3A_293 = arith.constant 3 : i32
        %add3A_294 = arith.addi %add3A_292, %add3A_293 : i32
        %get3A_295 = arith.index_cast %add3A_294 : i32 to index
        %get3A_296 = arith.constant 32 : index
        %get3A_297 = tpu.vector_load %arg10[%get3A_295, %get3A_296] {strides = array<i32>} : memref<256x128xf32, #tpu.memory_space<vmem>>, vector<16xf32>,
        %mul3A_298 = arith.mulf %get3A_290, %get3A_297 : vector<16xf32>
        %mul3A_299 = arith.mulf %mul3A_298, %get3A_48 : vector<16xf32>
        %add3A_300 = arith.addf %add3A_232, %mul3A_299 : vector<16xf32>
        %add3A_301 = arith.constant 0 : i32
        %add3A_302 = arith.addi %add3A_100, %add3A_301 : i32
        %add3A_303 = arith.constant 0 : i32
        %add3A_304 = arith.addi %add3A_302, %add3A_303 : i32
        %get3A_305 = arith.index_cast %add3A_304 : i32 to index
        %get3A_306 = arith.constant 48 : index
        %get3A_307 = tpu.vector_load %arg9[%get3A_305, %get3A_306] {strides = array<i32>} : memref<256x128xf32, #tpu.memory_space<vmem>>, vector<16xf32>,
        %add3A_308 = arith.constant 0 : i32
        %add3A_309 = arith.addi %add3A_100, %add3A_308 : i32
        %add3A_310 = arith.constant 0 : i32
        %add3A_311 = arith.addi %add3A_309, %add3A_310 : i32
        %get3A_312 = arith.index_cast %add3A_311 : i32 to index
        %get3A_313 = arith.constant 48 : index
        %get3A_314 = tpu.vector_load %arg10[%get3A_312, %get3A_313] {strides = array<i32>} : memref<256x128xf32, #tpu.memory_space<vmem>>, vector<16xf32>,
        %mul3A_315 = arith.mulf %get3A_307, %get3A_314 : vector<16xf32>
        %mul3A_316 = arith.mulf %mul3A_315, %get3A_50 : vector<16xf32>
        %add3A_317 = arith.addf %add3A_249, %mul3A_316 : vector<16xf32>
        %add3A_318 = arith.constant 0 : i32
        %add3A_319 = arith.addi %add3A_100, %add3A_318 : i32
        %add3A_320 = arith.constant 1 : i32
        %add3A_321 = arith.addi %add3A_319, %add3A_320 : i32
        %get3A_322 = arith.index_cast %add3A_321 : i32 to index
        %get3A_323 = arith.constant 48 : index
        %get3A_324 = tpu.vector_load %arg9[%get3A_322, %get3A_323] {strides = array<i32>} : memref<256x128xf32, #tpu.memory_space<vmem>>, vector<16xf32>,
        %add3A_325 = arith.constant 0 : i32
        %add3A_326 = arith.addi %add3A_100, %add3A_325 : i32
        %add3A_327 = arith.constant 1 : i32
        %add3A_328 = arith.addi %add3A_326, %add3A_327 : i32
        %get3A_329 = arith.index_cast %add3A_328 : i32 to index
        %get3A_330 = arith.constant 48 : index
        %get3A_331 = tpu.vector_load %arg10[%get3A_329, %get3A_330] {strides = array<i32>} : memref<256x128xf32, #tpu.memory_space<vmem>>, vector<16xf32>,
        %mul3A_332 = arith.mulf %get3A_324, %get3A_331 : vector<16xf32>
        %mul3A_333 = arith.mulf %mul3A_332, %get3A_50 : vector<16xf32>
        %add3A_334 = arith.addf %add3A_266, %mul3A_333 : vector<16xf32>
        %add3A_335 = arith.constant 0 : i32
        %add3A_336 = arith.addi %add3A_100, %add3A_335 : i32
        %add3A_337 = arith.constant 2 : i32
        %add3A_338 = arith.addi %add3A_336, %add3A_337 : i32
        %get3A_339 = arith.index_cast %add3A_338 : i32 to index
        %get3A_340 = arith.constant 48 : index
        %get3A_341 = tpu.vector_load %arg9[%get3A_339, %get3A_340] {strides = array<i32>} : memref<256x128xf32, #tpu.memory_space<vmem>>, vector<16xf32>,
        %add3A_342 = arith.constant 0 : i32
        %add3A_343 = arith.addi %add3A_100, %add3A_342 : i32
        %add3A_344 = arith.constant 2 : i32
        %add3A_345 = arith.addi %add3A_343, %add3A_344 : i32
        %get3A_346 = arith.index_cast %add3A_345 : i32 to index
        %get3A_347 = arith.constant 48 : index
        %get3A_348 = tpu.vector_load %arg10[%get3A_346, %get3A_347] {strides = array<i32>} : memref<256x128xf32, #tpu.memory_space<vmem>>, vector<16xf32>,
        %mul3A_349 = arith.mulf %get3A_341, %get3A_348 : vector<16xf32>
        %mul3A_350 = arith.mulf %mul3A_349, %get3A_50 : vector<16xf32>
        %add3A_351 = arith.addf %add3A_283, %mul3A_350 : vector<16xf32>
        %add3A_352 = arith.constant 0 : i32
        %add3A_353 = arith.addi %add3A_100, %add3A_352 : i32
        %add3A_354 = arith.constant 3 : i32
        %add3A_355 = arith.addi %add3A_353, %add3A_354 : i32
        %get3A_356 = arith.index_cast %add3A_355 : i32 to index
        %get3A_357 = arith.constant 48 : index
        %get3A_358 = tpu.vector_load %arg9[%get3A_356, %get3A_357] {strides = array<i32>} : memref<256x128xf32, #tpu.memory_space<vmem>>, vector<16xf32>,
        %add3A_359 = arith.constant 0 : i32
        %add3A_360 = arith.addi %add3A_100, %add3A_359 : i32
        %add3A_361 = arith.constant 3 : i32
        %add3A_362 = arith.addi %add3A_360, %add3A_361 : i32
        %get3A_363 = arith.index_cast %add3A_362 : i32 to index
        %get3A_364 = arith.constant 48 : index
        %get3A_365 = tpu.vector_load %arg10[%get3A_363, %get3A_364] {strides = array<i32>} : memref<256x128xf32, #tpu.memory_space<vmem>>, vector<16xf32>,
        %mul3A_366 = arith.mulf %get3A_358, %get3A_365 : vector<16xf32>
        %mul3A_367 = arith.mulf %mul3A_366, %get3A_50 : vector<16xf32>
        %add3A_368 = arith.addf %add3A_300, %mul3A_367 : vector<16xf32>
        %add3A_369 = arith.constant 0 : i32
        %add3A_370 = arith.addi %add3A_100, %add3A_369 : i32
        %add3A_371 = arith.constant 0 : i32
        %add3A_372 = arith.addi %add3A_370, %add3A_371 : i32
        %get3A_373 = arith.index_cast %add3A_372 : i32 to index
        %get3A_374 = arith.constant 64 : index
        %get3A_375 = tpu.vector_load %arg9[%get3A_373, %get3A_374] {strides = array<i32>} : memref<256x128xf32, #tpu.memory_space<vmem>>, vector<16xf32>,
        %add3A_376 = arith.constant 0 : i32
        %add3A_377 = arith.addi %add3A_100, %add3A_376 : i32
        %add3A_378 = arith.constant 0 : i32
        %add3A_379 = arith.addi %add3A_377, %add3A_378 : i32
        %get3A_380 = arith.index_cast %add3A_379 : i32 to index
        %get3A_381 = arith.constant 64 : index
        %get3A_382 = tpu.vector_load %arg10[%get3A_380, %get3A_381] {strides = array<i32>} : memref<256x128xf32, #tpu.memory_space<vmem>>, vector<16xf32>,
        %mul3A_383 = arith.mulf %get3A_375, %get3A_382 : vector<16xf32>
        %mul3A_384 = arith.mulf %mul3A_383, %get3A_52 : vector<16xf32>
        %add3A_385 = arith.addf %add3A_317, %mul3A_384 : vector<16xf32>
        %add3A_386 = arith.constant 0 : i32
        %add3A_387 = arith.addi %add3A_100, %add3A_386 : i32
        %add3A_388 = arith.constant 1 : i32
        %add3A_389 = arith.addi %add3A_387, %add3A_388 : i32
        %get3A_390 = arith.index_cast %add3A_389 : i32 to index
        %get3A_391 = arith.constant 64 : index
        %get3A_392 = tpu.vector_load %arg9[%get3A_390, %get3A_391] {strides = array<i32>} : memref<256x128xf32, #tpu.memory_space<vmem>>, vector<16xf32>,
        %add3A_393 = arith.constant 0 : i32
        %add3A_394 = arith.addi %add3A_100, %add3A_393 : i32
        %add3A_395 = arith.constant 1 : i32
        %add3A_396 = arith.addi %add3A_394, %add3A_395 : i32
        %get3A_397 = arith.index_cast %add3A_396 : i32 to index
        %get3A_398 = arith.constant 64 : index
        %get3A_399 = tpu.vector_load %arg10[%get3A_397, %get3A_398] {strides = array<i32>} : memref<256x128xf32, #tpu.memory_space<vmem>>, vector<16xf32>,
        %mul3A_400 = arith.mulf %get3A_392, %get3A_399 : vector<16xf32>
        %mul3A_401 = arith.mulf %mul3A_400, %get3A_52 : vector<16xf32>
        %add3A_402 = arith.addf %add3A_334, %mul3A_401 : vector<16xf32>
        %add3A_403 = arith.constant 0 : i32
        %add3A_404 = arith.addi %add3A_100, %add3A_403 : i32
        %add3A_405 = arith.constant 2 : i32
        %add3A_406 = arith.addi %add3A_404, %add3A_405 : i32
        %get3A_407 = arith.index_cast %add3A_406 : i32 to index
        %get3A_408 = arith.constant 64 : index
        %get3A_409 = tpu.vector_load %arg9[%get3A_407, %get3A_408] {strides = array<i32>} : memref<256x128xf32, #tpu.memory_space<vmem>>, vector<16xf32>,
        %add3A_410 = arith.constant 0 : i32
        %add3A_411 = arith.addi %add3A_100, %add3A_410 : i32
        %add3A_412 = arith.constant 2 : i32
        %add3A_413 = arith.addi %add3A_411, %add3A_412 : i32
        %get3A_414 = arith.index_cast %add3A_413 : i32 to index
        %get3A_415 = arith.constant 64 : index
        %get3A_416 = tpu.vector_load %arg10[%get3A_414, %get3A_415] {strides = array<i32>} : memref<256x128xf32, #tpu.memory_space<vmem>>, vector<16xf32>,
        %mul3A_417 = arith.mulf %get3A_409, %get3A_416 : vector<16xf32>
        %mul3A_418 = arith.mulf %mul3A_417, %get3A_52 : vector<16xf32>
        %add3A_419 = arith.addf %add3A_351, %mul3A_418 : vector<16xf32>
        %add3A_420 = arith.constant 0 : i32
        %add3A_421 = arith.addi %add3A_100, %add3A_420 : i32
        %add3A_422 = arith.constant 3 : i32
        %add3A_423 = arith.addi %add3A_421, %add3A_422 : i32
        %get3A_424 = arith.index_cast %add3A_423 : i32 to index
        %get3A_425 = arith.constant 64 : index
        %get3A_426 = tpu.vector_load %arg9[%get3A_424, %get3A_425] {strides = array<i32>} : memref<256x128xf32, #tpu.memory_space<vmem>>, vector<16xf32>,
        %add3A_427 = arith.constant 0 : i32
        %add3A_428 = arith.addi %add3A_100, %add3A_427 : i32
        %add3A_429 = arith.constant 3 : i32
        %add3A_430 = arith.addi %add3A_428, %add3A_429 : i32
        %get3A_431 = arith.index_cast %add3A_430 : i32 to index
        %get3A_432 = arith.constant 64 : index
        %get3A_433 = tpu.vector_load %arg10[%get3A_431, %get3A_432] {strides = array<i32>} : memref<256x128xf32, #tpu.memory_space<vmem>>, vector<16xf32>,
        %mul3A_434 = arith.mulf %get3A_426, %get3A_433 : vector<16xf32>
        %mul3A_435 = arith.mulf %mul3A_434, %get3A_52 : vector<16xf32>
        %add3A_436 = arith.addf %add3A_368, %mul3A_435 : vector<16xf32>
        %add3A_437 = arith.constant 0 : i32
        %add3A_438 = arith.addi %add3A_100, %add3A_437 : i32
        %add3A_439 = arith.constant 0 : i32
        %add3A_440 = arith.addi %add3A_438, %add3A_439 : i32
        %get3A_441 = arith.index_cast %add3A_440 : i32 to index
        %get3A_442 = arith.constant 80 : index
        %get3A_443 = tpu.vector_load %arg9[%get3A_441, %get3A_442] {strides = array<i32>} : memref<256x128xf32, #tpu.memory_space<vmem>>, vector<16xf32>,
        %add3A_444 = arith.constant 0 : i32
        %add3A_445 = arith.addi %add3A_100, %add3A_444 : i32
        %add3A_446 = arith.constant 0 : i32
        %add3A_447 = arith.addi %add3A_445, %add3A_446 : i32
        %get3A_448 = arith.index_cast %add3A_447 : i32 to index
        %get3A_449 = arith.constant 80 : index
        %get3A_450 = tpu.vector_load %arg10[%get3A_448, %get3A_449] {strides = array<i32>} : memref<256x128xf32, #tpu.memory_space<vmem>>, vector<16xf32>,
        %mul3A_451 = arith.mulf %get3A_443, %get3A_450 : vector<16xf32>
        %mul3A_452 = arith.mulf %mul3A_451, %get3A_54 : vector<16xf32>
        %add3A_453 = arith.addf %add3A_385, %mul3A_452 : vector<16xf32>
        %add3A_454 = arith.constant 0 : i32
        %add3A_455 = arith.addi %add3A_100, %add3A_454 : i32
        %add3A_456 = arith.constant 1 : i32
        %add3A_457 = arith.addi %add3A_455, %add3A_456 : i32
        %get3A_458 = arith.index_cast %add3A_457 : i32 to index
        %get3A_459 = arith.constant 80 : index
        %get3A_460 = tpu.vector_load %arg9[%get3A_458, %get3A_459] {strides = array<i32>} : memref<256x128xf32, #tpu.memory_space<vmem>>, vector<16xf32>,
        %add3A_461 = arith.constant 0 : i32
        %add3A_462 = arith.addi %add3A_100, %add3A_461 : i32
        %add3A_463 = arith.constant 1 : i32
        %add3A_464 = arith.addi %add3A_462, %add3A_463 : i32
        %get3A_465 = arith.index_cast %add3A_464 : i32 to index
        %get3A_466 = arith.constant 80 : index
        %get3A_467 = tpu.vector_load %arg10[%get3A_465, %get3A_466] {strides = array<i32>} : memref<256x128xf32, #tpu.memory_space<vmem>>, vector<16xf32>,
        %mul3A_468 = arith.mulf %get3A_460, %get3A_467 : vector<16xf32>
        %mul3A_469 = arith.mulf %mul3A_468, %get3A_54 : vector<16xf32>
        %add3A_470 = arith.addf %add3A_402, %mul3A_469 : vector<16xf32>
        %add3A_471 = arith.constant 0 : i32
        %add3A_472 = arith.addi %add3A_100, %add3A_471 : i32
        %add3A_473 = arith.constant 2 : i32
        %add3A_474 = arith.addi %add3A_472, %add3A_473 : i32
        %get3A_475 = arith.index_cast %add3A_474 : i32 to index
        %get3A_476 = arith.constant 80 : index
        %get3A_477 = tpu.vector_load %arg9[%get3A_475, %get3A_476] {strides = array<i32>} : memref<256x128xf32, #tpu.memory_space<vmem>>, vector<16xf32>,
        %add3A_478 = arith.constant 0 : i32
        %add3A_479 = arith.addi %add3A_100, %add3A_478 : i32
        %add3A_480 = arith.constant 2 : i32
        %add3A_481 = arith.addi %add3A_479, %add3A_480 : i32
        %get3A_482 = arith.index_cast %add3A_481 : i32 to index
        %get3A_483 = arith.constant 80 : index
        %get3A_484 = tpu.vector_load %arg10[%get3A_482, %get3A_483] {strides = array<i32>} : memref<256x128xf32, #tpu.memory_space<vmem>>, vector<16xf32>,
        %mul3A_485 = arith.mulf %get3A_477, %get3A_484 : vector<16xf32>
        %mul3A_486 = arith.mulf %mul3A_485, %get3A_54 : vector<16xf32>
        %add3A_487 = arith.addf %add3A_419, %mul3A_486 : vector<16xf32>
        %add3A_488 = arith.constant 0 : i32
        %add3A_489 = arith.addi %add3A_100, %add3A_488 : i32
        %add3A_490 = arith.constant 3 : i32
        %add3A_491 = arith.addi %add3A_489, %add3A_490 : i32
        %get3A_492 = arith.index_cast %add3A_491 : i32 to index
        %get3A_493 = arith.constant 80 : index
        %get3A_494 = tpu.vector_load %arg9[%get3A_492, %get3A_493] {strides = array<i32>} : memref<256x128xf32, #tpu.memory_space<vmem>>, vector<16xf32>,
        %add3A_495 = arith.constant 0 : i32
        %add3A_496 = arith.addi %add3A_100, %add3A_495 : i32
        %add3A_497 = arith.constant 3 : i32
        %add3A_498 = arith.addi %add3A_496, %add3A_497 : i32
        %get3A_499 = arith.index_cast %add3A_498 : i32 to index
        %get3A_500 = arith.constant 80 : index
        %get3A_501 = tpu.vector_load %arg10[%get3A_499, %get3A_500] {strides = array<i32>} : memref<256x128xf32, #tpu.memory_space<vmem>>, vector<16xf32>,
        %mul3A_502 = arith.mulf %get3A_494, %get3A_501 : vector<16xf32>
        %mul3A_503 = arith.mulf %mul3A_502, %get3A_54 : vector<16xf32>
        %add3A_504 = arith.addf %add3A_436, %mul3A_503 : vector<16xf32>
        %add3A_505 = arith.constant 0 : i32
        %add3A_506 = arith.addi %add3A_100, %add3A_505 : i32
        %add3A_507 = arith.constant 0 : i32
        %add3A_508 = arith.addi %add3A_506, %add3A_507 : i32
        %get3A_509 = arith.index_cast %add3A_508 : i32 to index
        %get3A_510 = arith.constant 96 : index
        %get3A_511 = tpu.vector_load %arg9[%get3A_509, %get3A_510] {strides = array<i32>} : memref<256x128xf32, #tpu.memory_space<vmem>>, vector<16xf32>,
        %add3A_512 = arith.constant 0 : i32
        %add3A_513 = arith.addi %add3A_100, %add3A_512 : i32
        %add3A_514 = arith.constant 0 : i32
        %add3A_515 = arith.addi %add3A_513, %add3A_514 : i32
        %get3A_516 = arith.index_cast %add3A_515 : i32 to index
        %get3A_517 = arith.constant 96 : index
        %get3A_518 = tpu.vector_load %arg10[%get3A_516, %get3A_517] {strides = array<i32>} : memref<256x128xf32, #tpu.memory_space<vmem>>, vector<16xf32>,
        %mul3A_519 = arith.mulf %get3A_511, %get3A_518 : vector<16xf32>
        %mul3A_520 = arith.mulf %mul3A_519, %get3A_56 : vector<16xf32>
        %add3A_521 = arith.addf %add3A_453, %mul3A_520 : vector<16xf32>
        %add3A_522 = arith.constant 0 : i32
        %add3A_523 = arith.addi %add3A_100, %add3A_522 : i32
        %add3A_524 = arith.constant 1 : i32
        %add3A_525 = arith.addi %add3A_523, %add3A_524 : i32
        %get3A_526 = arith.index_cast %add3A_525 : i32 to index
        %get3A_527 = arith.constant 96 : index
        %get3A_528 = tpu.vector_load %arg9[%get3A_526, %get3A_527] {strides = array<i32>} : memref<256x128xf32, #tpu.memory_space<vmem>>, vector<16xf32>,
        %add3A_529 = arith.constant 0 : i32
        %add3A_530 = arith.addi %add3A_100, %add3A_529 : i32
        %add3A_531 = arith.constant 1 : i32
        %add3A_532 = arith.addi %add3A_530, %add3A_531 : i32
        %get3A_533 = arith.index_cast %add3A_532 : i32 to index
        %get3A_534 = arith.constant 96 : index
        %get3A_535 = tpu.vector_load %arg10[%get3A_533, %get3A_534] {strides = array<i32>} : memref<256x128xf32, #tpu.memory_space<vmem>>, vector<16xf32>,
        %mul3A_536 = arith.mulf %get3A_528, %get3A_535 : vector<16xf32>
        %mul3A_537 = arith.mulf %mul3A_536, %get3A_56 : vector<16xf32>
        %add3A_538 = arith.addf %add3A_470, %mul3A_537 : vector<16xf32>
        %add3A_539 = arith.constant 0 : i32
        %add3A_540 = arith.addi %add3A_100, %add3A_539 : i32
        %add3A_541 = arith.constant 2 : i32
        %add3A_542 = arith.addi %add3A_540, %add3A_541 : i32
        %get3A_543 = arith.index_cast %add3A_542 : i32 to index
        %get3A_544 = arith.constant 96 : index
        %get3A_545 = tpu.vector_load %arg9[%get3A_543, %get3A_544] {strides = array<i32>} : memref<256x128xf32, #tpu.memory_space<vmem>>, vector<16xf32>,
        %add3A_546 = arith.constant 0 : i32
        %add3A_547 = arith.addi %add3A_100, %add3A_546 : i32
        %add3A_548 = arith.constant 2 : i32
        %add3A_549 = arith.addi %add3A_547, %add3A_548 : i32
        %get3A_550 = arith.index_cast %add3A_549 : i32 to index
        %get3A_551 = arith.constant 96 : index
        %get3A_552 = tpu.vector_load %arg10[%get3A_550, %get3A_551] {strides = array<i32>} : memref<256x128xf32, #tpu.memory_space<vmem>>, vector<16xf32>,
        %mul3A_553 = arith.mulf %get3A_545, %get3A_552 : vector<16xf32>
        %mul3A_554 = arith.mulf %mul3A_553, %get3A_56 : vector<16xf32>
        %add3A_555 = arith.addf %add3A_487, %mul3A_554 : vector<16xf32>
        %add3A_556 = arith.constant 0 : i32
        %add3A_557 = arith.addi %add3A_100, %add3A_556 : i32
        %add3A_558 = arith.constant 3 : i32
        %add3A_559 = arith.addi %add3A_557, %add3A_558 : i32
        %get3A_560 = arith.index_cast %add3A_559 : i32 to index
        %get3A_561 = arith.constant 96 : index
        %get3A_562 = tpu.vector_load %arg9[%get3A_560, %get3A_561] {strides = array<i32>} : memref<256x128xf32, #tpu.memory_space<vmem>>, vector<16xf32>,
        %add3A_563 = arith.constant 0 : i32
        %add3A_564 = arith.addi %add3A_100, %add3A_563 : i32
        %add3A_565 = arith.constant 3 : i32
        %add3A_566 = arith.addi %add3A_564, %add3A_565 : i32
        %get3A_567 = arith.index_cast %add3A_566 : i32 to index
        %get3A_568 = arith.constant 96 : index
        %get3A_569 = tpu.vector_load %arg10[%get3A_567, %get3A_568] {strides = array<i32>} : memref<256x128xf32, #tpu.memory_space<vmem>>, vector<16xf32>,
        %mul3A_570 = arith.mulf %get3A_562, %get3A_569 : vector<16xf32>
        %mul3A_571 = arith.mulf %mul3A_570, %get3A_56 : vector<16xf32>
        %add3A_572 = arith.addf %add3A_504, %mul3A_571 : vector<16xf32>
        %add3A_573 = arith.constant 0 : i32
        %add3A_574 = arith.addi %add3A_100, %add3A_573 : i32
        %add3A_575 = arith.constant 0 : i32
        %add3A_576 = arith.addi %add3A_574, %add3A_575 : i32
        %get3A_577 = arith.index_cast %add3A_576 : i32 to index
        %get3A_578 = arith.constant 112 : index
        %get3A_579 = tpu.vector_load %arg9[%get3A_577, %get3A_578] {strides = array<i32>} : memref<256x128xf32, #tpu.memory_space<vmem>>, vector<16xf32>,
        %add3A_580 = arith.constant 0 : i32
        %add3A_581 = arith.addi %add3A_100, %add3A_580 : i32
        %add3A_582 = arith.constant 0 : i32
        %add3A_583 = arith.addi %add3A_581, %add3A_582 : i32
        %get3A_584 = arith.index_cast %add3A_583 : i32 to index
        %get3A_585 = arith.constant 112 : index
        %get3A_586 = tpu.vector_load %arg10[%get3A_584, %get3A_585] {strides = array<i32>} : memref<256x128xf32, #tpu.memory_space<vmem>>, vector<16xf32>,
        %mul3A_587 = arith.mulf %get3A_579, %get3A_586 : vector<16xf32>
        %mul3A_588 = arith.mulf %mul3A_587, %get3A_58 : vector<16xf32>
        %add3A_589 = arith.addf %add3A_521, %mul3A_588 : vector<16xf32>
        %add3A_590 = arith.constant 0 : i32
        %add3A_591 = arith.addi %add3A_100, %add3A_590 : i32
        %add3A_592 = arith.constant 1 : i32
        %add3A_593 = arith.addi %add3A_591, %add3A_592 : i32
        %get3A_594 = arith.index_cast %add3A_593 : i32 to index
        %get3A_595 = arith.constant 112 : index
        %get3A_596 = tpu.vector_load %arg9[%get3A_594, %get3A_595] {strides = array<i32>} : memref<256x128xf32, #tpu.memory_space<vmem>>, vector<16xf32>,
        %add3A_597 = arith.constant 0 : i32
        %add3A_598 = arith.addi %add3A_100, %add3A_597 : i32
        %add3A_599 = arith.constant 1 : i32
        %add3A_600 = arith.addi %add3A_598, %add3A_599 : i32
        %get3A_601 = arith.index_cast %add3A_600 : i32 to index
        %get3A_602 = arith.constant 112 : index
        %get3A_603 = tpu.vector_load %arg10[%get3A_601, %get3A_602] {strides = array<i32>} : memref<256x128xf32, #tpu.memory_space<vmem>>, vector<16xf32>,
        %mul3A_604 = arith.mulf %get3A_596, %get3A_603 : vector<16xf32>
        %mul3A_605 = arith.mulf %mul3A_604, %get3A_58 : vector<16xf32>
        %add3A_606 = arith.addf %add3A_538, %mul3A_605 : vector<16xf32>
        %add3A_607 = arith.constant 0 : i32
        %add3A_608 = arith.addi %add3A_100, %add3A_607 : i32
        %add3A_609 = arith.constant 2 : i32
        %add3A_610 = arith.addi %add3A_608, %add3A_609 : i32
        %get3A_611 = arith.index_cast %add3A_610 : i32 to index
        %get3A_612 = arith.constant 112 : index
        %get3A_613 = tpu.vector_load %arg9[%get3A_611, %get3A_612] {strides = array<i32>} : memref<256x128xf32, #tpu.memory_space<vmem>>, vector<16xf32>,
        %add3A_614 = arith.constant 0 : i32
        %add3A_615 = arith.addi %add3A_100, %add3A_614 : i32
        %add3A_616 = arith.constant 2 : i32
        %add3A_617 = arith.addi %add3A_615, %add3A_616 : i32
        %get3A_618 = arith.index_cast %add3A_617 : i32 to index
        %get3A_619 = arith.constant 112 : index
        %get3A_620 = tpu.vector_load %arg10[%get3A_618, %get3A_619] {strides = array<i32>} : memref<256x128xf32, #tpu.memory_space<vmem>>, vector<16xf32>,
        %mul3A_621 = arith.mulf %get3A_613, %get3A_620 : vector<16xf32>
        %mul3A_622 = arith.mulf %mul3A_621, %get3A_58 : vector<16xf32>
        %add3A_623 = arith.addf %add3A_555, %mul3A_622 : vector<16xf32>
        %add3A_624 = arith.constant 0 : i32
        %add3A_625 = arith.addi %add3A_100, %add3A_624 : i32
        %add3A_626 = arith.constant 3 : i32
        %add3A_627 = arith.addi %add3A_625, %add3A_626 : i32
        %get3A_628 = arith.index_cast %add3A_627 : i32 to index
        %get3A_629 = arith.constant 112 : index
        %get3A_630 = tpu.vector_load %arg9[%get3A_628, %get3A_629] {strides = array<i32>} : memref<256x128xf32, #tpu.memory_space<vmem>>, vector<16xf32>,
        %add3A_631 = arith.constant 0 : i32
        %add3A_632 = arith.addi %add3A_100, %add3A_631 : i32
        %add3A_633 = arith.constant 3 : i32
        %add3A_634 = arith.addi %add3A_632, %add3A_633 : i32
        %get3A_635 = arith.index_cast %add3A_634 : i32 to index
        %get3A_636 = arith.constant 112 : index
        %get3A_637 = tpu.vector_load %arg10[%get3A_635, %get3A_636] {strides = array<i32>} : memref<256x128xf32, #tpu.memory_space<vmem>>, vector<16xf32>,
        %mul3A_638 = arith.mulf %get3A_630, %get3A_637 : vector<16xf32>
        %mul3A_639 = arith.mulf %mul3A_638, %get3A_58 : vector<16xf32>
        %add3A_640 = arith.addf %add3A_572, %mul3A_639 : vector<16xf32>
        %add3A_641 = arith.constant 0 : i32
        %add3A_642 = vector.broadcast %add3A_641 : i32 to vector<16xi32>
        %add3A_643 = arith.addi %mul3A_11, %add3A_642 : vector<16xi32>
        %add3A_644 = arith.constant 0 : i32
        %add3A_645 = vector.broadcast %add3A_644 : i32 to vector<16xi32>
        %add3A_646 = arith.addi %add3A_643, %add3A_645 : vector<16xi32>
        tpu.vector_store_idx %arg13[%add3A_646], %add3A_589 : memref<272xf32, #tpu.memory_space<vmem>>[vector<16xi32>], vector<16xf32>,
        %add3A_647 = arith.constant 0 : i32
        %add3A_648 = vector.broadcast %add3A_647 : i32 to vector<16xi32>
        %add3A_649 = arith.addi %mul3A_11, %add3A_648 : vector<16xi32>
        %add3A_650 = arith.constant 1 : i32
        %add3A_651 = vector.broadcast %add3A_650 : i32 to vector<16xi32>
        %add3A_652 = arith.addi %add3A_649, %add3A_651 : vector<16xi32>
        tpu.vector_store_idx %arg13[%add3A_652], %add3A_606 : memref<272xf32, #tpu.memory_space<vmem>>[vector<16xi32>], vector<16xf32>,
        %add3A_653 = arith.constant 0 : i32
        %add3A_654 = vector.broadcast %add3A_653 : i32 to vector<16xi32>
        %add3A_655 = arith.addi %mul3A_11, %add3A_654 : vector<16xi32>
        %add3A_656 = arith.constant 2 : i32
        %add3A_657 = vector.broadcast %add3A_656 : i32 to vector<16xi32>
        %add3A_658 = arith.addi %add3A_655, %add3A_657 : vector<16xi32>
        tpu.vector_store_idx %arg13[%add3A_658], %add3A_623 : memref<272xf32, #tpu.memory_space<vmem>>[vector<16xi32>], vector<16xf32>,
        %add3A_659 = arith.constant 0 : i32
        %add3A_660 = vector.broadcast %add3A_659 : i32 to vector<16xi32>
        %add3A_661 = arith.addi %mul3A_11, %add3A_660 : vector<16xi32>
        %add3A_662 = arith.constant 3 : i32
        %add3A_663 = vector.broadcast %add3A_662 : i32 to vector<16xi32>
        %add3A_664 = arith.addi %add3A_661, %add3A_663 : vector<16xi32>
        tpu.vector_store_idx %arg13[%add3A_664], %add3A_640 : memref<272xf32, #tpu.memory_space<vmem>>[vector<16xi32>], vector<16xf32>,
        %add3A_665 = arith.constant 4 : i32
        %add3A_666 = arith.addi %add3A_100, %add3A_665 : i32
        %add3A_667 = arith.constant 0 : i32
        %add3A_668 = arith.addi %add3A_666, %add3A_667 : i32
        %get3A_669 = arith.index_cast %add3A_668 : i32 to index
        %get3A_670 = arith.constant 0 : index
        %get3A_671 = tpu.vector_load %arg9[%get3A_669, %get3A_670] {strides = array<i32>} : memref<256x128xf32, #tpu.memory_space<vmem>>, vector<16xf32>,
        %add3A_672 = arith.constant 4 : i32
        %add3A_673 = arith.addi %add3A_100, %add3A_672 : i32
        %add3A_674 = arith.constant 0 : i32
        %add3A_675 = arith.addi %add3A_673, %add3A_674 : i32
        %get3A_676 = arith.index_cast %add3A_675 : i32 to index
        %get3A_677 = arith.constant 0 : index
        %get3A_678 = tpu.vector_load %arg10[%get3A_676, %get3A_677] {strides = array<i32>} : memref<256x128xf32, #tpu.memory_space<vmem>>, vector<16xf32>,
        %mul3A_679 = arith.mulf %get3A_671, %get3A_678 : vector<16xf32>
        %mul3A_680 = arith.mulf %mul3A_679, %get3A_44 : vector<16xf32>
        %add3A_681 = arith.constant 4 : i32
        %add3A_682 = arith.addi %add3A_100, %add3A_681 : i32
        %add3A_683 = arith.constant 1 : i32
        %add3A_684 = arith.addi %add3A_682, %add3A_683 : i32
        %get3A_685 = arith.index_cast %add3A_684 : i32 to index
        %get3A_686 = arith.constant 0 : index
        %get3A_687 = tpu.vector_load %arg9[%get3A_685, %get3A_686] {strides = array<i32>} : memref<256x128xf32, #tpu.memory_space<vmem>>, vector<16xf32>,
        %add3A_688 = arith.constant 4 : i32
        %add3A_689 = arith.addi %add3A_100, %add3A_688 : i32
        %add3A_690 = arith.constant 1 : i32
        %add3A_691 = arith.addi %add3A_689, %add3A_690 : i32
        %get3A_692 = arith.index_cast %add3A_691 : i32 to index
        %get3A_693 = arith.constant 0 : index
        %get3A_694 = tpu.vector_load %arg10[%get3A_692, %get3A_693] {strides = array<i32>} : memref<256x128xf32, #tpu.memory_space<vmem>>, vector<16xf32>,
        %mul3A_695 = arith.mulf %get3A_687, %get3A_694 : vector<16xf32>
        %mul3A_696 = arith.mulf %mul3A_695, %get3A_44 : vector<16xf32>
        %add3A_697 = arith.constant 4 : i32
        %add3A_698 = arith.addi %add3A_100, %add3A_697 : i32
        %add3A_699 = arith.constant 2 : i32
        %add3A_700 = arith.addi %add3A_698, %add3A_699 : i32
        %get3A_701 = arith.index_cast %add3A_700 : i32 to index
        %get3A_702 = arith.constant 0 : index
        %get3A_703 = tpu.vector_load %arg9[%get3A_701, %get3A_702] {strides = array<i32>} : memref<256x128xf32, #tpu.memory_space<vmem>>, vector<16xf32>,
        %add3A_704 = arith.constant 4 : i32
        %add3A_705 = arith.addi %add3A_100, %add3A_704 : i32
        %add3A_706 = arith.constant 2 : i32
        %add3A_707 = arith.addi %add3A_705, %add3A_706 : i32
        %get3A_708 = arith.index_cast %add3A_707 : i32 to index
        %get3A_709 = arith.constant 0 : index
        %get3A_710 = tpu.vector_load %arg10[%get3A_708, %get3A_709] {strides = array<i32>} : memref<256x128xf32, #tpu.memory_space<vmem>>, vector<16xf32>,
        %mul3A_711 = arith.mulf %get3A_703, %get3A_710 : vector<16xf32>
        %mul3A_712 = arith.mulf %mul3A_711, %get3A_44 : vector<16xf32>
        %add3A_713 = arith.constant 4 : i32
        %add3A_714 = arith.addi %add3A_100, %add3A_713 : i32
        %add3A_715 = arith.constant 3 : i32
        %add3A_716 = arith.addi %add3A_714, %add3A_715 : i32
        %get3A_717 = arith.index_cast %add3A_716 : i32 to index
        %get3A_718 = arith.constant 0 : index
        %get3A_719 = tpu.vector_load %arg9[%get3A_717, %get3A_718] {strides = array<i32>} : memref<256x128xf32, #tpu.memory_space<vmem>>, vector<16xf32>,
        %add3A_720 = arith.constant 4 : i32
        %add3A_721 = arith.addi %add3A_100, %add3A_720 : i32
        %add3A_722 = arith.constant 3 : i32
        %add3A_723 = arith.addi %add3A_721, %add3A_722 : i32
        %get3A_724 = arith.index_cast %add3A_723 : i32 to index
        %get3A_725 = arith.constant 0 : index
        %get3A_726 = tpu.vector_load %arg10[%get3A_724, %get3A_725] {strides = array<i32>} : memref<256x128xf32, #tpu.memory_space<vmem>>, vector<16xf32>,
        %mul3A_727 = arith.mulf %get3A_719, %get3A_726 : vector<16xf32>
        %mul3A_728 = arith.mulf %mul3A_727, %get3A_44 : vector<16xf32>
        %add3A_729 = arith.constant 4 : i32
        %add3A_730 = arith.addi %add3A_100, %add3A_729 : i32
        %add3A_731 = arith.constant 0 : i32
        %add3A_732 = arith.addi %add3A_730, %add3A_731 : i32
        %get3A_733 = arith.index_cast %add3A_732 : i32 to index
        %get3A_734 = arith.constant 16 : index
        %get3A_735 = tpu.vector_load %arg9[%get3A_733, %get3A_734] {strides = array<i32>} : memref<256x128xf32, #tpu.memory_space<vmem>>, vector<16xf32>,
        %add3A_736 = arith.constant 4 : i32
        %add3A_737 = arith.addi %add3A_100, %add3A_736 : i32
        %add3A_738 = arith.constant 0 : i32
        %add3A_739 = arith.addi %add3A_737, %add3A_738 : i32
        %get3A_740 = arith.index_cast %add3A_739 : i32 to index
        %get3A_741 = arith.constant 16 : index
        %get3A_742 = tpu.vector_load %arg10[%get3A_740, %get3A_741] {strides = array<i32>} : memref<256x128xf32, #tpu.memory_space<vmem>>, vector<16xf32>,
        %mul3A_743 = arith.mulf %get3A_735, %get3A_742 : vector<16xf32>
        %mul3A_744 = arith.mulf %mul3A_743, %get3A_46 : vector<16xf32>
        %add3A_745 = arith.addf %mul3A_680, %mul3A_744 : vector<16xf32>
        %add3A_746 = arith.constant 4 : i32
        %add3A_747 = arith.addi %add3A_100, %add3A_746 : i32
        %add3A_748 = arith.constant 1 : i32
        %add3A_749 = arith.addi %add3A_747, %add3A_748 : i32
        %get3A_750 = arith.index_cast %add3A_749 : i32 to index
        %get3A_751 = arith.constant 16 : index
        %get3A_752 = tpu.vector_load %arg9[%get3A_750, %get3A_751] {strides = array<i32>} : memref<256x128xf32, #tpu.memory_space<vmem>>, vector<16xf32>,
        %add3A_753 = arith.constant 4 : i32
        %add3A_754 = arith.addi %add3A_100, %add3A_753 : i32
        %add3A_755 = arith.constant 1 : i32
        %add3A_756 = arith.addi %add3A_754, %add3A_755 : i32
        %get3A_757 = arith.index_cast %add3A_756 : i32 to index
        %get3A_758 = arith.constant 16 : index
        %get3A_759 = tpu.vector_load %arg10[%get3A_757, %get3A_758] {strides = array<i32>} : memref<256x128xf32, #tpu.memory_space<vmem>>, vector<16xf32>,
        %mul3A_760 = arith.mulf %get3A_752, %get3A_759 : vector<16xf32>
        %mul3A_761 = arith.mulf %mul3A_760, %get3A_46 : vector<16xf32>
        %add3A_762 = arith.addf %mul3A_696, %mul3A_761 : vector<16xf32>
        %add3A_763 = arith.constant 4 : i32
        %add3A_764 = arith.addi %add3A_100, %add3A_763 : i32
        %add3A_765 = arith.constant 2 : i32
        %add3A_766 = arith.addi %add3A_764, %add3A_765 : i32
        %get3A_767 = arith.index_cast %add3A_766 : i32 to index
        %get3A_768 = arith.constant 16 : index
        %get3A_769 = tpu.vector_load %arg9[%get3A_767, %get3A_768] {strides = array<i32>} : memref<256x128xf32, #tpu.memory_space<vmem>>, vector<16xf32>,
        %add3A_770 = arith.constant 4 : i32
        %add3A_771 = arith.addi %add3A_100, %add3A_770 : i32
        %add3A_772 = arith.constant 2 : i32
        %add3A_773 = arith.addi %add3A_771, %add3A_772 : i32
        %get3A_774 = arith.index_cast %add3A_773 : i32 to index
        %get3A_775 = arith.constant 16 : index
        %get3A_776 = tpu.vector_load %arg10[%get3A_774, %get3A_775] {strides = array<i32>} : memref<256x128xf32, #tpu.memory_space<vmem>>, vector<16xf32>,
        %mul3A_777 = arith.mulf %get3A_769, %get3A_776 : vector<16xf32>
        %mul3A_778 = arith.mulf %mul3A_777, %get3A_46 : vector<16xf32>
        %add3A_779 = arith.addf %mul3A_712, %mul3A_778 : vector<16xf32>
        %add3A_780 = arith.constant 4 : i32
        %add3A_781 = arith.addi %add3A_100, %add3A_780 : i32
        %add3A_782 = arith.constant 3 : i32
        %add3A_783 = arith.addi %add3A_781, %add3A_782 : i32
        %get3A_784 = arith.index_cast %add3A_783 : i32 to index
        %get3A_785 = arith.constant 16 : index
        %get3A_786 = tpu.vector_load %arg9[%get3A_784, %get3A_785] {strides = array<i32>} : memref<256x128xf32, #tpu.memory_space<vmem>>, vector<16xf32>,
        %add3A_787 = arith.constant 4 : i32
        %add3A_788 = arith.addi %add3A_100, %add3A_787 : i32
        %add3A_789 = arith.constant 3 : i32
        %add3A_790 = arith.addi %add3A_788, %add3A_789 : i32
        %get3A_791 = arith.index_cast %add3A_790 : i32 to index
        %get3A_792 = arith.constant 16 : index
        %get3A_793 = tpu.vector_load %arg10[%get3A_791, %get3A_792] {strides = array<i32>} : memref<256x128xf32, #tpu.memory_space<vmem>>, vector<16xf32>,
        %mul3A_794 = arith.mulf %get3A_786, %get3A_793 : vector<16xf32>
        %mul3A_795 = arith.mulf %mul3A_794, %get3A_46 : vector<16xf32>
        %add3A_796 = arith.addf %mul3A_728, %mul3A_795 : vector<16xf32>
        %add3A_797 = arith.constant 4 : i32
        %add3A_798 = arith.addi %add3A_100, %add3A_797 : i32
        %add3A_799 = arith.constant 0 : i32
        %add3A_800 = arith.addi %add3A_798, %add3A_799 : i32
        %get3A_801 = arith.index_cast %add3A_800 : i32 to index
        %get3A_802 = arith.constant 32 : index
        %get3A_803 = tpu.vector_load %arg9[%get3A_801, %get3A_802] {strides = array<i32>} : memref<256x128xf32, #tpu.memory_space<vmem>>, vector<16xf32>,
        %add3A_804 = arith.constant 4 : i32
        %add3A_805 = arith.addi %add3A_100, %add3A_804 : i32
        %add3A_806 = arith.constant 0 : i32
        %add3A_807 = arith.addi %add3A_805, %add3A_806 : i32
        %get3A_808 = arith.index_cast %add3A_807 : i32 to index
        %get3A_809 = arith.constant 32 : index
        %get3A_810 = tpu.vector_load %arg10[%get3A_808, %get3A_809] {strides = array<i32>} : memref<256x128xf32, #tpu.memory_space<vmem>>, vector<16xf32>,
        %mul3A_811 = arith.mulf %get3A_803, %get3A_810 : vector<16xf32>
        %mul3A_812 = arith.mulf %mul3A_811, %get3A_48 : vector<16xf32>
        %add3A_813 = arith.addf %add3A_745, %mul3A_812 : vector<16xf32>
        %add3A_814 = arith.constant 4 : i32
        %add3A_815 = arith.addi %add3A_100, %add3A_814 : i32
        %add3A_816 = arith.constant 1 : i32
        %add3A_817 = arith.addi %add3A_815, %add3A_816 : i32
        %get3A_818 = arith.index_cast %add3A_817 : i32 to index
        %get3A_819 = arith.constant 32 : index
        %get3A_820 = tpu.vector_load %arg9[%get3A_818, %get3A_819] {strides = array<i32>} : memref<256x128xf32, #tpu.memory_space<vmem>>, vector<16xf32>,
        %add3A_821 = arith.constant 4 : i32
        %add3A_822 = arith.addi %add3A_100, %add3A_821 : i32
        %add3A_823 = arith.constant 1 : i32
        %add3A_824 = arith.addi %add3A_822, %add3A_823 : i32
        %get3A_825 = arith.index_cast %add3A_824 : i32 to index
        %get3A_826 = arith.constant 32 : index
        %get3A_827 = tpu.vector_load %arg10[%get3A_825, %get3A_826] {strides = array<i32>} : memref<256x128xf32, #tpu.memory_space<vmem>>, vector<16xf32>,
        %mul3A_828 = arith.mulf %get3A_820, %get3A_827 : vector<16xf32>
        %mul3A_829 = arith.mulf %mul3A_828, %get3A_48 : vector<16xf32>
        %add3A_830 = arith.addf %add3A_762, %mul3A_829 : vector<16xf32>
        %add3A_831 = arith.constant 4 : i32
        %add3A_832 = arith.addi %add3A_100, %add3A_831 : i32
        %add3A_833 = arith.constant 2 : i32
        %add3A_834 = arith.addi %add3A_832, %add3A_833 : i32
        %get3A_835 = arith.index_cast %add3A_834 : i32 to index
        %get3A_836 = arith.constant 32 : index
        %get3A_837 = tpu.vector_load %arg9[%get3A_835, %get3A_836] {strides = array<i32>} : memref<256x128xf32, #tpu.memory_space<vmem>>, vector<16xf32>,
        %add3A_838 = arith.constant 4 : i32
        %add3A_839 = arith.addi %add3A_100, %add3A_838 : i32
        %add3A_840 = arith.constant 2 : i32
        %add3A_841 = arith.addi %add3A_839, %add3A_840 : i32
        %get3A_842 = arith.index_cast %add3A_841 : i32 to index
        %get3A_843 = arith.constant 32 : index
        %get3A_844 = tpu.vector_load %arg10[%get3A_842, %get3A_843] {strides = array<i32>} : memref<256x128xf32, #tpu.memory_space<vmem>>, vector<16xf32>,
        %mul3A_845 = arith.mulf %get3A_837, %get3A_844 : vector<16xf32>
        %mul3A_846 = arith.mulf %mul3A_845, %get3A_48 : vector<16xf32>
        %add3A_847 = arith.addf %add3A_779, %mul3A_846 : vector<16xf32>
        %add3A_848 = arith.constant 4 : i32
        %add3A_849 = arith.addi %add3A_100, %add3A_848 : i32
        %add3A_850 = arith.constant 3 : i32
        %add3A_851 = arith.addi %add3A_849, %add3A_850 : i32
        %get3A_852 = arith.index_cast %add3A_851 : i32 to index
        %get3A_853 = arith.constant 32 : index
        %get3A_854 = tpu.vector_load %arg9[%get3A_852, %get3A_853] {strides = array<i32>} : memref<256x128xf32, #tpu.memory_space<vmem>>, vector<16xf32>,
        %add3A_855 = arith.constant 4 : i32
        %add3A_856 = arith.addi %add3A_100, %add3A_855 : i32
        %add3A_857 = arith.constant 3 : i32
        %add3A_858 = arith.addi %add3A_856, %add3A_857 : i32
        %get3A_859 = arith.index_cast %add3A_858 : i32 to index
        %get3A_860 = arith.constant 32 : index
        %get3A_861 = tpu.vector_load %arg10[%get3A_859, %get3A_860] {strides = array<i32>} : memref<256x128xf32, #tpu.memory_space<vmem>>, vector<16xf32>,
        %mul3A_862 = arith.mulf %get3A_854, %get3A_861 : vector<16xf32>
        %mul3A_863 = arith.mulf %mul3A_862, %get3A_48 : vector<16xf32>
        %add3A_864 = arith.addf %add3A_796, %mul3A_863 : vector<16xf32>
        %add3A_865 = arith.constant 4 : i32
        %add3A_866 = arith.addi %add3A_100, %add3A_865 : i32
        %add3A_867 = arith.constant 0 : i32
        %add3A_868 = arith.addi %add3A_866, %add3A_867 : i32
        %get3A_869 = arith.index_cast %add3A_868 : i32 to index
        %get3A_870 = arith.constant 48 : index
        %get3A_871 = tpu.vector_load %arg9[%get3A_869, %get3A_870] {strides = array<i32>} : memref<256x128xf32, #tpu.memory_space<vmem>>, vector<16xf32>,
        %add3A_872 = arith.constant 4 : i32
        %add3A_873 = arith.addi %add3A_100, %add3A_872 : i32
        %add3A_874 = arith.constant 0 : i32
        %add3A_875 = arith.addi %add3A_873, %add3A_874 : i32
        %get3A_876 = arith.index_cast %add3A_875 : i32 to index
        %get3A_877 = arith.constant 48 : index
        %get3A_878 = tpu.vector_load %arg10[%get3A_876, %get3A_877] {strides = array<i32>} : memref<256x128xf32, #tpu.memory_space<vmem>>, vector<16xf32>,
        %mul3A_879 = arith.mulf %get3A_871, %get3A_878 : vector<16xf32>
        %mul3A_880 = arith.mulf %mul3A_879, %get3A_50 : vector<16xf32>
        %add3A_881 = arith.addf %add3A_813, %mul3A_880 : vector<16xf32>
        %add3A_882 = arith.constant 4 : i32
        %add3A_883 = arith.addi %add3A_100, %add3A_882 : i32
        %add3A_884 = arith.constant 1 : i32
        %add3A_885 = arith.addi %add3A_883, %add3A_884 : i32
        %get3A_886 = arith.index_cast %add3A_885 : i32 to index
        %get3A_887 = arith.constant 48 : index
        %get3A_888 = tpu.vector_load %arg9[%get3A_886, %get3A_887] {strides = array<i32>} : memref<256x128xf32, #tpu.memory_space<vmem>>, vector<16xf32>,
        %add3A_889 = arith.constant 4 : i32
        %add3A_890 = arith.addi %add3A_100, %add3A_889 : i32
        %add3A_891 = arith.constant 1 : i32
        %add3A_892 = arith.addi %add3A_890, %add3A_891 : i32
        %get3A_893 = arith.index_cast %add3A_892 : i32 to index
        %get3A_894 = arith.constant 48 : index
        %get3A_895 = tpu.vector_load %arg10[%get3A_893, %get3A_894] {strides = array<i32>} : memref<256x128xf32, #tpu.memory_space<vmem>>, vector<16xf32>,
        %mul3A_896 = arith.mulf %get3A_888, %get3A_895 : vector<16xf32>
        %mul3A_897 = arith.mulf %mul3A_896, %get3A_50 : vector<16xf32>
        %add3A_898 = arith.addf %add3A_830, %mul3A_897 : vector<16xf32>
        %add3A_899 = arith.constant 4 : i32
        %add3A_900 = arith.addi %add3A_100, %add3A_899 : i32
        %add3A_901 = arith.constant 2 : i32
        %add3A_902 = arith.addi %add3A_900, %add3A_901 : i32
        %get3A_903 = arith.index_cast %add3A_902 : i32 to index
        %get3A_904 = arith.constant 48 : index
        %get3A_905 = tpu.vector_load %arg9[%get3A_903, %get3A_904] {strides = array<i32>} : memref<256x128xf32, #tpu.memory_space<vmem>>, vector<16xf32>,
        %add3A_906 = arith.constant 4 : i32
        %add3A_907 = arith.addi %add3A_100, %add3A_906 : i32
        %add3A_908 = arith.constant 2 : i32
        %add3A_909 = arith.addi %add3A_907, %add3A_908 : i32
        %get3A_910 = arith.index_cast %add3A_909 : i32 to index
        %get3A_911 = arith.constant 48 : index
        %get3A_912 = tpu.vector_load %arg10[%get3A_910, %get3A_911] {strides = array<i32>} : memref<256x128xf32, #tpu.memory_space<vmem>>, vector<16xf32>,
        %mul3A_913 = arith.mulf %get3A_905, %get3A_912 : vector<16xf32>
        %mul3A_914 = arith.mulf %mul3A_913, %get3A_50 : vector<16xf32>
        %add3A_915 = arith.addf %add3A_847, %mul3A_914 : vector<16xf32>
        %add3A_916 = arith.constant 4 : i32
        %add3A_917 = arith.addi %add3A_100, %add3A_916 : i32
        %add3A_918 = arith.constant 3 : i32
        %add3A_919 = arith.addi %add3A_917, %add3A_918 : i32
        %get3A_920 = arith.index_cast %add3A_919 : i32 to index
        %get3A_921 = arith.constant 48 : index
        %get3A_922 = tpu.vector_load %arg9[%get3A_920, %get3A_921] {strides = array<i32>} : memref<256x128xf32, #tpu.memory_space<vmem>>, vector<16xf32>,
        %add3A_923 = arith.constant 4 : i32
        %add3A_924 = arith.addi %add3A_100, %add3A_923 : i32
        %add3A_925 = arith.constant 3 : i32
        %add3A_926 = arith.addi %add3A_924, %add3A_925 : i32
        %get3A_927 = arith.index_cast %add3A_926 : i32 to index
        %get3A_928 = arith.constant 48 : index
        %get3A_929 = tpu.vector_load %arg10[%get3A_927, %get3A_928] {strides = array<i32>} : memref<256x128xf32, #tpu.memory_space<vmem>>, vector<16xf32>,
        %mul3A_930 = arith.mulf %get3A_922, %get3A_929 : vector<16xf32>
        %mul3A_931 = arith.mulf %mul3A_930, %get3A_50 : vector<16xf32>
        %add3A_932 = arith.addf %add3A_864, %mul3A_931 : vector<16xf32>
        %add3A_933 = arith.constant 4 : i32
        %add3A_934 = arith.addi %add3A_100, %add3A_933 : i32
        %add3A_935 = arith.constant 0 : i32
        %add3A_936 = arith.addi %add3A_934, %add3A_935 : i32
        %get3A_937 = arith.index_cast %add3A_936 : i32 to index
        %get3A_938 = arith.constant 64 : index
        %get3A_939 = tpu.vector_load %arg9[%get3A_937, %get3A_938] {strides = array<i32>} : memref<256x128xf32, #tpu.memory_space<vmem>>, vector<16xf32>,
        %add3A_940 = arith.constant 4 : i32
        %add3A_941 = arith.addi %add3A_100, %add3A_940 : i32
        %add3A_942 = arith.constant 0 : i32
        %add3A_943 = arith.addi %add3A_941, %add3A_942 : i32
        %get3A_944 = arith.index_cast %add3A_943 : i32 to index
        %get3A_945 = arith.constant 64 : index
        %get3A_946 = tpu.vector_load %arg10[%get3A_944, %get3A_945] {strides = array<i32>} : memref<256x128xf32, #tpu.memory_space<vmem>>, vector<16xf32>,
        %mul3A_947 = arith.mulf %get3A_939, %get3A_946 : vector<16xf32>
        %mul3A_948 = arith.mulf %mul3A_947, %get3A_52 : vector<16xf32>
        %add3A_949 = arith.addf %add3A_881, %mul3A_948 : vector<16xf32>
        %add3A_950 = arith.constant 4 : i32
        %add3A_951 = arith.addi %add3A_100, %add3A_950 : i32
        %add3A_952 = arith.constant 1 : i32
        %add3A_953 = arith.addi %add3A_951, %add3A_952 : i32
        %get3A_954 = arith.index_cast %add3A_953 : i32 to index
        %get3A_955 = arith.constant 64 : index
        %get3A_956 = tpu.vector_load %arg9[%get3A_954, %get3A_955] {strides = array<i32>} : memref<256x128xf32, #tpu.memory_space<vmem>>, vector<16xf32>,
        %add3A_957 = arith.constant 4 : i32
        %add3A_958 = arith.addi %add3A_100, %add3A_957 : i32
        %add3A_959 = arith.constant 1 : i32
        %add3A_960 = arith.addi %add3A_958, %add3A_959 : i32
        %get3A_961 = arith.index_cast %add3A_960 : i32 to index
        %get3A_962 = arith.constant 64 : index
        %get3A_963 = tpu.vector_load %arg10[%get3A_961, %get3A_962] {strides = array<i32>} : memref<256x128xf32, #tpu.memory_space<vmem>>, vector<16xf32>,
        %mul3A_964 = arith.mulf %get3A_956, %get3A_963 : vector<16xf32>
        %mul3A_965 = arith.mulf %mul3A_964, %get3A_52 : vector<16xf32>
        %add3A_966 = arith.addf %add3A_898, %mul3A_965 : vector<16xf32>
        %add3A_967 = arith.constant 4 : i32
        %add3A_968 = arith.addi %add3A_100, %add3A_967 : i32
        %add3A_969 = arith.constant 2 : i32
        %add3A_970 = arith.addi %add3A_968, %add3A_969 : i32
        %get3A_971 = arith.index_cast %add3A_970 : i32 to index
        %get3A_972 = arith.constant 64 : index
        %get3A_973 = tpu.vector_load %arg9[%get3A_971, %get3A_972] {strides = array<i32>} : memref<256x128xf32, #tpu.memory_space<vmem>>, vector<16xf32>,
        %add3A_974 = arith.constant 4 : i32
        %add3A_975 = arith.addi %add3A_100, %add3A_974 : i32
        %add3A_976 = arith.constant 2 : i32
        %add3A_977 = arith.addi %add3A_975, %add3A_976 : i32
        %get3A_978 = arith.index_cast %add3A_977 : i32 to index
        %get3A_979 = arith.constant 64 : index
        %get3A_980 = tpu.vector_load %arg10[%get3A_978, %get3A_979] {strides = array<i32>} : memref<256x128xf32, #tpu.memory_space<vmem>>, vector<16xf32>,
        %mul3A_981 = arith.mulf %get3A_973, %get3A_980 : vector<16xf32>
        %mul3A_982 = arith.mulf %mul3A_981, %get3A_52 : vector<16xf32>
        %add3A_983 = arith.addf %add3A_915, %mul3A_982 : vector<16xf32>
        %add3A_984 = arith.constant 4 : i32
        %add3A_985 = arith.addi %add3A_100, %add3A_984 : i32
        %add3A_986 = arith.constant 3 : i32
        %add3A_987 = arith.addi %add3A_985, %add3A_986 : i32
        %get3A_988 = arith.index_cast %add3A_987 : i32 to index
        %get3A_989 = arith.constant 64 : index
        %get3A_990 = tpu.vector_load %arg9[%get3A_988, %get3A_989] {strides = array<i32>} : memref<256x128xf32, #tpu.memory_space<vmem>>, vector<16xf32>,
        %add3A_991 = arith.constant 4 : i32
        %add3A_992 = arith.addi %add3A_100, %add3A_991 : i32
        %add3A_993 = arith.constant 3 : i32
        %add3A_994 = arith.addi %add3A_992, %add3A_993 : i32
        %get3A_995 = arith.index_cast %add3A_994 : i32 to index
        %get3A_996 = arith.constant 64 : index
        %get3A_997 = tpu.vector_load %arg10[%get3A_995, %get3A_996] {strides = array<i32>} : memref<256x128xf32, #tpu.memory_space<vmem>>, vector<16xf32>,
        %mul3A_998 = arith.mulf %get3A_990, %get3A_997 : vector<16xf32>
        %mul3A_999 = arith.mulf %mul3A_998, %get3A_52 : vector<16xf32>
        %add3A_1000 = arith.addf %add3A_932, %mul3A_999 : vector<16xf32>
        %add3A_1001 = arith.constant 4 : i32
        %add3A_1002 = arith.addi %add3A_100, %add3A_1001 : i32
        %add3A_1003 = arith.constant 0 : i32
        %add3A_1004 = arith.addi %add3A_1002, %add3A_1003 : i32
        %get3A_1005 = arith.index_cast %add3A_1004 : i32 to index
        %get3A_1006 = arith.constant 80 : index
        %get3A_1007 = tpu.vector_load %arg9[%get3A_1005, %get3A_1006] {strides = array<i32>} : memref<256x128xf32, #tpu.memory_space<vmem>>, vector<16xf32>,
        %add3A_1008 = arith.constant 4 : i32
        %add3A_1009 = arith.addi %add3A_100, %add3A_1008 : i32
        %add3A_1010 = arith.constant 0 : i32
        %add3A_1011 = arith.addi %add3A_1009, %add3A_1010 : i32
        %get3A_1012 = arith.index_cast %add3A_1011 : i32 to index
        %get3A_1013 = arith.constant 80 : index
        %get3A_1014 = tpu.vector_load %arg10[%get3A_1012, %get3A_1013] {strides = array<i32>} : memref<256x128xf32, #tpu.memory_space<vmem>>, vector<16xf32>,
        %mul3A_1015 = arith.mulf %get3A_1007, %get3A_1014 : vector<16xf32>
        %mul3A_1016 = arith.mulf %mul3A_1015, %get3A_54 : vector<16xf32>
        %add3A_1017 = arith.addf %add3A_949, %mul3A_1016 : vector<16xf32>
        %add3A_1018 = arith.constant 4 : i32
        %add3A_1019 = arith.addi %add3A_100, %add3A_1018 : i32
        %add3A_1020 = arith.constant 1 : i32
        %add3A_1021 = arith.addi %add3A_1019, %add3A_1020 : i32
        %get3A_1022 = arith.index_cast %add3A_1021 : i32 to index
        %get3A_1023 = arith.constant 80 : index
        %get3A_1024 = tpu.vector_load %arg9[%get3A_1022, %get3A_1023] {strides = array<i32>} : memref<256x128xf32, #tpu.memory_space<vmem>>, vector<16xf32>,
        %add3A_1025 = arith.constant 4 : i32
        %add3A_1026 = arith.addi %add3A_100, %add3A_1025 : i32
        %add3A_1027 = arith.constant 1 : i32
        %add3A_1028 = arith.addi %add3A_1026, %add3A_1027 : i32
        %get3A_1029 = arith.index_cast %add3A_1028 : i32 to index
        %get3A_1030 = arith.constant 80 : index
        %get3A_1031 = tpu.vector_load %arg10[%get3A_1029, %get3A_1030] {strides = array<i32>} : memref<256x128xf32, #tpu.memory_space<vmem>>, vector<16xf32>,
        %mul3A_1032 = arith.mulf %get3A_1024, %get3A_1031 : vector<16xf32>
        %mul3A_1033 = arith.mulf %mul3A_1032, %get3A_54 : vector<16xf32>
        %add3A_1034 = arith.addf %add3A_966, %mul3A_1033 : vector<16xf32>
        %add3A_1035 = arith.constant 4 : i32
        %add3A_1036 = arith.addi %add3A_100, %add3A_1035 : i32
        %add3A_1037 = arith.constant 2 : i32
        %add3A_1038 = arith.addi %add3A_1036, %add3A_1037 : i32
        %get3A_1039 = arith.index_cast %add3A_1038 : i32 to index
        %get3A_1040 = arith.constant 80 : index
        %get3A_1041 = tpu.vector_load %arg9[%get3A_1039, %get3A_1040] {strides = array<i32>} : memref<256x128xf32, #tpu.memory_space<vmem>>, vector<16xf32>,
        %add3A_1042 = arith.constant 4 : i32
        %add3A_1043 = arith.addi %add3A_100, %add3A_1042 : i32
        %add3A_1044 = arith.constant 2 : i32
        %add3A_1045 = arith.addi %add3A_1043, %add3A_1044 : i32
        %get3A_1046 = arith.index_cast %add3A_1045 : i32 to index
        %get3A_1047 = arith.constant 80 : index
        %get3A_1048 = tpu.vector_load %arg10[%get3A_1046, %get3A_1047] {strides = array<i32>} : memref<256x128xf32, #tpu.memory_space<vmem>>, vector<16xf32>,
        %mul3A_1049 = arith.mulf %get3A_1041, %get3A_1048 : vector<16xf32>
        %mul3A_1050 = arith.mulf %mul3A_1049, %get3A_54 : vector<16xf32>
        %add3A_1051 = arith.addf %add3A_983, %mul3A_1050 : vector<16xf32>
        %add3A_1052 = arith.constant 4 : i32
        %add3A_1053 = arith.addi %add3A_100, %add3A_1052 : i32
        %add3A_1054 = arith.constant 3 : i32
        %add3A_1055 = arith.addi %add3A_1053, %add3A_1054 : i32
        %get3A_1056 = arith.index_cast %add3A_1055 : i32 to index
        %get3A_1057 = arith.constant 80 : index
        %get3A_1058 = tpu.vector_load %arg9[%get3A_1056, %get3A_1057] {strides = array<i32>} : memref<256x128xf32, #tpu.memory_space<vmem>>, vector<16xf32>,
        %add3A_1059 = arith.constant 4 : i32
        %add3A_1060 = arith.addi %add3A_100, %add3A_1059 : i32
        %add3A_1061 = arith.constant 3 : i32
        %add3A_1062 = arith.addi %add3A_1060, %add3A_1061 : i32
        %get3A_1063 = arith.index_cast %add3A_1062 : i32 to index
        %get3A_1064 = arith.constant 80 : index
        %get3A_1065 = tpu.vector_load %arg10[%get3A_1063, %get3A_1064] {strides = array<i32>} : memref<256x128xf32, #tpu.memory_space<vmem>>, vector<16xf32>,
        %mul3A_1066 = arith.mulf %get3A_1058, %get3A_1065 : vector<16xf32>
        %mul3A_1067 = arith.mulf %mul3A_1066, %get3A_54 : vector<16xf32>
        %add3A_1068 = arith.addf %add3A_1000, %mul3A_1067 : vector<16xf32>
        %add3A_1069 = arith.constant 4 : i32
        %add3A_1070 = arith.addi %add3A_100, %add3A_1069 : i32
        %add3A_1071 = arith.constant 0 : i32
        %add3A_1072 = arith.addi %add3A_1070, %add3A_1071 : i32
        %get3A_1073 = arith.index_cast %add3A_1072 : i32 to index
        %get3A_1074 = arith.constant 96 : index
        %get3A_1075 = tpu.vector_load %arg9[%get3A_1073, %get3A_1074] {strides = array<i32>} : memref<256x128xf32, #tpu.memory_space<vmem>>, vector<16xf32>,
        %add3A_1076 = arith.constant 4 : i32
        %add3A_1077 = arith.addi %add3A_100, %add3A_1076 : i32
        %add3A_1078 = arith.constant 0 : i32
        %add3A_1079 = arith.addi %add3A_1077, %add3A_1078 : i32
        %get3A_1080 = arith.index_cast %add3A_1079 : i32 to index
        %get3A_1081 = arith.constant 96 : index
        %get3A_1082 = tpu.vector_load %arg10[%get3A_1080, %get3A_1081] {strides = array<i32>} : memref<256x128xf32, #tpu.memory_space<vmem>>, vector<16xf32>,
        %mul3A_1083 = arith.mulf %get3A_1075, %get3A_1082 : vector<16xf32>
        %mul3A_1084 = arith.mulf %mul3A_1083, %get3A_56 : vector<16xf32>
        %add3A_1085 = arith.addf %add3A_1017, %mul3A_1084 : vector<16xf32>
        %add3A_1086 = arith.constant 4 : i32
        %add3A_1087 = arith.addi %add3A_100, %add3A_1086 : i32
        %add3A_1088 = arith.constant 1 : i32
        %add3A_1089 = arith.addi %add3A_1087, %add3A_1088 : i32
        %get3A_1090 = arith.index_cast %add3A_1089 : i32 to index
        %get3A_1091 = arith.constant 96 : index
        %get3A_1092 = tpu.vector_load %arg9[%get3A_1090, %get3A_1091] {strides = array<i32>} : memref<256x128xf32, #tpu.memory_space<vmem>>, vector<16xf32>,
        %add3A_1093 = arith.constant 4 : i32
        %add3A_1094 = arith.addi %add3A_100, %add3A_1093 : i32
        %add3A_1095 = arith.constant 1 : i32
        %add3A_1096 = arith.addi %add3A_1094, %add3A_1095 : i32
        %get3A_1097 = arith.index_cast %add3A_1096 : i32 to index
        %get3A_1098 = arith.constant 96 : index
        %get3A_1099 = tpu.vector_load %arg10[%get3A_1097, %get3A_1098] {strides = array<i32>} : memref<256x128xf32, #tpu.memory_space<vmem>>, vector<16xf32>,
        %mul3A_1100 = arith.mulf %get3A_1092, %get3A_1099 : vector<16xf32>
        %mul3A_1101 = arith.mulf %mul3A_1100, %get3A_56 : vector<16xf32>
        %add3A_1102 = arith.addf %add3A_1034, %mul3A_1101 : vector<16xf32>
        %add3A_1103 = arith.constant 4 : i32
        %add3A_1104 = arith.addi %add3A_100, %add3A_1103 : i32
        %add3A_1105 = arith.constant 2 : i32
        %add3A_1106 = arith.addi %add3A_1104, %add3A_1105 : i32
        %get3A_1107 = arith.index_cast %add3A_1106 : i32 to index
        %get3A_1108 = arith.constant 96 : index
        %get3A_1109 = tpu.vector_load %arg9[%get3A_1107, %get3A_1108] {strides = array<i32>} : memref<256x128xf32, #tpu.memory_space<vmem>>, vector<16xf32>,
        %add3A_1110 = arith.constant 4 : i32
        %add3A_1111 = arith.addi %add3A_100, %add3A_1110 : i32
        %add3A_1112 = arith.constant 2 : i32
        %add3A_1113 = arith.addi %add3A_1111, %add3A_1112 : i32
        %get3A_1114 = arith.index_cast %add3A_1113 : i32 to index
        %get3A_1115 = arith.constant 96 : index
        %get3A_1116 = tpu.vector_load %arg10[%get3A_1114, %get3A_1115] {strides = array<i32>} : memref<256x128xf32, #tpu.memory_space<vmem>>, vector<16xf32>,
        %mul3A_1117 = arith.mulf %get3A_1109, %get3A_1116 : vector<16xf32>
        %mul3A_1118 = arith.mulf %mul3A_1117, %get3A_56 : vector<16xf32>
        %add3A_1119 = arith.addf %add3A_1051, %mul3A_1118 : vector<16xf32>
        %add3A_1120 = arith.constant 4 : i32
        %add3A_1121 = arith.addi %add3A_100, %add3A_1120 : i32
        %add3A_1122 = arith.constant 3 : i32
        %add3A_1123 = arith.addi %add3A_1121, %add3A_1122 : i32
        %get3A_1124 = arith.index_cast %add3A_1123 : i32 to index
        %get3A_1125 = arith.constant 96 : index
        %get3A_1126 = tpu.vector_load %arg9[%get3A_1124, %get3A_1125] {strides = array<i32>} : memref<256x128xf32, #tpu.memory_space<vmem>>, vector<16xf32>,
        %add3A_1127 = arith.constant 4 : i32
        %add3A_1128 = arith.addi %add3A_100, %add3A_1127 : i32
        %add3A_1129 = arith.constant 3 : i32
        %add3A_1130 = arith.addi %add3A_1128, %add3A_1129 : i32
        %get3A_1131 = arith.index_cast %add3A_1130 : i32 to index
        %get3A_1132 = arith.constant 96 : index
        %get3A_1133 = tpu.vector_load %arg10[%get3A_1131, %get3A_1132] {strides = array<i32>} : memref<256x128xf32, #tpu.memory_space<vmem>>, vector<16xf32>,
        %mul3A_1134 = arith.mulf %get3A_1126, %get3A_1133 : vector<16xf32>
        %mul3A_1135 = arith.mulf %mul3A_1134, %get3A_56 : vector<16xf32>
        %add3A_1136 = arith.addf %add3A_1068, %mul3A_1135 : vector<16xf32>
        %add3A_1137 = arith.constant 4 : i32
        %add3A_1138 = arith.addi %add3A_100, %add3A_1137 : i32
        %add3A_1139 = arith.constant 0 : i32
        %add3A_1140 = arith.addi %add3A_1138, %add3A_1139 : i32
        %get3A_1141 = arith.index_cast %add3A_1140 : i32 to index
        %get3A_1142 = arith.constant 112 : index
        %get3A_1143 = tpu.vector_load %arg9[%get3A_1141, %get3A_1142] {strides = array<i32>} : memref<256x128xf32, #tpu.memory_space<vmem>>, vector<16xf32>,
        %add3A_1144 = arith.constant 4 : i32
        %add3A_1145 = arith.addi %add3A_100, %add3A_1144 : i32
        %add3A_1146 = arith.constant 0 : i32
        %add3A_1147 = arith.addi %add3A_1145, %add3A_1146 : i32
        %get3A_1148 = arith.index_cast %add3A_1147 : i32 to index
        %get3A_1149 = arith.constant 112 : index
        %get3A_1150 = tpu.vector_load %arg10[%get3A_1148, %get3A_1149] {strides = array<i32>} : memref<256x128xf32, #tpu.memory_space<vmem>>, vector<16xf32>,
        %mul3A_1151 = arith.mulf %get3A_1143, %get3A_1150 : vector<16xf32>
        %mul3A_1152 = arith.mulf %mul3A_1151, %get3A_58 : vector<16xf32>
        %add3A_1153 = arith.addf %add3A_1085, %mul3A_1152 : vector<16xf32>
        %add3A_1154 = arith.constant 4 : i32
        %add3A_1155 = arith.addi %add3A_100, %add3A_1154 : i32
        %add3A_1156 = arith.constant 1 : i32
        %add3A_1157 = arith.addi %add3A_1155, %add3A_1156 : i32
        %get3A_1158 = arith.index_cast %add3A_1157 : i32 to index
        %get3A_1159 = arith.constant 112 : index
        %get3A_1160 = tpu.vector_load %arg9[%get3A_1158, %get3A_1159] {strides = array<i32>} : memref<256x128xf32, #tpu.memory_space<vmem>>, vector<16xf32>,
        %add3A_1161 = arith.constant 4 : i32
        %add3A_1162 = arith.addi %add3A_100, %add3A_1161 : i32
        %add3A_1163 = arith.constant 1 : i32
        %add3A_1164 = arith.addi %add3A_1162, %add3A_1163 : i32
        %get3A_1165 = arith.index_cast %add3A_1164 : i32 to index
        %get3A_1166 = arith.constant 112 : index
        %get3A_1167 = tpu.vector_load %arg10[%get3A_1165, %get3A_1166] {strides = array<i32>} : memref<256x128xf32, #tpu.memory_space<vmem>>, vector<16xf32>,
        %mul3A_1168 = arith.mulf %get3A_1160, %get3A_1167 : vector<16xf32>
        %mul3A_1169 = arith.mulf %mul3A_1168, %get3A_58 : vector<16xf32>
        %add3A_1170 = arith.addf %add3A_1102, %mul3A_1169 : vector<16xf32>
        %add3A_1171 = arith.constant 4 : i32
        %add3A_1172 = arith.addi %add3A_100, %add3A_1171 : i32
        %add3A_1173 = arith.constant 2 : i32
        %add3A_1174 = arith.addi %add3A_1172, %add3A_1173 : i32
        %get3A_1175 = arith.index_cast %add3A_1174 : i32 to index
        %get3A_1176 = arith.constant 112 : index
        %get3A_1177 = tpu.vector_load %arg9[%get3A_1175, %get3A_1176] {strides = array<i32>} : memref<256x128xf32, #tpu.memory_space<vmem>>, vector<16xf32>,
        %add3A_1178 = arith.constant 4 : i32
        %add3A_1179 = arith.addi %add3A_100, %add3A_1178 : i32
        %add3A_1180 = arith.constant 2 : i32
        %add3A_1181 = arith.addi %add3A_1179, %add3A_1180 : i32
        %get3A_1182 = arith.index_cast %add3A_1181 : i32 to index
        %get3A_1183 = arith.constant 112 : index
        %get3A_1184 = tpu.vector_load %arg10[%get3A_1182, %get3A_1183] {strides = array<i32>} : memref<256x128xf32, #tpu.memory_space<vmem>>, vector<16xf32>,
        %mul3A_1185 = arith.mulf %get3A_1177, %get3A_1184 : vector<16xf32>
        %mul3A_1186 = arith.mulf %mul3A_1185, %get3A_58 : vector<16xf32>
        %add3A_1187 = arith.addf %add3A_1119, %mul3A_1186 : vector<16xf32>
        %add3A_1188 = arith.constant 4 : i32
        %add3A_1189 = arith.addi %add3A_100, %add3A_1188 : i32
        %add3A_1190 = arith.constant 3 : i32
        %add3A_1191 = arith.addi %add3A_1189, %add3A_1190 : i32
        %get3A_1192 = arith.index_cast %add3A_1191 : i32 to index
        %get3A_1193 = arith.constant 112 : index
        %get3A_1194 = tpu.vector_load %arg9[%get3A_1192, %get3A_1193] {strides = array<i32>} : memref<256x128xf32, #tpu.memory_space<vmem>>, vector<16xf32>,
        %add3A_1195 = arith.constant 4 : i32
        %add3A_1196 = arith.addi %add3A_100, %add3A_1195 : i32
        %add3A_1197 = arith.constant 3 : i32
        %add3A_1198 = arith.addi %add3A_1196, %add3A_1197 : i32
        %get3A_1199 = arith.index_cast %add3A_1198 : i32 to index
        %get3A_1200 = arith.constant 112 : index
        %get3A_1201 = tpu.vector_load %arg10[%get3A_1199, %get3A_1200] {strides = array<i32>} : memref<256x128xf32, #tpu.memory_space<vmem>>, vector<16xf32>,
        %mul3A_1202 = arith.mulf %get3A_1194, %get3A_1201 : vector<16xf32>
        %mul3A_1203 = arith.mulf %mul3A_1202, %get3A_58 : vector<16xf32>
        %add3A_1204 = arith.addf %add3A_1136, %mul3A_1203 : vector<16xf32>
        %add3A_1205 = arith.constant 4 : i32
        %add3A_1206 = vector.broadcast %add3A_1205 : i32 to vector<16xi32>
        %add3A_1207 = arith.addi %mul3A_11, %add3A_1206 : vector<16xi32>
        %add3A_1208 = arith.constant 0 : i32
        %add3A_1209 = vector.broadcast %add3A_1208 : i32 to vector<16xi32>
        %add3A_1210 = arith.addi %add3A_1207, %add3A_1209 : vector<16xi32>
        tpu.vector_store_idx %arg13[%add3A_1210], %add3A_1153 : memref<272xf32, #tpu.memory_space<vmem>>[vector<16xi32>], vector<16xf32>,
        %add3A_1211 = arith.constant 4 : i32
        %add3A_1212 = vector.broadcast %add3A_1211 : i32 to vector<16xi32>
        %add3A_1213 = arith.addi %mul3A_11, %add3A_1212 : vector<16xi32>
        %add3A_1214 = arith.constant 1 : i32
        %add3A_1215 = vector.broadcast %add3A_1214 : i32 to vector<16xi32>
        %add3A_1216 = arith.addi %add3A_1213, %add3A_1215 : vector<16xi32>
        tpu.vector_store_idx %arg13[%add3A_1216], %add3A_1170 : memref<272xf32, #tpu.memory_space<vmem>>[vector<16xi32>], vector<16xf32>,
        %add3A_1217 = arith.constant 4 : i32
        %add3A_1218 = vector.broadcast %add3A_1217 : i32 to vector<16xi32>
        %add3A_1219 = arith.addi %mul3A_11, %add3A_1218 : vector<16xi32>
        %add3A_1220 = arith.constant 2 : i32
        %add3A_1221 = vector.broadcast %add3A_1220 : i32 to vector<16xi32>
        %add3A_1222 = arith.addi %add3A_1219, %add3A_1221 : vector<16xi32>
        tpu.vector_store_idx %arg13[%add3A_1222], %add3A_1187 : memref<272xf32, #tpu.memory_space<vmem>>[vector<16xi32>], vector<16xf32>,
        %add3A_1223 = arith.constant 4 : i32
        %add3A_1224 = vector.broadcast %add3A_1223 : i32 to vector<16xi32>
        %add3A_1225 = arith.addi %mul3A_11, %add3A_1224 : vector<16xi32>
        %add3A_1226 = arith.constant 3 : i32
        %add3A_1227 = vector.broadcast %add3A_1226 : i32 to vector<16xi32>
        %add3A_1228 = arith.addi %add3A_1225, %add3A_1227 : vector<16xi32>
        tpu.vector_store_idx %arg13[%add3A_1228], %add3A_1204 : memref<272xf32, #tpu.memory_space<vmem>>[vector<16xi32>], vector<16xf32>,
        %add3A_1229 = arith.constant 8 : i32
        %add3A_1230 = arith.addi %add3A_100, %add3A_1229 : i32
        %add3A_1231 = arith.constant 0 : i32
        %add3A_1232 = arith.addi %add3A_1230, %add3A_1231 : i32
        %get3A_1233 = arith.index_cast %add3A_1232 : i32 to index
        %get3A_1234 = arith.constant 0 : index
        %get3A_1235 = tpu.vector_load %arg9[%get3A_1233, %get3A_1234] {strides = array<i32>} : memref<256x128xf32, #tpu.memory_space<vmem>>, vector<16xf32>,
        %add3A_1236 = arith.constant 8 : i32
        %add3A_1237 = arith.addi %add3A_100, %add3A_1236 : i32
        %add3A_1238 = arith.constant 0 : i32
        %add3A_1239 = arith.addi %add3A_1237, %add3A_1238 : i32
        %get3A_1240 = arith.index_cast %add3A_1239 : i32 to index
        %get3A_1241 = arith.constant 0 : index
        %get3A_1242 = tpu.vector_load %arg10[%get3A_1240, %get3A_1241] {strides = array<i32>} : memref<256x128xf32, #tpu.memory_space<vmem>>, vector<16xf32>,
        %mul3A_1243 = arith.mulf %get3A_1235, %get3A_1242 : vector<16xf32>
        %mul3A_1244 = arith.mulf %mul3A_1243, %get3A_44 : vector<16xf32>
        %add3A_1245 = arith.constant 8 : i32
        %add3A_1246 = arith.addi %add3A_100, %add3A_1245 : i32
        %add3A_1247 = arith.constant 1 : i32
        %add3A_1248 = arith.addi %add3A_1246, %add3A_1247 : i32
        %get3A_1249 = arith.index_cast %add3A_1248 : i32 to index
        %get3A_1250 = arith.constant 0 : index
        %get3A_1251 = tpu.vector_load %arg9[%get3A_1249, %get3A_1250] {strides = array<i32>} : memref<256x128xf32, #tpu.memory_space<vmem>>, vector<16xf32>,
        %add3A_1252 = arith.constant 8 : i32
        %add3A_1253 = arith.addi %add3A_100, %add3A_1252 : i32
        %add3A_1254 = arith.constant 1 : i32
        %add3A_1255 = arith.addi %add3A_1253, %add3A_1254 : i32
        %get3A_1256 = arith.index_cast %add3A_1255 : i32 to index
        %get3A_1257 = arith.constant 0 : index
        %get3A_1258 = tpu.vector_load %arg10[%get3A_1256, %get3A_1257] {strides = array<i32>} : memref<256x128xf32, #tpu.memory_space<vmem>>, vector<16xf32>,
        %mul3A_1259 = arith.mulf %get3A_1251, %get3A_1258 : vector<16xf32>
        %mul3A_1260 = arith.mulf %mul3A_1259, %get3A_44 : vector<16xf32>
        %add3A_1261 = arith.constant 8 : i32
        %add3A_1262 = arith.addi %add3A_100, %add3A_1261 : i32
        %add3A_1263 = arith.constant 2 : i32
        %add3A_1264 = arith.addi %add3A_1262, %add3A_1263 : i32
        %get3A_1265 = arith.index_cast %add3A_1264 : i32 to index
        %get3A_1266 = arith.constant 0 : index
        %get3A_1267 = tpu.vector_load %arg9[%get3A_1265, %get3A_1266] {strides = array<i32>} : memref<256x128xf32, #tpu.memory_space<vmem>>, vector<16xf32>,
        %add3A_1268 = arith.constant 8 : i32
        %add3A_1269 = arith.addi %add3A_100, %add3A_1268 : i32
        %add3A_1270 = arith.constant 2 : i32
        %add3A_1271 = arith.addi %add3A_1269, %add3A_1270 : i32
        %get3A_1272 = arith.index_cast %add3A_1271 : i32 to index
        %get3A_1273 = arith.constant 0 : index
        %get3A_1274 = tpu.vector_load %arg10[%get3A_1272, %get3A_1273] {strides = array<i32>} : memref<256x128xf32, #tpu.memory_space<vmem>>, vector<16xf32>,
        %mul3A_1275 = arith.mulf %get3A_1267, %get3A_1274 : vector<16xf32>
        %mul3A_1276 = arith.mulf %mul3A_1275, %get3A_44 : vector<16xf32>
        %add3A_1277 = arith.constant 8 : i32
        %add3A_1278 = arith.addi %add3A_100, %add3A_1277 : i32
        %add3A_1279 = arith.constant 3 : i32
        %add3A_1280 = arith.addi %add3A_1278, %add3A_1279 : i32
        %get3A_1281 = arith.index_cast %add3A_1280 : i32 to index
        %get3A_1282 = arith.constant 0 : index
        %get3A_1283 = tpu.vector_load %arg9[%get3A_1281, %get3A_1282] {strides = array<i32>} : memref<256x128xf32, #tpu.memory_space<vmem>>, vector<16xf32>,
        %add3A_1284 = arith.constant 8 : i32
        %add3A_1285 = arith.addi %add3A_100, %add3A_1284 : i32
        %add3A_1286 = arith.constant 3 : i32
        %add3A_1287 = arith.addi %add3A_1285, %add3A_1286 : i32
        %get3A_1288 = arith.index_cast %add3A_1287 : i32 to index
        %get3A_1289 = arith.constant 0 : index
        %get3A_1290 = tpu.vector_load %arg10[%get3A_1288, %get3A_1289] {strides = array<i32>} : memref<256x128xf32, #tpu.memory_space<vmem>>, vector<16xf32>,
        %mul3A_1291 = arith.mulf %get3A_1283, %get3A_1290 : vector<16xf32>
        %mul3A_1292 = arith.mulf %mul3A_1291, %get3A_44 : vector<16xf32>
        %add3A_1293 = arith.constant 8 : i32
        %add3A_1294 = arith.addi %add3A_100, %add3A_1293 : i32
        %add3A_1295 = arith.constant 0 : i32
        %add3A_1296 = arith.addi %add3A_1294, %add3A_1295 : i32
        %get3A_1297 = arith.index_cast %add3A_1296 : i32 to index
        %get3A_1298 = arith.constant 16 : index
        %get3A_1299 = tpu.vector_load %arg9[%get3A_1297, %get3A_1298] {strides = array<i32>} : memref<256x128xf32, #tpu.memory_space<vmem>>, vector<16xf32>,
        %add3A_1300 = arith.constant 8 : i32
        %add3A_1301 = arith.addi %add3A_100, %add3A_1300 : i32
        %add3A_1302 = arith.constant 0 : i32
        %add3A_1303 = arith.addi %add3A_1301, %add3A_1302 : i32
        %get3A_1304 = arith.index_cast %add3A_1303 : i32 to index
        %get3A_1305 = arith.constant 16 : index
        %get3A_1306 = tpu.vector_load %arg10[%get3A_1304, %get3A_1305] {strides = array<i32>} : memref<256x128xf32, #tpu.memory_space<vmem>>, vector<16xf32>,
        %mul3A_1307 = arith.mulf %get3A_1299, %get3A_1306 : vector<16xf32>
        %mul3A_1308 = arith.mulf %mul3A_1307, %get3A_46 : vector<16xf32>
        %add3A_1309 = arith.addf %mul3A_1244, %mul3A_1308 : vector<16xf32>
        %add3A_1310 = arith.constant 8 : i32
        %add3A_1311 = arith.addi %add3A_100, %add3A_1310 : i32
        %add3A_1312 = arith.constant 1 : i32
        %add3A_1313 = arith.addi %add3A_1311, %add3A_1312 : i32
        %get3A_1314 = arith.index_cast %add3A_1313 : i32 to index
        %get3A_1315 = arith.constant 16 : index
        %get3A_1316 = tpu.vector_load %arg9[%get3A_1314, %get3A_1315] {strides = array<i32>} : memref<256x128xf32, #tpu.memory_space<vmem>>, vector<16xf32>,
        %add3A_1317 = arith.constant 8 : i32
        %add3A_1318 = arith.addi %add3A_100, %add3A_1317 : i32
        %add3A_1319 = arith.constant 1 : i32
        %add3A_1320 = arith.addi %add3A_1318, %add3A_1319 : i32
        %get3A_1321 = arith.index_cast %add3A_1320 : i32 to index
        %get3A_1322 = arith.constant 16 : index
        %get3A_1323 = tpu.vector_load %arg10[%get3A_1321, %get3A_1322] {strides = array<i32>} : memref<256x128xf32, #tpu.memory_space<vmem>>, vector<16xf32>,
        %mul3A_1324 = arith.mulf %get3A_1316, %get3A_1323 : vector<16xf32>
        %mul3A_1325 = arith.mulf %mul3A_1324, %get3A_46 : vector<16xf32>
        %add3A_1326 = arith.addf %mul3A_1260, %mul3A_1325 : vector<16xf32>
        %add3A_1327 = arith.constant 8 : i32
        %add3A_1328 = arith.addi %add3A_100, %add3A_1327 : i32
        %add3A_1329 = arith.constant 2 : i32
        %add3A_1330 = arith.addi %add3A_1328, %add3A_1329 : i32
        %get3A_1331 = arith.index_cast %add3A_1330 : i32 to index
        %get3A_1332 = arith.constant 16 : index
        %get3A_1333 = tpu.vector_load %arg9[%get3A_1331, %get3A_1332] {strides = array<i32>} : memref<256x128xf32, #tpu.memory_space<vmem>>, vector<16xf32>,
        %add3A_1334 = arith.constant 8 : i32
        %add3A_1335 = arith.addi %add3A_100, %add3A_1334 : i32
        %add3A_1336 = arith.constant 2 : i32
        %add3A_1337 = arith.addi %add3A_1335, %add3A_1336 : i32
        %get3A_1338 = arith.index_cast %add3A_1337 : i32 to index
        %get3A_1339 = arith.constant 16 : index
        %get3A_1340 = tpu.vector_load %arg10[%get3A_1338, %get3A_1339] {strides = array<i32>} : memref<256x128xf32, #tpu.memory_space<vmem>>, vector<16xf32>,
        %mul3A_1341 = arith.mulf %get3A_1333, %get3A_1340 : vector<16xf32>
        %mul3A_1342 = arith.mulf %mul3A_1341, %get3A_46 : vector<16xf32>
        %add3A_1343 = arith.addf %mul3A_1276, %mul3A_1342 : vector<16xf32>
        %add3A_1344 = arith.constant 8 : i32
        %add3A_1345 = arith.addi %add3A_100, %add3A_1344 : i32
        %add3A_1346 = arith.constant 3 : i32
        %add3A_1347 = arith.addi %add3A_1345, %add3A_1346 : i32
        %get3A_1348 = arith.index_cast %add3A_1347 : i32 to index
        %get3A_1349 = arith.constant 16 : index
        %get3A_1350 = tpu.vector_load %arg9[%get3A_1348, %get3A_1349] {strides = array<i32>} : memref<256x128xf32, #tpu.memory_space<vmem>>, vector<16xf32>,
        %add3A_1351 = arith.constant 8 : i32
        %add3A_1352 = arith.addi %add3A_100, %add3A_1351 : i32
        %add3A_1353 = arith.constant 3 : i32
        %add3A_1354 = arith.addi %add3A_1352, %add3A_1353 : i32
        %get3A_1355 = arith.index_cast %add3A_1354 : i32 to index
        %get3A_1356 = arith.constant 16 : index
        %get3A_1357 = tpu.vector_load %arg10[%get3A_1355, %get3A_1356] {strides = array<i32>} : memref<256x128xf32, #tpu.memory_space<vmem>>, vector<16xf32>,
        %mul3A_1358 = arith.mulf %get3A_1350, %get3A_1357 : vector<16xf32>
        %mul3A_1359 = arith.mulf %mul3A_1358, %get3A_46 : vector<16xf32>
        %add3A_1360 = arith.addf %mul3A_1292, %mul3A_1359 : vector<16xf32>
        %add3A_1361 = arith.constant 8 : i32
        %add3A_1362 = arith.addi %add3A_100, %add3A_1361 : i32
        %add3A_1363 = arith.constant 0 : i32
        %add3A_1364 = arith.addi %add3A_1362, %add3A_1363 : i32
        %get3A_1365 = arith.index_cast %add3A_1364 : i32 to index
        %get3A_1366 = arith.constant 32 : index
        %get3A_1367 = tpu.vector_load %arg9[%get3A_1365, %get3A_1366] {strides = array<i32>} : memref<256x128xf32, #tpu.memory_space<vmem>>, vector<16xf32>,
        %add3A_1368 = arith.constant 8 : i32
        %add3A_1369 = arith.addi %add3A_100, %add3A_1368 : i32
        %add3A_1370 = arith.constant 0 : i32
        %add3A_1371 = arith.addi %add3A_1369, %add3A_1370 : i32
        %get3A_1372 = arith.index_cast %add3A_1371 : i32 to index
        %get3A_1373 = arith.constant 32 : index
        %get3A_1374 = tpu.vector_load %arg10[%get3A_1372, %get3A_1373] {strides = array<i32>} : memref<256x128xf32, #tpu.memory_space<vmem>>, vector<16xf32>,
        %mul3A_1375 = arith.mulf %get3A_1367, %get3A_1374 : vector<16xf32>
        %mul3A_1376 = arith.mulf %mul3A_1375, %get3A_48 : vector<16xf32>
        %add3A_1377 = arith.addf %add3A_1309, %mul3A_1376 : vector<16xf32>
        %add3A_1378 = arith.constant 8 : i32
        %add3A_1379 = arith.addi %add3A_100, %add3A_1378 : i32
        %add3A_1380 = arith.constant 1 : i32
        %add3A_1381 = arith.addi %add3A_1379, %add3A_1380 : i32
        %get3A_1382 = arith.index_cast %add3A_1381 : i32 to index
        %get3A_1383 = arith.constant 32 : index
        %get3A_1384 = tpu.vector_load %arg9[%get3A_1382, %get3A_1383] {strides = array<i32>} : memref<256x128xf32, #tpu.memory_space<vmem>>, vector<16xf32>,
        %add3A_1385 = arith.constant 8 : i32
        %add3A_1386 = arith.addi %add3A_100, %add3A_1385 : i32
        %add3A_1387 = arith.constant 1 : i32
        %add3A_1388 = arith.addi %add3A_1386, %add3A_1387 : i32
        %get3A_1389 = arith.index_cast %add3A_1388 : i32 to index
        %get3A_1390 = arith.constant 32 : index
        %get3A_1391 = tpu.vector_load %arg10[%get3A_1389, %get3A_1390] {strides = array<i32>} : memref<256x128xf32, #tpu.memory_space<vmem>>, vector<16xf32>,
        %mul3A_1392 = arith.mulf %get3A_1384, %get3A_1391 : vector<16xf32>
        %mul3A_1393 = arith.mulf %mul3A_1392, %get3A_48 : vector<16xf32>
        %add3A_1394 = arith.addf %add3A_1326, %mul3A_1393 : vector<16xf32>
        %add3A_1395 = arith.constant 8 : i32
        %add3A_1396 = arith.addi %add3A_100, %add3A_1395 : i32
        %add3A_1397 = arith.constant 2 : i32
        %add3A_1398 = arith.addi %add3A_1396, %add3A_1397 : i32
        %get3A_1399 = arith.index_cast %add3A_1398 : i32 to index
        %get3A_1400 = arith.constant 32 : index
        %get3A_1401 = tpu.vector_load %arg9[%get3A_1399, %get3A_1400] {strides = array<i32>} : memref<256x128xf32, #tpu.memory_space<vmem>>, vector<16xf32>,
        %add3A_1402 = arith.constant 8 : i32
        %add3A_1403 = arith.addi %add3A_100, %add3A_1402 : i32
        %add3A_1404 = arith.constant 2 : i32
        %add3A_1405 = arith.addi %add3A_1403, %add3A_1404 : i32
        %get3A_1406 = arith.index_cast %add3A_1405 : i32 to index
        %get3A_1407 = arith.constant 32 : index
        %get3A_1408 = tpu.vector_load %arg10[%get3A_1406, %get3A_1407] {strides = array<i32>} : memref<256x128xf32, #tpu.memory_space<vmem>>, vector<16xf32>,
        %mul3A_1409 = arith.mulf %get3A_1401, %get3A_1408 : vector<16xf32>
        %mul3A_1410 = arith.mulf %mul3A_1409, %get3A_48 : vector<16xf32>
        %add3A_1411 = arith.addf %add3A_1343, %mul3A_1410 : vector<16xf32>
        %add3A_1412 = arith.constant 8 : i32
        %add3A_1413 = arith.addi %add3A_100, %add3A_1412 : i32
        %add3A_1414 = arith.constant 3 : i32
        %add3A_1415 = arith.addi %add3A_1413, %add3A_1414 : i32
        %get3A_1416 = arith.index_cast %add3A_1415 : i32 to index
        %get3A_1417 = arith.constant 32 : index
        %get3A_1418 = tpu.vector_load %arg9[%get3A_1416, %get3A_1417] {strides = array<i32>} : memref<256x128xf32, #tpu.memory_space<vmem>>, vector<16xf32>,
        %add3A_1419 = arith.constant 8 : i32
        %add3A_1420 = arith.addi %add3A_100, %add3A_1419 : i32
        %add3A_1421 = arith.constant 3 : i32
        %add3A_1422 = arith.addi %add3A_1420, %add3A_1421 : i32
        %get3A_1423 = arith.index_cast %add3A_1422 : i32 to index
        %get3A_1424 = arith.constant 32 : index
        %get3A_1425 = tpu.vector_load %arg10[%get3A_1423, %get3A_1424] {strides = array<i32>} : memref<256x128xf32, #tpu.memory_space<vmem>>, vector<16xf32>,
        %mul3A_1426 = arith.mulf %get3A_1418, %get3A_1425 : vector<16xf32>
        %mul3A_1427 = arith.mulf %mul3A_1426, %get3A_48 : vector<16xf32>
        %add3A_1428 = arith.addf %add3A_1360, %mul3A_1427 : vector<16xf32>
        %add3A_1429 = arith.constant 8 : i32
        %add3A_1430 = arith.addi %add3A_100, %add3A_1429 : i32
        %add3A_1431 = arith.constant 0 : i32
        %add3A_1432 = arith.addi %add3A_1430, %add3A_1431 : i32
        %get3A_1433 = arith.index_cast %add3A_1432 : i32 to index
        %get3A_1434 = arith.constant 48 : index
        %get3A_1435 = tpu.vector_load %arg9[%get3A_1433, %get3A_1434] {strides = array<i32>} : memref<256x128xf32, #tpu.memory_space<vmem>>, vector<16xf32>,
        %add3A_1436 = arith.constant 8 : i32
        %add3A_1437 = arith.addi %add3A_100, %add3A_1436 : i32
        %add3A_1438 = arith.constant 0 : i32
        %add3A_1439 = arith.addi %add3A_1437, %add3A_1438 : i32
        %get3A_1440 = arith.index_cast %add3A_1439 : i32 to index
        %get3A_1441 = arith.constant 48 : index
        %get3A_1442 = tpu.vector_load %arg10[%get3A_1440, %get3A_1441] {strides = array<i32>} : memref<256x128xf32, #tpu.memory_space<vmem>>, vector<16xf32>,
        %mul3A_1443 = arith.mulf %get3A_1435, %get3A_1442 : vector<16xf32>
        %mul3A_1444 = arith.mulf %mul3A_1443, %get3A_50 : vector<16xf32>
        %add3A_1445 = arith.addf %add3A_1377, %mul3A_1444 : vector<16xf32>
        %add3A_1446 = arith.constant 8 : i32
        %add3A_1447 = arith.addi %add3A_100, %add3A_1446 : i32
        %add3A_1448 = arith.constant 1 : i32
        %add3A_1449 = arith.addi %add3A_1447, %add3A_1448 : i32
        %get3A_1450 = arith.index_cast %add3A_1449 : i32 to index
        %get3A_1451 = arith.constant 48 : index
        %get3A_1452 = tpu.vector_load %arg9[%get3A_1450, %get3A_1451] {strides = array<i32>} : memref<256x128xf32, #tpu.memory_space<vmem>>, vector<16xf32>,
        %add3A_1453 = arith.constant 8 : i32
        %add3A_1454 = arith.addi %add3A_100, %add3A_1453 : i32
        %add3A_1455 = arith.constant 1 : i32
        %add3A_1456 = arith.addi %add3A_1454, %add3A_1455 : i32
        %get3A_1457 = arith.index_cast %add3A_1456 : i32 to index
        %get3A_1458 = arith.constant 48 : index
        %get3A_1459 = tpu.vector_load %arg10[%get3A_1457, %get3A_1458] {strides = array<i32>} : memref<256x128xf32, #tpu.memory_space<vmem>>, vector<16xf32>,
        %mul3A_1460 = arith.mulf %get3A_1452, %get3A_1459 : vector<16xf32>
        %mul3A_1461 = arith.mulf %mul3A_1460, %get3A_50 : vector<16xf32>
        %add3A_1462 = arith.addf %add3A_1394, %mul3A_1461 : vector<16xf32>
        %add3A_1463 = arith.constant 8 : i32
        %add3A_1464 = arith.addi %add3A_100, %add3A_1463 : i32
        %add3A_1465 = arith.constant 2 : i32
        %add3A_1466 = arith.addi %add3A_1464, %add3A_1465 : i32
        %get3A_1467 = arith.index_cast %add3A_1466 : i32 to index
        %get3A_1468 = arith.constant 48 : index
        %get3A_1469 = tpu.vector_load %arg9[%get3A_1467, %get3A_1468] {strides = array<i32>} : memref<256x128xf32, #tpu.memory_space<vmem>>, vector<16xf32>,
        %add3A_1470 = arith.constant 8 : i32
        %add3A_1471 = arith.addi %add3A_100, %add3A_1470 : i32
        %add3A_1472 = arith.constant 2 : i32
        %add3A_1473 = arith.addi %add3A_1471, %add3A_1472 : i32
        %get3A_1474 = arith.index_cast %add3A_1473 : i32 to index
        %get3A_1475 = arith.constant 48 : index
        %get3A_1476 = tpu.vector_load %arg10[%get3A_1474, %get3A_1475] {strides = array<i32>} : memref<256x128xf32, #tpu.memory_space<vmem>>, vector<16xf32>,
        %mul3A_1477 = arith.mulf %get3A_1469, %get3A_1476 : vector<16xf32>
        %mul3A_1478 = arith.mulf %mul3A_1477, %get3A_50 : vector<16xf32>
        %add3A_1479 = arith.addf %add3A_1411, %mul3A_1478 : vector<16xf32>
        %add3A_1480 = arith.constant 8 : i32
        %add3A_1481 = arith.addi %add3A_100, %add3A_1480 : i32
        %add3A_1482 = arith.constant 3 : i32
        %add3A_1483 = arith.addi %add3A_1481, %add3A_1482 : i32
        %get3A_1484 = arith.index_cast %add3A_1483 : i32 to index
        %get3A_1485 = arith.constant 48 : index
        %get3A_1486 = tpu.vector_load %arg9[%get3A_1484, %get3A_1485] {strides = array<i32>} : memref<256x128xf32, #tpu.memory_space<vmem>>, vector<16xf32>,
        %add3A_1487 = arith.constant 8 : i32
        %add3A_1488 = arith.addi %add3A_100, %add3A_1487 : i32
        %add3A_1489 = arith.constant 3 : i32
        %add3A_1490 = arith.addi %add3A_1488, %add3A_1489 : i32
        %get3A_1491 = arith.index_cast %add3A_1490 : i32 to index
        %get3A_1492 = arith.constant 48 : index
        %get3A_1493 = tpu.vector_load %arg10[%get3A_1491, %get3A_1492] {strides = array<i32>} : memref<256x128xf32, #tpu.memory_space<vmem>>, vector<16xf32>,
        %mul3A_1494 = arith.mulf %get3A_1486, %get3A_1493 : vector<16xf32>
        %mul3A_1495 = arith.mulf %mul3A_1494, %get3A_50 : vector<16xf32>
        %add3A_1496 = arith.addf %add3A_1428, %mul3A_1495 : vector<16xf32>
        %add3A_1497 = arith.constant 8 : i32
        %add3A_1498 = arith.addi %add3A_100, %add3A_1497 : i32
        %add3A_1499 = arith.constant 0 : i32
        %add3A_1500 = arith.addi %add3A_1498, %add3A_1499 : i32
        %get3A_1501 = arith.index_cast %add3A_1500 : i32 to index
        %get3A_1502 = arith.constant 64 : index
        %get3A_1503 = tpu.vector_load %arg9[%get3A_1501, %get3A_1502] {strides = array<i32>} : memref<256x128xf32, #tpu.memory_space<vmem>>, vector<16xf32>,
        %add3A_1504 = arith.constant 8 : i32
        %add3A_1505 = arith.addi %add3A_100, %add3A_1504 : i32
        %add3A_1506 = arith.constant 0 : i32
        %add3A_1507 = arith.addi %add3A_1505, %add3A_1506 : i32
        %get3A_1508 = arith.index_cast %add3A_1507 : i32 to index
        %get3A_1509 = arith.constant 64 : index
        %get3A_1510 = tpu.vector_load %arg10[%get3A_1508, %get3A_1509] {strides = array<i32>} : memref<256x128xf32, #tpu.memory_space<vmem>>, vector<16xf32>,
        %mul3A_1511 = arith.mulf %get3A_1503, %get3A_1510 : vector<16xf32>
        %mul3A_1512 = arith.mulf %mul3A_1511, %get3A_52 : vector<16xf32>
        %add3A_1513 = arith.addf %add3A_1445, %mul3A_1512 : vector<16xf32>
        %add3A_1514 = arith.constant 8 : i32
        %add3A_1515 = arith.addi %add3A_100, %add3A_1514 : i32
        %add3A_1516 = arith.constant 1 : i32
        %add3A_1517 = arith.addi %add3A_1515, %add3A_1516 : i32
        %get3A_1518 = arith.index_cast %add3A_1517 : i32 to index
        %get3A_1519 = arith.constant 64 : index
        %get3A_1520 = tpu.vector_load %arg9[%get3A_1518, %get3A_1519] {strides = array<i32>} : memref<256x128xf32, #tpu.memory_space<vmem>>, vector<16xf32>,
        %add3A_1521 = arith.constant 8 : i32
        %add3A_1522 = arith.addi %add3A_100, %add3A_1521 : i32
        %add3A_1523 = arith.constant 1 : i32
        %add3A_1524 = arith.addi %add3A_1522, %add3A_1523 : i32
        %get3A_1525 = arith.index_cast %add3A_1524 : i32 to index
        %get3A_1526 = arith.constant 64 : index
        %get3A_1527 = tpu.vector_load %arg10[%get3A_1525, %get3A_1526] {strides = array<i32>} : memref<256x128xf32, #tpu.memory_space<vmem>>, vector<16xf32>,
        %mul3A_1528 = arith.mulf %get3A_1520, %get3A_1527 : vector<16xf32>
        %mul3A_1529 = arith.mulf %mul3A_1528, %get3A_52 : vector<16xf32>
        %add3A_1530 = arith.addf %add3A_1462, %mul3A_1529 : vector<16xf32>
        %add3A_1531 = arith.constant 8 : i32
        %add3A_1532 = arith.addi %add3A_100, %add3A_1531 : i32
        %add3A_1533 = arith.constant 2 : i32
        %add3A_1534 = arith.addi %add3A_1532, %add3A_1533 : i32
        %get3A_1535 = arith.index_cast %add3A_1534 : i32 to index
        %get3A_1536 = arith.constant 64 : index
        %get3A_1537 = tpu.vector_load %arg9[%get3A_1535, %get3A_1536] {strides = array<i32>} : memref<256x128xf32, #tpu.memory_space<vmem>>, vector<16xf32>,
        %add3A_1538 = arith.constant 8 : i32
        %add3A_1539 = arith.addi %add3A_100, %add3A_1538 : i32
        %add3A_1540 = arith.constant 2 : i32
        %add3A_1541 = arith.addi %add3A_1539, %add3A_1540 : i32
        %get3A_1542 = arith.index_cast %add3A_1541 : i32 to index
        %get3A_1543 = arith.constant 64 : index
        %get3A_1544 = tpu.vector_load %arg10[%get3A_1542, %get3A_1543] {strides = array<i32>} : memref<256x128xf32, #tpu.memory_space<vmem>>, vector<16xf32>,
        %mul3A_1545 = arith.mulf %get3A_1537, %get3A_1544 : vector<16xf32>
        %mul3A_1546 = arith.mulf %mul3A_1545, %get3A_52 : vector<16xf32>
        %add3A_1547 = arith.addf %add3A_1479, %mul3A_1546 : vector<16xf32>
        %add3A_1548 = arith.constant 8 : i32
        %add3A_1549 = arith.addi %add3A_100, %add3A_1548 : i32
        %add3A_1550 = arith.constant 3 : i32
        %add3A_1551 = arith.addi %add3A_1549, %add3A_1550 : i32
        %get3A_1552 = arith.index_cast %add3A_1551 : i32 to index
        %get3A_1553 = arith.constant 64 : index
        %get3A_1554 = tpu.vector_load %arg9[%get3A_1552, %get3A_1553] {strides = array<i32>} : memref<256x128xf32, #tpu.memory_space<vmem>>, vector<16xf32>,
        %add3A_1555 = arith.constant 8 : i32
        %add3A_1556 = arith.addi %add3A_100, %add3A_1555 : i32
        %add3A_1557 = arith.constant 3 : i32
        %add3A_1558 = arith.addi %add3A_1556, %add3A_1557 : i32
        %get3A_1559 = arith.index_cast %add3A_1558 : i32 to index
        %get3A_1560 = arith.constant 64 : index
        %get3A_1561 = tpu.vector_load %arg10[%get3A_1559, %get3A_1560] {strides = array<i32>} : memref<256x128xf32, #tpu.memory_space<vmem>>, vector<16xf32>,
        %mul3A_1562 = arith.mulf %get3A_1554, %get3A_1561 : vector<16xf32>
        %mul3A_1563 = arith.mulf %mul3A_1562, %get3A_52 : vector<16xf32>
        %add3A_1564 = arith.addf %add3A_1496, %mul3A_1563 : vector<16xf32>
        %add3A_1565 = arith.constant 8 : i32
        %add3A_1566 = arith.addi %add3A_100, %add3A_1565 : i32
        %add3A_1567 = arith.constant 0 : i32
        %add3A_1568 = arith.addi %add3A_1566, %add3A_1567 : i32
        %get3A_1569 = arith.index_cast %add3A_1568 : i32 to index
        %get3A_1570 = arith.constant 80 : index
        %get3A_1571 = tpu.vector_load %arg9[%get3A_1569, %get3A_1570] {strides = array<i32>} : memref<256x128xf32, #tpu.memory_space<vmem>>, vector<16xf32>,
        %add3A_1572 = arith.constant 8 : i32
        %add3A_1573 = arith.addi %add3A_100, %add3A_1572 : i32
        %add3A_1574 = arith.constant 0 : i32
        %add3A_1575 = arith.addi %add3A_1573, %add3A_1574 : i32
        %get3A_1576 = arith.index_cast %add3A_1575 : i32 to index
        %get3A_1577 = arith.constant 80 : index
        %get3A_1578 = tpu.vector_load %arg10[%get3A_1576, %get3A_1577] {strides = array<i32>} : memref<256x128xf32, #tpu.memory_space<vmem>>, vector<16xf32>,
        %mul3A_1579 = arith.mulf %get3A_1571, %get3A_1578 : vector<16xf32>
        %mul3A_1580 = arith.mulf %mul3A_1579, %get3A_54 : vector<16xf32>
        %add3A_1581 = arith.addf %add3A_1513, %mul3A_1580 : vector<16xf32>
        %add3A_1582 = arith.constant 8 : i32
        %add3A_1583 = arith.addi %add3A_100, %add3A_1582 : i32
        %add3A_1584 = arith.constant 1 : i32
        %add3A_1585 = arith.addi %add3A_1583, %add3A_1584 : i32
        %get3A_1586 = arith.index_cast %add3A_1585 : i32 to index
        %get3A_1587 = arith.constant 80 : index
        %get3A_1588 = tpu.vector_load %arg9[%get3A_1586, %get3A_1587] {strides = array<i32>} : memref<256x128xf32, #tpu.memory_space<vmem>>, vector<16xf32>,
        %add3A_1589 = arith.constant 8 : i32
        %add3A_1590 = arith.addi %add3A_100, %add3A_1589 : i32
        %add3A_1591 = arith.constant 1 : i32
        %add3A_1592 = arith.addi %add3A_1590, %add3A_1591 : i32
        %get3A_1593 = arith.index_cast %add3A_1592 : i32 to index
        %get3A_1594 = arith.constant 80 : index
        %get3A_1595 = tpu.vector_load %arg10[%get3A_1593, %get3A_1594] {strides = array<i32>} : memref<256x128xf32, #tpu.memory_space<vmem>>, vector<16xf32>,
        %mul3A_1596 = arith.mulf %get3A_1588, %get3A_1595 : vector<16xf32>
        %mul3A_1597 = arith.mulf %mul3A_1596, %get3A_54 : vector<16xf32>
        %add3A_1598 = arith.addf %add3A_1530, %mul3A_1597 : vector<16xf32>
        %add3A_1599 = arith.constant 8 : i32
        %add3A_1600 = arith.addi %add3A_100, %add3A_1599 : i32
        %add3A_1601 = arith.constant 2 : i32
        %add3A_1602 = arith.addi %add3A_1600, %add3A_1601 : i32
        %get3A_1603 = arith.index_cast %add3A_1602 : i32 to index
        %get3A_1604 = arith.constant 80 : index
        %get3A_1605 = tpu.vector_load %arg9[%get3A_1603, %get3A_1604] {strides = array<i32>} : memref<256x128xf32, #tpu.memory_space<vmem>>, vector<16xf32>,
        %add3A_1606 = arith.constant 8 : i32
        %add3A_1607 = arith.addi %add3A_100, %add3A_1606 : i32
        %add3A_1608 = arith.constant 2 : i32
        %add3A_1609 = arith.addi %add3A_1607, %add3A_1608 : i32
        %get3A_1610 = arith.index_cast %add3A_1609 : i32 to index
        %get3A_1611 = arith.constant 80 : index
        %get3A_1612 = tpu.vector_load %arg10[%get3A_1610, %get3A_1611] {strides = array<i32>} : memref<256x128xf32, #tpu.memory_space<vmem>>, vector<16xf32>,
        %mul3A_1613 = arith.mulf %get3A_1605, %get3A_1612 : vector<16xf32>
        %mul3A_1614 = arith.mulf %mul3A_1613, %get3A_54 : vector<16xf32>
        %add3A_1615 = arith.addf %add3A_1547, %mul3A_1614 : vector<16xf32>
        %add3A_1616 = arith.constant 8 : i32
        %add3A_1617 = arith.addi %add3A_100, %add3A_1616 : i32
        %add3A_1618 = arith.constant 3 : i32
        %add3A_1619 = arith.addi %add3A_1617, %add3A_1618 : i32
        %get3A_1620 = arith.index_cast %add3A_1619 : i32 to index
        %get3A_1621 = arith.constant 80 : index
        %get3A_1622 = tpu.vector_load %arg9[%get3A_1620, %get3A_1621] {strides = array<i32>} : memref<256x128xf32, #tpu.memory_space<vmem>>, vector<16xf32>,
        %add3A_1623 = arith.constant 8 : i32
        %add3A_1624 = arith.addi %add3A_100, %add3A_1623 : i32
        %add3A_1625 = arith.constant 3 : i32
        %add3A_1626 = arith.addi %add3A_1624, %add3A_1625 : i32
        %get3A_1627 = arith.index_cast %add3A_1626 : i32 to index
        %get3A_1628 = arith.constant 80 : index
        %get3A_1629 = tpu.vector_load %arg10[%get3A_1627, %get3A_1628] {strides = array<i32>} : memref<256x128xf32, #tpu.memory_space<vmem>>, vector<16xf32>,
        %mul3A_1630 = arith.mulf %get3A_1622, %get3A_1629 : vector<16xf32>
        %mul3A_1631 = arith.mulf %mul3A_1630, %get3A_54 : vector<16xf32>
        %add3A_1632 = arith.addf %add3A_1564, %mul3A_1631 : vector<16xf32>
        %add3A_1633 = arith.constant 8 : i32
        %add3A_1634 = arith.addi %add3A_100, %add3A_1633 : i32
        %add3A_1635 = arith.constant 0 : i32
        %add3A_1636 = arith.addi %add3A_1634, %add3A_1635 : i32
        %get3A_1637 = arith.index_cast %add3A_1636 : i32 to index
        %get3A_1638 = arith.constant 96 : index
        %get3A_1639 = tpu.vector_load %arg9[%get3A_1637, %get3A_1638] {strides = array<i32>} : memref<256x128xf32, #tpu.memory_space<vmem>>, vector<16xf32>,
        %add3A_1640 = arith.constant 8 : i32
        %add3A_1641 = arith.addi %add3A_100, %add3A_1640 : i32
        %add3A_1642 = arith.constant 0 : i32
        %add3A_1643 = arith.addi %add3A_1641, %add3A_1642 : i32
        %get3A_1644 = arith.index_cast %add3A_1643 : i32 to index
        %get3A_1645 = arith.constant 96 : index
        %get3A_1646 = tpu.vector_load %arg10[%get3A_1644, %get3A_1645] {strides = array<i32>} : memref<256x128xf32, #tpu.memory_space<vmem>>, vector<16xf32>,
        %mul3A_1647 = arith.mulf %get3A_1639, %get3A_1646 : vector<16xf32>
        %mul3A_1648 = arith.mulf %mul3A_1647, %get3A_56 : vector<16xf32>
        %add3A_1649 = arith.addf %add3A_1581, %mul3A_1648 : vector<16xf32>
        %add3A_1650 = arith.constant 8 : i32
        %add3A_1651 = arith.addi %add3A_100, %add3A_1650 : i32
        %add3A_1652 = arith.constant 1 : i32
        %add3A_1653 = arith.addi %add3A_1651, %add3A_1652 : i32
        %get3A_1654 = arith.index_cast %add3A_1653 : i32 to index
        %get3A_1655 = arith.constant 96 : index
        %get3A_1656 = tpu.vector_load %arg9[%get3A_1654, %get3A_1655] {strides = array<i32>} : memref<256x128xf32, #tpu.memory_space<vmem>>, vector<16xf32>,
        %add3A_1657 = arith.constant 8 : i32
        %add3A_1658 = arith.addi %add3A_100, %add3A_1657 : i32
        %add3A_1659 = arith.constant 1 : i32
        %add3A_1660 = arith.addi %add3A_1658, %add3A_1659 : i32
        %get3A_1661 = arith.index_cast %add3A_1660 : i32 to index
        %get3A_1662 = arith.constant 96 : index
        %get3A_1663 = tpu.vector_load %arg10[%get3A_1661, %get3A_1662] {strides = array<i32>} : memref<256x128xf32, #tpu.memory_space<vmem>>, vector<16xf32>,
        %mul3A_1664 = arith.mulf %get3A_1656, %get3A_1663 : vector<16xf32>
        %mul3A_1665 = arith.mulf %mul3A_1664, %get3A_56 : vector<16xf32>
        %add3A_1666 = arith.addf %add3A_1598, %mul3A_1665 : vector<16xf32>
        %add3A_1667 = arith.constant 8 : i32
        %add3A_1668 = arith.addi %add3A_100, %add3A_1667 : i32
        %add3A_1669 = arith.constant 2 : i32
        %add3A_1670 = arith.addi %add3A_1668, %add3A_1669 : i32
        %get3A_1671 = arith.index_cast %add3A_1670 : i32 to index
        %get3A_1672 = arith.constant 96 : index
        %get3A_1673 = tpu.vector_load %arg9[%get3A_1671, %get3A_1672] {strides = array<i32>} : memref<256x128xf32, #tpu.memory_space<vmem>>, vector<16xf32>,
        %add3A_1674 = arith.constant 8 : i32
        %add3A_1675 = arith.addi %add3A_100, %add3A_1674 : i32
        %add3A_1676 = arith.constant 2 : i32
        %add3A_1677 = arith.addi %add3A_1675, %add3A_1676 : i32
        %get3A_1678 = arith.index_cast %add3A_1677 : i32 to index
        %get3A_1679 = arith.constant 96 : index
        %get3A_1680 = tpu.vector_load %arg10[%get3A_1678, %get3A_1679] {strides = array<i32>} : memref<256x128xf32, #tpu.memory_space<vmem>>, vector<16xf32>,
        %mul3A_1681 = arith.mulf %get3A_1673, %get3A_1680 : vector<16xf32>
        %mul3A_1682 = arith.mulf %mul3A_1681, %get3A_56 : vector<16xf32>
        %add3A_1683 = arith.addf %add3A_1615, %mul3A_1682 : vector<16xf32>
        %add3A_1684 = arith.constant 8 : i32
        %add3A_1685 = arith.addi %add3A_100, %add3A_1684 : i32
        %add3A_1686 = arith.constant 3 : i32
        %add3A_1687 = arith.addi %add3A_1685, %add3A_1686 : i32
        %get3A_1688 = arith.index_cast %add3A_1687 : i32 to index
        %get3A_1689 = arith.constant 96 : index
        %get3A_1690 = tpu.vector_load %arg9[%get3A_1688, %get3A_1689] {strides = array<i32>} : memref<256x128xf32, #tpu.memory_space<vmem>>, vector<16xf32>,
        %add3A_1691 = arith.constant 8 : i32
        %add3A_1692 = arith.addi %add3A_100, %add3A_1691 : i32
        %add3A_1693 = arith.constant 3 : i32
        %add3A_1694 = arith.addi %add3A_1692, %add3A_1693 : i32
        %get3A_1695 = arith.index_cast %add3A_1694 : i32 to index
        %get3A_1696 = arith.constant 96 : index
        %get3A_1697 = tpu.vector_load %arg10[%get3A_1695, %get3A_1696] {strides = array<i32>} : memref<256x128xf32, #tpu.memory_space<vmem>>, vector<16xf32>,
        %mul3A_1698 = arith.mulf %get3A_1690, %get3A_1697 : vector<16xf32>
        %mul3A_1699 = arith.mulf %mul3A_1698, %get3A_56 : vector<16xf32>
        %add3A_1700 = arith.addf %add3A_1632, %mul3A_1699 : vector<16xf32>
        %add3A_1701 = arith.constant 8 : i32
        %add3A_1702 = arith.addi %add3A_100, %add3A_1701 : i32
        %add3A_1703 = arith.constant 0 : i32
        %add3A_1704 = arith.addi %add3A_1702, %add3A_1703 : i32
        %get3A_1705 = arith.index_cast %add3A_1704 : i32 to index
        %get3A_1706 = arith.constant 112 : index
        %get3A_1707 = tpu.vector_load %arg9[%get3A_1705, %get3A_1706] {strides = array<i32>} : memref<256x128xf32, #tpu.memory_space<vmem>>, vector<16xf32>,
        %add3A_1708 = arith.constant 8 : i32
        %add3A_1709 = arith.addi %add3A_100, %add3A_1708 : i32
        %add3A_1710 = arith.constant 0 : i32
        %add3A_1711 = arith.addi %add3A_1709, %add3A_1710 : i32
        %get3A_1712 = arith.index_cast %add3A_1711 : i32 to index
        %get3A_1713 = arith.constant 112 : index
        %get3A_1714 = tpu.vector_load %arg10[%get3A_1712, %get3A_1713] {strides = array<i32>} : memref<256x128xf32, #tpu.memory_space<vmem>>, vector<16xf32>,
        %mul3A_1715 = arith.mulf %get3A_1707, %get3A_1714 : vector<16xf32>
        %mul3A_1716 = arith.mulf %mul3A_1715, %get3A_58 : vector<16xf32>
        %add3A_1717 = arith.addf %add3A_1649, %mul3A_1716 : vector<16xf32>
        %add3A_1718 = arith.constant 8 : i32
        %add3A_1719 = arith.addi %add3A_100, %add3A_1718 : i32
        %add3A_1720 = arith.constant 1 : i32
        %add3A_1721 = arith.addi %add3A_1719, %add3A_1720 : i32
        %get3A_1722 = arith.index_cast %add3A_1721 : i32 to index
        %get3A_1723 = arith.constant 112 : index
        %get3A_1724 = tpu.vector_load %arg9[%get3A_1722, %get3A_1723] {strides = array<i32>} : memref<256x128xf32, #tpu.memory_space<vmem>>, vector<16xf32>,
        %add3A_1725 = arith.constant 8 : i32
        %add3A_1726 = arith.addi %add3A_100, %add3A_1725 : i32
        %add3A_1727 = arith.constant 1 : i32
        %add3A_1728 = arith.addi %add3A_1726, %add3A_1727 : i32
        %get3A_1729 = arith.index_cast %add3A_1728 : i32 to index
        %get3A_1730 = arith.constant 112 : index
        %get3A_1731 = tpu.vector_load %arg10[%get3A_1729, %get3A_1730] {strides = array<i32>} : memref<256x128xf32, #tpu.memory_space<vmem>>, vector<16xf32>,
        %mul3A_1732 = arith.mulf %get3A_1724, %get3A_1731 : vector<16xf32>
        %mul3A_1733 = arith.mulf %mul3A_1732, %get3A_58 : vector<16xf32>
        %add3A_1734 = arith.addf %add3A_1666, %mul3A_1733 : vector<16xf32>
        %add3A_1735 = arith.constant 8 : i32
        %add3A_1736 = arith.addi %add3A_100, %add3A_1735 : i32
        %add3A_1737 = arith.constant 2 : i32
        %add3A_1738 = arith.addi %add3A_1736, %add3A_1737 : i32
        %get3A_1739 = arith.index_cast %add3A_1738 : i32 to index
        %get3A_1740 = arith.constant 112 : index
        %get3A_1741 = tpu.vector_load %arg9[%get3A_1739, %get3A_1740] {strides = array<i32>} : memref<256x128xf32, #tpu.memory_space<vmem>>, vector<16xf32>,
        %add3A_1742 = arith.constant 8 : i32
        %add3A_1743 = arith.addi %add3A_100, %add3A_1742 : i32
        %add3A_1744 = arith.constant 2 : i32
        %add3A_1745 = arith.addi %add3A_1743, %add3A_1744 : i32
        %get3A_1746 = arith.index_cast %add3A_1745 : i32 to index
        %get3A_1747 = arith.constant 112 : index
        %get3A_1748 = tpu.vector_load %arg10[%get3A_1746, %get3A_1747] {strides = array<i32>} : memref<256x128xf32, #tpu.memory_space<vmem>>, vector<16xf32>,
        %mul3A_1749 = arith.mulf %get3A_1741, %get3A_1748 : vector<16xf32>
        %mul3A_1750 = arith.mulf %mul3A_1749, %get3A_58 : vector<16xf32>
        %add3A_1751 = arith.addf %add3A_1683, %mul3A_1750 : vector<16xf32>
        %add3A_1752 = arith.constant 8 : i32
        %add3A_1753 = arith.addi %add3A_100, %add3A_1752 : i32
        %add3A_1754 = arith.constant 3 : i32
        %add3A_1755 = arith.addi %add3A_1753, %add3A_1754 : i32
        %get3A_1756 = arith.index_cast %add3A_1755 : i32 to index
        %get3A_1757 = arith.constant 112 : index
        %get3A_1758 = tpu.vector_load %arg9[%get3A_1756, %get3A_1757] {strides = array<i32>} : memref<256x128xf32, #tpu.memory_space<vmem>>, vector<16xf32>,
        %add3A_1759 = arith.constant 8 : i32
        %add3A_1760 = arith.addi %add3A_100, %add3A_1759 : i32
        %add3A_1761 = arith.constant 3 : i32
        %add3A_1762 = arith.addi %add3A_1760, %add3A_1761 : i32
        %get3A_1763 = arith.index_cast %add3A_1762 : i32 to index
        %get3A_1764 = arith.constant 112 : index
        %get3A_1765 = tpu.vector_load %arg10[%get3A_1763, %get3A_1764] {strides = array<i32>} : memref<256x128xf32, #tpu.memory_space<vmem>>, vector<16xf32>,
        %mul3A_1766 = arith.mulf %get3A_1758, %get3A_1765 : vector<16xf32>
        %mul3A_1767 = arith.mulf %mul3A_1766, %get3A_58 : vector<16xf32>
        %add3A_1768 = arith.addf %add3A_1700, %mul3A_1767 : vector<16xf32>
        %add3A_1769 = arith.constant 8 : i32
        %add3A_1770 = vector.broadcast %add3A_1769 : i32 to vector<16xi32>
        %add3A_1771 = arith.addi %mul3A_11, %add3A_1770 : vector<16xi32>
        %add3A_1772 = arith.constant 0 : i32
        %add3A_1773 = vector.broadcast %add3A_1772 : i32 to vector<16xi32>
        %add3A_1774 = arith.addi %add3A_1771, %add3A_1773 : vector<16xi32>
        tpu.vector_store_idx %arg13[%add3A_1774], %add3A_1717 : memref<272xf32, #tpu.memory_space<vmem>>[vector<16xi32>], vector<16xf32>,
        %add3A_1775 = arith.constant 8 : i32
        %add3A_1776 = vector.broadcast %add3A_1775 : i32 to vector<16xi32>
        %add3A_1777 = arith.addi %mul3A_11, %add3A_1776 : vector<16xi32>
        %add3A_1778 = arith.constant 1 : i32
        %add3A_1779 = vector.broadcast %add3A_1778 : i32 to vector<16xi32>
        %add3A_1780 = arith.addi %add3A_1777, %add3A_1779 : vector<16xi32>
        tpu.vector_store_idx %arg13[%add3A_1780], %add3A_1734 : memref<272xf32, #tpu.memory_space<vmem>>[vector<16xi32>], vector<16xf32>,
        %add3A_1781 = arith.constant 8 : i32
        %add3A_1782 = vector.broadcast %add3A_1781 : i32 to vector<16xi32>
        %add3A_1783 = arith.addi %mul3A_11, %add3A_1782 : vector<16xi32>
        %add3A_1784 = arith.constant 2 : i32
        %add3A_1785 = vector.broadcast %add3A_1784 : i32 to vector<16xi32>
        %add3A_1786 = arith.addi %add3A_1783, %add3A_1785 : vector<16xi32>
        tpu.vector_store_idx %arg13[%add3A_1786], %add3A_1751 : memref<272xf32, #tpu.memory_space<vmem>>[vector<16xi32>], vector<16xf32>,
        %add3A_1787 = arith.constant 8 : i32
        %add3A_1788 = vector.broadcast %add3A_1787 : i32 to vector<16xi32>
        %add3A_1789 = arith.addi %mul3A_11, %add3A_1788 : vector<16xi32>
        %add3A_1790 = arith.constant 3 : i32
        %add3A_1791 = vector.broadcast %add3A_1790 : i32 to vector<16xi32>
        %add3A_1792 = arith.addi %add3A_1789, %add3A_1791 : vector<16xi32>
        tpu.vector_store_idx %arg13[%add3A_1792], %add3A_1768 : memref<272xf32, #tpu.memory_space<vmem>>[vector<16xi32>], vector<16xf32>,
        %add3A_1793 = arith.constant 12 : i32
        %add3A_1794 = arith.addi %add3A_100, %add3A_1793 : i32
        %add3A_1795 = arith.constant 0 : i32
        %add3A_1796 = arith.addi %add3A_1794, %add3A_1795 : i32
        %get3A_1797 = arith.index_cast %add3A_1796 : i32 to index
        %get3A_1798 = arith.constant 0 : index
        %get3A_1799 = tpu.vector_load %arg9[%get3A_1797, %get3A_1798] {strides = array<i32>} : memref<256x128xf32, #tpu.memory_space<vmem>>, vector<16xf32>,
        %add3A_1800 = arith.constant 12 : i32
        %add3A_1801 = arith.addi %add3A_100, %add3A_1800 : i32
        %add3A_1802 = arith.constant 0 : i32
        %add3A_1803 = arith.addi %add3A_1801, %add3A_1802 : i32
        %get3A_1804 = arith.index_cast %add3A_1803 : i32 to index
        %get3A_1805 = arith.constant 0 : index
        %get3A_1806 = tpu.vector_load %arg10[%get3A_1804, %get3A_1805] {strides = array<i32>} : memref<256x128xf32, #tpu.memory_space<vmem>>, vector<16xf32>,
        %mul3A_1807 = arith.mulf %get3A_1799, %get3A_1806 : vector<16xf32>
        %mul3A_1808 = arith.mulf %mul3A_1807, %get3A_44 : vector<16xf32>
        %add3A_1809 = arith.constant 12 : i32
        %add3A_1810 = arith.addi %add3A_100, %add3A_1809 : i32
        %add3A_1811 = arith.constant 1 : i32
        %add3A_1812 = arith.addi %add3A_1810, %add3A_1811 : i32
        %get3A_1813 = arith.index_cast %add3A_1812 : i32 to index
        %get3A_1814 = arith.constant 0 : index
        %get3A_1815 = tpu.vector_load %arg9[%get3A_1813, %get3A_1814] {strides = array<i32>} : memref<256x128xf32, #tpu.memory_space<vmem>>, vector<16xf32>,
        %add3A_1816 = arith.constant 12 : i32
        %add3A_1817 = arith.addi %add3A_100, %add3A_1816 : i32
        %add3A_1818 = arith.constant 1 : i32
        %add3A_1819 = arith.addi %add3A_1817, %add3A_1818 : i32
        %get3A_1820 = arith.index_cast %add3A_1819 : i32 to index
        %get3A_1821 = arith.constant 0 : index
        %get3A_1822 = tpu.vector_load %arg10[%get3A_1820, %get3A_1821] {strides = array<i32>} : memref<256x128xf32, #tpu.memory_space<vmem>>, vector<16xf32>,
        %mul3A_1823 = arith.mulf %get3A_1815, %get3A_1822 : vector<16xf32>
        %mul3A_1824 = arith.mulf %mul3A_1823, %get3A_44 : vector<16xf32>
        %add3A_1825 = arith.constant 12 : i32
        %add3A_1826 = arith.addi %add3A_100, %add3A_1825 : i32
        %add3A_1827 = arith.constant 2 : i32
        %add3A_1828 = arith.addi %add3A_1826, %add3A_1827 : i32
        %get3A_1829 = arith.index_cast %add3A_1828 : i32 to index
        %get3A_1830 = arith.constant 0 : index
        %get3A_1831 = tpu.vector_load %arg9[%get3A_1829, %get3A_1830] {strides = array<i32>} : memref<256x128xf32, #tpu.memory_space<vmem>>, vector<16xf32>,
        %add3A_1832 = arith.constant 12 : i32
        %add3A_1833 = arith.addi %add3A_100, %add3A_1832 : i32
        %add3A_1834 = arith.constant 2 : i32
        %add3A_1835 = arith.addi %add3A_1833, %add3A_1834 : i32
        %get3A_1836 = arith.index_cast %add3A_1835 : i32 to index
        %get3A_1837 = arith.constant 0 : index
        %get3A_1838 = tpu.vector_load %arg10[%get3A_1836, %get3A_1837] {strides = array<i32>} : memref<256x128xf32, #tpu.memory_space<vmem>>, vector<16xf32>,
        %mul3A_1839 = arith.mulf %get3A_1831, %get3A_1838 : vector<16xf32>
        %mul3A_1840 = arith.mulf %mul3A_1839, %get3A_44 : vector<16xf32>
        %add3A_1841 = arith.constant 12 : i32
        %add3A_1842 = arith.addi %add3A_100, %add3A_1841 : i32
        %add3A_1843 = arith.constant 3 : i32
        %add3A_1844 = arith.addi %add3A_1842, %add3A_1843 : i32
        %get3A_1845 = arith.index_cast %add3A_1844 : i32 to index
        %get3A_1846 = arith.constant 0 : index
        %get3A_1847 = tpu.vector_load %arg9[%get3A_1845, %get3A_1846] {strides = array<i32>} : memref<256x128xf32, #tpu.memory_space<vmem>>, vector<16xf32>,
        %add3A_1848 = arith.constant 12 : i32
        %add3A_1849 = arith.addi %add3A_100, %add3A_1848 : i32
        %add3A_1850 = arith.constant 3 : i32
        %add3A_1851 = arith.addi %add3A_1849, %add3A_1850 : i32
        %get3A_1852 = arith.index_cast %add3A_1851 : i32 to index
        %get3A_1853 = arith.constant 0 : index
        %get3A_1854 = tpu.vector_load %arg10[%get3A_1852, %get3A_1853] {strides = array<i32>} : memref<256x128xf32, #tpu.memory_space<vmem>>, vector<16xf32>,
        %mul3A_1855 = arith.mulf %get3A_1847, %get3A_1854 : vector<16xf32>
        %mul3A_1856 = arith.mulf %mul3A_1855, %get3A_44 : vector<16xf32>
        %add3A_1857 = arith.constant 12 : i32
        %add3A_1858 = arith.addi %add3A_100, %add3A_1857 : i32
        %add3A_1859 = arith.constant 0 : i32
        %add3A_1860 = arith.addi %add3A_1858, %add3A_1859 : i32
        %get3A_1861 = arith.index_cast %add3A_1860 : i32 to index
        %get3A_1862 = arith.constant 16 : index
        %get3A_1863 = tpu.vector_load %arg9[%get3A_1861, %get3A_1862] {strides = array<i32>} : memref<256x128xf32, #tpu.memory_space<vmem>>, vector<16xf32>,
        %add3A_1864 = arith.constant 12 : i32
        %add3A_1865 = arith.addi %add3A_100, %add3A_1864 : i32
        %add3A_1866 = arith.constant 0 : i32
        %add3A_1867 = arith.addi %add3A_1865, %add3A_1866 : i32
        %get3A_1868 = arith.index_cast %add3A_1867 : i32 to index
        %get3A_1869 = arith.constant 16 : index
        %get3A_1870 = tpu.vector_load %arg10[%get3A_1868, %get3A_1869] {strides = array<i32>} : memref<256x128xf32, #tpu.memory_space<vmem>>, vector<16xf32>,
        %mul3A_1871 = arith.mulf %get3A_1863, %get3A_1870 : vector<16xf32>
        %mul3A_1872 = arith.mulf %mul3A_1871, %get3A_46 : vector<16xf32>
        %add3A_1873 = arith.addf %mul3A_1808, %mul3A_1872 : vector<16xf32>
        %add3A_1874 = arith.constant 12 : i32
        %add3A_1875 = arith.addi %add3A_100, %add3A_1874 : i32
        %add3A_1876 = arith.constant 1 : i32
        %add3A_1877 = arith.addi %add3A_1875, %add3A_1876 : i32
        %get3A_1878 = arith.index_cast %add3A_1877 : i32 to index
        %get3A_1879 = arith.constant 16 : index
        %get3A_1880 = tpu.vector_load %arg9[%get3A_1878, %get3A_1879] {strides = array<i32>} : memref<256x128xf32, #tpu.memory_space<vmem>>, vector<16xf32>,
        %add3A_1881 = arith.constant 12 : i32
        %add3A_1882 = arith.addi %add3A_100, %add3A_1881 : i32
        %add3A_1883 = arith.constant 1 : i32
        %add3A_1884 = arith.addi %add3A_1882, %add3A_1883 : i32
        %get3A_1885 = arith.index_cast %add3A_1884 : i32 to index
        %get3A_1886 = arith.constant 16 : index
        %get3A_1887 = tpu.vector_load %arg10[%get3A_1885, %get3A_1886] {strides = array<i32>} : memref<256x128xf32, #tpu.memory_space<vmem>>, vector<16xf32>,
        %mul3A_1888 = arith.mulf %get3A_1880, %get3A_1887 : vector<16xf32>
        %mul3A_1889 = arith.mulf %mul3A_1888, %get3A_46 : vector<16xf32>
        %add3A_1890 = arith.addf %mul3A_1824, %mul3A_1889 : vector<16xf32>
        %add3A_1891 = arith.constant 12 : i32
        %add3A_1892 = arith.addi %add3A_100, %add3A_1891 : i32
        %add3A_1893 = arith.constant 2 : i32
        %add3A_1894 = arith.addi %add3A_1892, %add3A_1893 : i32
        %get3A_1895 = arith.index_cast %add3A_1894 : i32 to index
        %get3A_1896 = arith.constant 16 : index
        %get3A_1897 = tpu.vector_load %arg9[%get3A_1895, %get3A_1896] {strides = array<i32>} : memref<256x128xf32, #tpu.memory_space<vmem>>, vector<16xf32>,
        %add3A_1898 = arith.constant 12 : i32
        %add3A_1899 = arith.addi %add3A_100, %add3A_1898 : i32
        %add3A_1900 = arith.constant 2 : i32
        %add3A_1901 = arith.addi %add3A_1899, %add3A_1900 : i32
        %get3A_1902 = arith.index_cast %add3A_1901 : i32 to index
        %get3A_1903 = arith.constant 16 : index
        %get3A_1904 = tpu.vector_load %arg10[%get3A_1902, %get3A_1903] {strides = array<i32>} : memref<256x128xf32, #tpu.memory_space<vmem>>, vector<16xf32>,
        %mul3A_1905 = arith.mulf %get3A_1897, %get3A_1904 : vector<16xf32>
        %mul3A_1906 = arith.mulf %mul3A_1905, %get3A_46 : vector<16xf32>
        %add3A_1907 = arith.addf %mul3A_1840, %mul3A_1906 : vector<16xf32>
        %add3A_1908 = arith.constant 12 : i32
        %add3A_1909 = arith.addi %add3A_100, %add3A_1908 : i32
        %add3A_1910 = arith.constant 3 : i32
        %add3A_1911 = arith.addi %add3A_1909, %add3A_1910 : i32
        %get3A_1912 = arith.index_cast %add3A_1911 : i32 to index
        %get3A_1913 = arith.constant 16 : index
        %get3A_1914 = tpu.vector_load %arg9[%get3A_1912, %get3A_1913] {strides = array<i32>} : memref<256x128xf32, #tpu.memory_space<vmem>>, vector<16xf32>,
        %add3A_1915 = arith.constant 12 : i32
        %add3A_1916 = arith.addi %add3A_100, %add3A_1915 : i32
        %add3A_1917 = arith.constant 3 : i32
        %add3A_1918 = arith.addi %add3A_1916, %add3A_1917 : i32
        %get3A_1919 = arith.index_cast %add3A_1918 : i32 to index
        %get3A_1920 = arith.constant 16 : index
        %get3A_1921 = tpu.vector_load %arg10[%get3A_1919, %get3A_1920] {strides = array<i32>} : memref<256x128xf32, #tpu.memory_space<vmem>>, vector<16xf32>,
        %mul3A_1922 = arith.mulf %get3A_1914, %get3A_1921 : vector<16xf32>
        %mul3A_1923 = arith.mulf %mul3A_1922, %get3A_46 : vector<16xf32>
        %add3A_1924 = arith.addf %mul3A_1856, %mul3A_1923 : vector<16xf32>
        %add3A_1925 = arith.constant 12 : i32
        %add3A_1926 = arith.addi %add3A_100, %add3A_1925 : i32
        %add3A_1927 = arith.constant 0 : i32
        %add3A_1928 = arith.addi %add3A_1926, %add3A_1927 : i32
        %get3A_1929 = arith.index_cast %add3A_1928 : i32 to index
        %get3A_1930 = arith.constant 32 : index
        %get3A_1931 = tpu.vector_load %arg9[%get3A_1929, %get3A_1930] {strides = array<i32>} : memref<256x128xf32, #tpu.memory_space<vmem>>, vector<16xf32>,
        %add3A_1932 = arith.constant 12 : i32
        %add3A_1933 = arith.addi %add3A_100, %add3A_1932 : i32
        %add3A_1934 = arith.constant 0 : i32
        %add3A_1935 = arith.addi %add3A_1933, %add3A_1934 : i32
        %get3A_1936 = arith.index_cast %add3A_1935 : i32 to index
        %get3A_1937 = arith.constant 32 : index
        %get3A_1938 = tpu.vector_load %arg10[%get3A_1936, %get3A_1937] {strides = array<i32>} : memref<256x128xf32, #tpu.memory_space<vmem>>, vector<16xf32>,
        %mul3A_1939 = arith.mulf %get3A_1931, %get3A_1938 : vector<16xf32>
        %mul3A_1940 = arith.mulf %mul3A_1939, %get3A_48 : vector<16xf32>
        %add3A_1941 = arith.addf %add3A_1873, %mul3A_1940 : vector<16xf32>
        %add3A_1942 = arith.constant 12 : i32
        %add3A_1943 = arith.addi %add3A_100, %add3A_1942 : i32
        %add3A_1944 = arith.constant 1 : i32
        %add3A_1945 = arith.addi %add3A_1943, %add3A_1944 : i32
        %get3A_1946 = arith.index_cast %add3A_1945 : i32 to index
        %get3A_1947 = arith.constant 32 : index
        %get3A_1948 = tpu.vector_load %arg9[%get3A_1946, %get3A_1947] {strides = array<i32>} : memref<256x128xf32, #tpu.memory_space<vmem>>, vector<16xf32>,
        %add3A_1949 = arith.constant 12 : i32
        %add3A_1950 = arith.addi %add3A_100, %add3A_1949 : i32
        %add3A_1951 = arith.constant 1 : i32
        %add3A_1952 = arith.addi %add3A_1950, %add3A_1951 : i32
        %get3A_1953 = arith.index_cast %add3A_1952 : i32 to index
        %get3A_1954 = arith.constant 32 : index
        %get3A_1955 = tpu.vector_load %arg10[%get3A_1953, %get3A_1954] {strides = array<i32>} : memref<256x128xf32, #tpu.memory_space<vmem>>, vector<16xf32>,
        %mul3A_1956 = arith.mulf %get3A_1948, %get3A_1955 : vector<16xf32>
        %mul3A_1957 = arith.mulf %mul3A_1956, %get3A_48 : vector<16xf32>
        %add3A_1958 = arith.addf %add3A_1890, %mul3A_1957 : vector<16xf32>
        %add3A_1959 = arith.constant 12 : i32
        %add3A_1960 = arith.addi %add3A_100, %add3A_1959 : i32
        %add3A_1961 = arith.constant 2 : i32
        %add3A_1962 = arith.addi %add3A_1960, %add3A_1961 : i32
        %get3A_1963 = arith.index_cast %add3A_1962 : i32 to index
        %get3A_1964 = arith.constant 32 : index
        %get3A_1965 = tpu.vector_load %arg9[%get3A_1963, %get3A_1964] {strides = array<i32>} : memref<256x128xf32, #tpu.memory_space<vmem>>, vector<16xf32>,
        %add3A_1966 = arith.constant 12 : i32
        %add3A_1967 = arith.addi %add3A_100, %add3A_1966 : i32
        %add3A_1968 = arith.constant 2 : i32
        %add3A_1969 = arith.addi %add3A_1967, %add3A_1968 : i32
        %get3A_1970 = arith.index_cast %add3A_1969 : i32 to index
        %get3A_1971 = arith.constant 32 : index
        %get3A_1972 = tpu.vector_load %arg10[%get3A_1970, %get3A_1971] {strides = array<i32>} : memref<256x128xf32, #tpu.memory_space<vmem>>, vector<16xf32>,
        %mul3A_1973 = arith.mulf %get3A_1965, %get3A_1972 : vector<16xf32>
        %mul3A_1974 = arith.mulf %mul3A_1973, %get3A_48 : vector<16xf32>
        %add3A_1975 = arith.addf %add3A_1907, %mul3A_1974 : vector<16xf32>
        %add3A_1976 = arith.constant 12 : i32
        %add3A_1977 = arith.addi %add3A_100, %add3A_1976 : i32
        %add3A_1978 = arith.constant 3 : i32
        %add3A_1979 = arith.addi %add3A_1977, %add3A_1978 : i32
        %get3A_1980 = arith.index_cast %add3A_1979 : i32 to index
        %get3A_1981 = arith.constant 32 : index
        %get3A_1982 = tpu.vector_load %arg9[%get3A_1980, %get3A_1981] {strides = array<i32>} : memref<256x128xf32, #tpu.memory_space<vmem>>, vector<16xf32>,
        %add3A_1983 = arith.constant 12 : i32
        %add3A_1984 = arith.addi %add3A_100, %add3A_1983 : i32
        %add3A_1985 = arith.constant 3 : i32
        %add3A_1986 = arith.addi %add3A_1984, %add3A_1985 : i32
        %get3A_1987 = arith.index_cast %add3A_1986 : i32 to index
        %get3A_1988 = arith.constant 32 : index
        %get3A_1989 = tpu.vector_load %arg10[%get3A_1987, %get3A_1988] {strides = array<i32>} : memref<256x128xf32, #tpu.memory_space<vmem>>, vector<16xf32>,
        %mul3A_1990 = arith.mulf %get3A_1982, %get3A_1989 : vector<16xf32>
        %mul3A_1991 = arith.mulf %mul3A_1990, %get3A_48 : vector<16xf32>
        %add3A_1992 = arith.addf %add3A_1924, %mul3A_1991 : vector<16xf32>
        %add3A_1993 = arith.constant 12 : i32
        %add3A_1994 = arith.addi %add3A_100, %add3A_1993 : i32
        %add3A_1995 = arith.constant 0 : i32
        %add3A_1996 = arith.addi %add3A_1994, %add3A_1995 : i32
        %get3A_1997 = arith.index_cast %add3A_1996 : i32 to index
        %get3A_1998 = arith.constant 48 : index
        %get3A_1999 = tpu.vector_load %arg9[%get3A_1997, %get3A_1998] {strides = array<i32>} : memref<256x128xf32, #tpu.memory_space<vmem>>, vector<16xf32>,
        %add3A_2000 = arith.constant 12 : i32
        %add3A_2001 = arith.addi %add3A_100, %add3A_2000 : i32
        %add3A_2002 = arith.constant 0 : i32
        %add3A_2003 = arith.addi %add3A_2001, %add3A_2002 : i32
        %get3A_2004 = arith.index_cast %add3A_2003 : i32 to index
        %get3A_2005 = arith.constant 48 : index
        %get3A_2006 = tpu.vector_load %arg10[%get3A_2004, %get3A_2005] {strides = array<i32>} : memref<256x128xf32, #tpu.memory_space<vmem>>, vector<16xf32>,
        %mul3A_2007 = arith.mulf %get3A_1999, %get3A_2006 : vector<16xf32>
        %mul3A_2008 = arith.mulf %mul3A_2007, %get3A_50 : vector<16xf32>
        %add3A_2009 = arith.addf %add3A_1941, %mul3A_2008 : vector<16xf32>
        %add3A_2010 = arith.constant 12 : i32
        %add3A_2011 = arith.addi %add3A_100, %add3A_2010 : i32
        %add3A_2012 = arith.constant 1 : i32
        %add3A_2013 = arith.addi %add3A_2011, %add3A_2012 : i32
        %get3A_2014 = arith.index_cast %add3A_2013 : i32 to index
        %get3A_2015 = arith.constant 48 : index
        %get3A_2016 = tpu.vector_load %arg9[%get3A_2014, %get3A_2015] {strides = array<i32>} : memref<256x128xf32, #tpu.memory_space<vmem>>, vector<16xf32>,
        %add3A_2017 = arith.constant 12 : i32
        %add3A_2018 = arith.addi %add3A_100, %add3A_2017 : i32
        %add3A_2019 = arith.constant 1 : i32
        %add3A_2020 = arith.addi %add3A_2018, %add3A_2019 : i32
        %get3A_2021 = arith.index_cast %add3A_2020 : i32 to index
        %get3A_2022 = arith.constant 48 : index
        %get3A_2023 = tpu.vector_load %arg10[%get3A_2021, %get3A_2022] {strides = array<i32>} : memref<256x128xf32, #tpu.memory_space<vmem>>, vector<16xf32>,
        %mul3A_2024 = arith.mulf %get3A_2016, %get3A_2023 : vector<16xf32>
        %mul3A_2025 = arith.mulf %mul3A_2024, %get3A_50 : vector<16xf32>
        %add3A_2026 = arith.addf %add3A_1958, %mul3A_2025 : vector<16xf32>
        %add3A_2027 = arith.constant 12 : i32
        %add3A_2028 = arith.addi %add3A_100, %add3A_2027 : i32
        %add3A_2029 = arith.constant 2 : i32
        %add3A_2030 = arith.addi %add3A_2028, %add3A_2029 : i32
        %get3A_2031 = arith.index_cast %add3A_2030 : i32 to index
        %get3A_2032 = arith.constant 48 : index
        %get3A_2033 = tpu.vector_load %arg9[%get3A_2031, %get3A_2032] {strides = array<i32>} : memref<256x128xf32, #tpu.memory_space<vmem>>, vector<16xf32>,
        %add3A_2034 = arith.constant 12 : i32
        %add3A_2035 = arith.addi %add3A_100, %add3A_2034 : i32
        %add3A_2036 = arith.constant 2 : i32
        %add3A_2037 = arith.addi %add3A_2035, %add3A_2036 : i32
        %get3A_2038 = arith.index_cast %add3A_2037 : i32 to index
        %get3A_2039 = arith.constant 48 : index
        %get3A_2040 = tpu.vector_load %arg10[%get3A_2038, %get3A_2039] {strides = array<i32>} : memref<256x128xf32, #tpu.memory_space<vmem>>, vector<16xf32>,
        %mul3A_2041 = arith.mulf %get3A_2033, %get3A_2040 : vector<16xf32>
        %mul3A_2042 = arith.mulf %mul3A_2041, %get3A_50 : vector<16xf32>
        %add3A_2043 = arith.addf %add3A_1975, %mul3A_2042 : vector<16xf32>
        %add3A_2044 = arith.constant 12 : i32
        %add3A_2045 = arith.addi %add3A_100, %add3A_2044 : i32
        %add3A_2046 = arith.constant 3 : i32
        %add3A_2047 = arith.addi %add3A_2045, %add3A_2046 : i32
        %get3A_2048 = arith.index_cast %add3A_2047 : i32 to index
        %get3A_2049 = arith.constant 48 : index
        %get3A_2050 = tpu.vector_load %arg9[%get3A_2048, %get3A_2049] {strides = array<i32>} : memref<256x128xf32, #tpu.memory_space<vmem>>, vector<16xf32>,
        %add3A_2051 = arith.constant 12 : i32
        %add3A_2052 = arith.addi %add3A_100, %add3A_2051 : i32
        %add3A_2053 = arith.constant 3 : i32
        %add3A_2054 = arith.addi %add3A_2052, %add3A_2053 : i32
        %get3A_2055 = arith.index_cast %add3A_2054 : i32 to index
        %get3A_2056 = arith.constant 48 : index
        %get3A_2057 = tpu.vector_load %arg10[%get3A_2055, %get3A_2056] {strides = array<i32>} : memref<256x128xf32, #tpu.memory_space<vmem>>, vector<16xf32>,
        %mul3A_2058 = arith.mulf %get3A_2050, %get3A_2057 : vector<16xf32>
        %mul3A_2059 = arith.mulf %mul3A_2058, %get3A_50 : vector<16xf32>
        %add3A_2060 = arith.addf %add3A_1992, %mul3A_2059 : vector<16xf32>
        %add3A_2061 = arith.constant 12 : i32
        %add3A_2062 = arith.addi %add3A_100, %add3A_2061 : i32
        %add3A_2063 = arith.constant 0 : i32
        %add3A_2064 = arith.addi %add3A_2062, %add3A_2063 : i32
        %get3A_2065 = arith.index_cast %add3A_2064 : i32 to index
        %get3A_2066 = arith.constant 64 : index
        %get3A_2067 = tpu.vector_load %arg9[%get3A_2065, %get3A_2066] {strides = array<i32>} : memref<256x128xf32, #tpu.memory_space<vmem>>, vector<16xf32>,
        %add3A_2068 = arith.constant 12 : i32
        %add3A_2069 = arith.addi %add3A_100, %add3A_2068 : i32
        %add3A_2070 = arith.constant 0 : i32
        %add3A_2071 = arith.addi %add3A_2069, %add3A_2070 : i32
        %get3A_2072 = arith.index_cast %add3A_2071 : i32 to index
        %get3A_2073 = arith.constant 64 : index
        %get3A_2074 = tpu.vector_load %arg10[%get3A_2072, %get3A_2073] {strides = array<i32>} : memref<256x128xf32, #tpu.memory_space<vmem>>, vector<16xf32>,
        %mul3A_2075 = arith.mulf %get3A_2067, %get3A_2074 : vector<16xf32>
        %mul3A_2076 = arith.mulf %mul3A_2075, %get3A_52 : vector<16xf32>
        %add3A_2077 = arith.addf %add3A_2009, %mul3A_2076 : vector<16xf32>
        %add3A_2078 = arith.constant 12 : i32
        %add3A_2079 = arith.addi %add3A_100, %add3A_2078 : i32
        %add3A_2080 = arith.constant 1 : i32
        %add3A_2081 = arith.addi %add3A_2079, %add3A_2080 : i32
        %get3A_2082 = arith.index_cast %add3A_2081 : i32 to index
        %get3A_2083 = arith.constant 64 : index
        %get3A_2084 = tpu.vector_load %arg9[%get3A_2082, %get3A_2083] {strides = array<i32>} : memref<256x128xf32, #tpu.memory_space<vmem>>, vector<16xf32>,
        %add3A_2085 = arith.constant 12 : i32
        %add3A_2086 = arith.addi %add3A_100, %add3A_2085 : i32
        %add3A_2087 = arith.constant 1 : i32
        %add3A_2088 = arith.addi %add3A_2086, %add3A_2087 : i32
        %get3A_2089 = arith.index_cast %add3A_2088 : i32 to index
        %get3A_2090 = arith.constant 64 : index
        %get3A_2091 = tpu.vector_load %arg10[%get3A_2089, %get3A_2090] {strides = array<i32>} : memref<256x128xf32, #tpu.memory_space<vmem>>, vector<16xf32>,
        %mul3A_2092 = arith.mulf %get3A_2084, %get3A_2091 : vector<16xf32>
        %mul3A_2093 = arith.mulf %mul3A_2092, %get3A_52 : vector<16xf32>
        %add3A_2094 = arith.addf %add3A_2026, %mul3A_2093 : vector<16xf32>
        %add3A_2095 = arith.constant 12 : i32
        %add3A_2096 = arith.addi %add3A_100, %add3A_2095 : i32
        %add3A_2097 = arith.constant 2 : i32
        %add3A_2098 = arith.addi %add3A_2096, %add3A_2097 : i32
        %get3A_2099 = arith.index_cast %add3A_2098 : i32 to index
        %get3A_2100 = arith.constant 64 : index
        %get3A_2101 = tpu.vector_load %arg9[%get3A_2099, %get3A_2100] {strides = array<i32>} : memref<256x128xf32, #tpu.memory_space<vmem>>, vector<16xf32>,
        %add3A_2102 = arith.constant 12 : i32
        %add3A_2103 = arith.addi %add3A_100, %add3A_2102 : i32
        %add3A_2104 = arith.constant 2 : i32
        %add3A_2105 = arith.addi %add3A_2103, %add3A_2104 : i32
        %get3A_2106 = arith.index_cast %add3A_2105 : i32 to index
        %get3A_2107 = arith.constant 64 : index
        %get3A_2108 = tpu.vector_load %arg10[%get3A_2106, %get3A_2107] {strides = array<i32>} : memref<256x128xf32, #tpu.memory_space<vmem>>, vector<16xf32>,
        %mul3A_2109 = arith.mulf %get3A_2101, %get3A_2108 : vector<16xf32>
        %mul3A_2110 = arith.mulf %mul3A_2109, %get3A_52 : vector<16xf32>
        %add3A_2111 = arith.addf %add3A_2043, %mul3A_2110 : vector<16xf32>
        %add3A_2112 = arith.constant 12 : i32
        %add3A_2113 = arith.addi %add3A_100, %add3A_2112 : i32
        %add3A_2114 = arith.constant 3 : i32
        %add3A_2115 = arith.addi %add3A_2113, %add3A_2114 : i32
        %get3A_2116 = arith.index_cast %add3A_2115 : i32 to index
        %get3A_2117 = arith.constant 64 : index
        %get3A_2118 = tpu.vector_load %arg9[%get3A_2116, %get3A_2117] {strides = array<i32>} : memref<256x128xf32, #tpu.memory_space<vmem>>, vector<16xf32>,
        %add3A_2119 = arith.constant 12 : i32
        %add3A_2120 = arith.addi %add3A_100, %add3A_2119 : i32
        %add3A_2121 = arith.constant 3 : i32
        %add3A_2122 = arith.addi %add3A_2120, %add3A_2121 : i32
        %get3A_2123 = arith.index_cast %add3A_2122 : i32 to index
        %get3A_2124 = arith.constant 64 : index
        %get3A_2125 = tpu.vector_load %arg10[%get3A_2123, %get3A_2124] {strides = array<i32>} : memref<256x128xf32, #tpu.memory_space<vmem>>, vector<16xf32>,
        %mul3A_2126 = arith.mulf %get3A_2118, %get3A_2125 : vector<16xf32>
        %mul3A_2127 = arith.mulf %mul3A_2126, %get3A_52 : vector<16xf32>
        %add3A_2128 = arith.addf %add3A_2060, %mul3A_2127 : vector<16xf32>
        %add3A_2129 = arith.constant 12 : i32
        %add3A_2130 = arith.addi %add3A_100, %add3A_2129 : i32
        %add3A_2131 = arith.constant 0 : i32
        %add3A_2132 = arith.addi %add3A_2130, %add3A_2131 : i32
        %get3A_2133 = arith.index_cast %add3A_2132 : i32 to index
        %get3A_2134 = arith.constant 80 : index
        %get3A_2135 = tpu.vector_load %arg9[%get3A_2133, %get3A_2134] {strides = array<i32>} : memref<256x128xf32, #tpu.memory_space<vmem>>, vector<16xf32>,
        %add3A_2136 = arith.constant 12 : i32
        %add3A_2137 = arith.addi %add3A_100, %add3A_2136 : i32
        %add3A_2138 = arith.constant 0 : i32
        %add3A_2139 = arith.addi %add3A_2137, %add3A_2138 : i32
        %get3A_2140 = arith.index_cast %add3A_2139 : i32 to index
        %get3A_2141 = arith.constant 80 : index
        %get3A_2142 = tpu.vector_load %arg10[%get3A_2140, %get3A_2141] {strides = array<i32>} : memref<256x128xf32, #tpu.memory_space<vmem>>, vector<16xf32>,
        %mul3A_2143 = arith.mulf %get3A_2135, %get3A_2142 : vector<16xf32>
        %mul3A_2144 = arith.mulf %mul3A_2143, %get3A_54 : vector<16xf32>
        %add3A_2145 = arith.addf %add3A_2077, %mul3A_2144 : vector<16xf32>
        %add3A_2146 = arith.constant 12 : i32
        %add3A_2147 = arith.addi %add3A_100, %add3A_2146 : i32
        %add3A_2148 = arith.constant 1 : i32
        %add3A_2149 = arith.addi %add3A_2147, %add3A_2148 : i32
        %get3A_2150 = arith.index_cast %add3A_2149 : i32 to index
        %get3A_2151 = arith.constant 80 : index
        %get3A_2152 = tpu.vector_load %arg9[%get3A_2150, %get3A_2151] {strides = array<i32>} : memref<256x128xf32, #tpu.memory_space<vmem>>, vector<16xf32>,
        %add3A_2153 = arith.constant 12 : i32
        %add3A_2154 = arith.addi %add3A_100, %add3A_2153 : i32
        %add3A_2155 = arith.constant 1 : i32
        %add3A_2156 = arith.addi %add3A_2154, %add3A_2155 : i32
        %get3A_2157 = arith.index_cast %add3A_2156 : i32 to index
        %get3A_2158 = arith.constant 80 : index
        %get3A_2159 = tpu.vector_load %arg10[%get3A_2157, %get3A_2158] {strides = array<i32>} : memref<256x128xf32, #tpu.memory_space<vmem>>, vector<16xf32>,
        %mul3A_2160 = arith.mulf %get3A_2152, %get3A_2159 : vector<16xf32>
        %mul3A_2161 = arith.mulf %mul3A_2160, %get3A_54 : vector<16xf32>
        %add3A_2162 = arith.addf %add3A_2094, %mul3A_2161 : vector<16xf32>
        %add3A_2163 = arith.constant 12 : i32
        %add3A_2164 = arith.addi %add3A_100, %add3A_2163 : i32
        %add3A_2165 = arith.constant 2 : i32
        %add3A_2166 = arith.addi %add3A_2164, %add3A_2165 : i32
        %get3A_2167 = arith.index_cast %add3A_2166 : i32 to index
        %get3A_2168 = arith.constant 80 : index
        %get3A_2169 = tpu.vector_load %arg9[%get3A_2167, %get3A_2168] {strides = array<i32>} : memref<256x128xf32, #tpu.memory_space<vmem>>, vector<16xf32>,
        %add3A_2170 = arith.constant 12 : i32
        %add3A_2171 = arith.addi %add3A_100, %add3A_2170 : i32
        %add3A_2172 = arith.constant 2 : i32
        %add3A_2173 = arith.addi %add3A_2171, %add3A_2172 : i32
        %get3A_2174 = arith.index_cast %add3A_2173 : i32 to index
        %get3A_2175 = arith.constant 80 : index
        %get3A_2176 = tpu.vector_load %arg10[%get3A_2174, %get3A_2175] {strides = array<i32>} : memref<256x128xf32, #tpu.memory_space<vmem>>, vector<16xf32>,
        %mul3A_2177 = arith.mulf %get3A_2169, %get3A_2176 : vector<16xf32>
        %mul3A_2178 = arith.mulf %mul3A_2177, %get3A_54 : vector<16xf32>
        %add3A_2179 = arith.addf %add3A_2111, %mul3A_2178 : vector<16xf32>
        %add3A_2180 = arith.constant 12 : i32
        %add3A_2181 = arith.addi %add3A_100, %add3A_2180 : i32
        %add3A_2182 = arith.constant 3 : i32
        %add3A_2183 = arith.addi %add3A_2181, %add3A_2182 : i32
        %get3A_2184 = arith.index_cast %add3A_2183 : i32 to index
        %get3A_2185 = arith.constant 80 : index
        %get3A_2186 = tpu.vector_load %arg9[%get3A_2184, %get3A_2185] {strides = array<i32>} : memref<256x128xf32, #tpu.memory_space<vmem>>, vector<16xf32>,
        %add3A_2187 = arith.constant 12 : i32
        %add3A_2188 = arith.addi %add3A_100, %add3A_2187 : i32
        %add3A_2189 = arith.constant 3 : i32
        %add3A_2190 = arith.addi %add3A_2188, %add3A_2189 : i32
        %get3A_2191 = arith.index_cast %add3A_2190 : i32 to index
        %get3A_2192 = arith.constant 80 : index
        %get3A_2193 = tpu.vector_load %arg10[%get3A_2191, %get3A_2192] {strides = array<i32>} : memref<256x128xf32, #tpu.memory_space<vmem>>, vector<16xf32>,
        %mul3A_2194 = arith.mulf %get3A_2186, %get3A_2193 : vector<16xf32>
        %mul3A_2195 = arith.mulf %mul3A_2194, %get3A_54 : vector<16xf32>
        %add3A_2196 = arith.addf %add3A_2128, %mul3A_2195 : vector<16xf32>
        %add3A_2197 = arith.constant 12 : i32
        %add3A_2198 = arith.addi %add3A_100, %add3A_2197 : i32
        %add3A_2199 = arith.constant 0 : i32
        %add3A_2200 = arith.addi %add3A_2198, %add3A_2199 : i32
        %get3A_2201 = arith.index_cast %add3A_2200 : i32 to index
        %get3A_2202 = arith.constant 96 : index
        %get3A_2203 = tpu.vector_load %arg9[%get3A_2201, %get3A_2202] {strides = array<i32>} : memref<256x128xf32, #tpu.memory_space<vmem>>, vector<16xf32>,
        %add3A_2204 = arith.constant 12 : i32
        %add3A_2205 = arith.addi %add3A_100, %add3A_2204 : i32
        %add3A_2206 = arith.constant 0 : i32
        %add3A_2207 = arith.addi %add3A_2205, %add3A_2206 : i32
        %get3A_2208 = arith.index_cast %add3A_2207 : i32 to index
        %get3A_2209 = arith.constant 96 : index
        %get3A_2210 = tpu.vector_load %arg10[%get3A_2208, %get3A_2209] {strides = array<i32>} : memref<256x128xf32, #tpu.memory_space<vmem>>, vector<16xf32>,
        %mul3A_2211 = arith.mulf %get3A_2203, %get3A_2210 : vector<16xf32>
        %mul3A_2212 = arith.mulf %mul3A_2211, %get3A_56 : vector<16xf32>
        %add3A_2213 = arith.addf %add3A_2145, %mul3A_2212 : vector<16xf32>
        %add3A_2214 = arith.constant 12 : i32
        %add3A_2215 = arith.addi %add3A_100, %add3A_2214 : i32
        %add3A_2216 = arith.constant 1 : i32
        %add3A_2217 = arith.addi %add3A_2215, %add3A_2216 : i32
        %get3A_2218 = arith.index_cast %add3A_2217 : i32 to index
        %get3A_2219 = arith.constant 96 : index
        %get3A_2220 = tpu.vector_load %arg9[%get3A_2218, %get3A_2219] {strides = array<i32>} : memref<256x128xf32, #tpu.memory_space<vmem>>, vector<16xf32>,
        %add3A_2221 = arith.constant 12 : i32
        %add3A_2222 = arith.addi %add3A_100, %add3A_2221 : i32
        %add3A_2223 = arith.constant 1 : i32
        %add3A_2224 = arith.addi %add3A_2222, %add3A_2223 : i32
        %get3A_2225 = arith.index_cast %add3A_2224 : i32 to index
        %get3A_2226 = arith.constant 96 : index
        %get3A_2227 = tpu.vector_load %arg10[%get3A_2225, %get3A_2226] {strides = array<i32>} : memref<256x128xf32, #tpu.memory_space<vmem>>, vector<16xf32>,
        %mul3A_2228 = arith.mulf %get3A_2220, %get3A_2227 : vector<16xf32>
        %mul3A_2229 = arith.mulf %mul3A_2228, %get3A_56 : vector<16xf32>
        %add3A_2230 = arith.addf %add3A_2162, %mul3A_2229 : vector<16xf32>
        %add3A_2231 = arith.constant 12 : i32
        %add3A_2232 = arith.addi %add3A_100, %add3A_2231 : i32
        %add3A_2233 = arith.constant 2 : i32
        %add3A_2234 = arith.addi %add3A_2232, %add3A_2233 : i32
        %get3A_2235 = arith.index_cast %add3A_2234 : i32 to index
        %get3A_2236 = arith.constant 96 : index
        %get3A_2237 = tpu.vector_load %arg9[%get3A_2235, %get3A_2236] {strides = array<i32>} : memref<256x128xf32, #tpu.memory_space<vmem>>, vector<16xf32>,
        %add3A_2238 = arith.constant 12 : i32
        %add3A_2239 = arith.addi %add3A_100, %add3A_2238 : i32
        %add3A_2240 = arith.constant 2 : i32
        %add3A_2241 = arith.addi %add3A_2239, %add3A_2240 : i32
        %get3A_2242 = arith.index_cast %add3A_2241 : i32 to index
        %get3A_2243 = arith.constant 96 : index
        %get3A_2244 = tpu.vector_load %arg10[%get3A_2242, %get3A_2243] {strides = array<i32>} : memref<256x128xf32, #tpu.memory_space<vmem>>, vector<16xf32>,
        %mul3A_2245 = arith.mulf %get3A_2237, %get3A_2244 : vector<16xf32>
        %mul3A_2246 = arith.mulf %mul3A_2245, %get3A_56 : vector<16xf32>
        %add3A_2247 = arith.addf %add3A_2179, %mul3A_2246 : vector<16xf32>
        %add3A_2248 = arith.constant 12 : i32
        %add3A_2249 = arith.addi %add3A_100, %add3A_2248 : i32
        %add3A_2250 = arith.constant 3 : i32
        %add3A_2251 = arith.addi %add3A_2249, %add3A_2250 : i32
        %get3A_2252 = arith.index_cast %add3A_2251 : i32 to index
        %get3A_2253 = arith.constant 96 : index
        %get3A_2254 = tpu.vector_load %arg9[%get3A_2252, %get3A_2253] {strides = array<i32>} : memref<256x128xf32, #tpu.memory_space<vmem>>, vector<16xf32>,
        %add3A_2255 = arith.constant 12 : i32
        %add3A_2256 = arith.addi %add3A_100, %add3A_2255 : i32
        %add3A_2257 = arith.constant 3 : i32
        %add3A_2258 = arith.addi %add3A_2256, %add3A_2257 : i32
        %get3A_2259 = arith.index_cast %add3A_2258 : i32 to index
        %get3A_2260 = arith.constant 96 : index
        %get3A_2261 = tpu.vector_load %arg10[%get3A_2259, %get3A_2260] {strides = array<i32>} : memref<256x128xf32, #tpu.memory_space<vmem>>, vector<16xf32>,
        %mul3A_2262 = arith.mulf %get3A_2254, %get3A_2261 : vector<16xf32>
        %mul3A_2263 = arith.mulf %mul3A_2262, %get3A_56 : vector<16xf32>
        %add3A_2264 = arith.addf %add3A_2196, %mul3A_2263 : vector<16xf32>
        %add3A_2265 = arith.constant 12 : i32
        %add3A_2266 = arith.addi %add3A_100, %add3A_2265 : i32
        %add3A_2267 = arith.constant 0 : i32
        %add3A_2268 = arith.addi %add3A_2266, %add3A_2267 : i32
        %get3A_2269 = arith.index_cast %add3A_2268 : i32 to index
        %get3A_2270 = arith.constant 112 : index
        %get3A_2271 = tpu.vector_load %arg9[%get3A_2269, %get3A_2270] {strides = array<i32>} : memref<256x128xf32, #tpu.memory_space<vmem>>, vector<16xf32>,
        %add3A_2272 = arith.constant 12 : i32
        %add3A_2273 = arith.addi %add3A_100, %add3A_2272 : i32
        %add3A_2274 = arith.constant 0 : i32
        %add3A_2275 = arith.addi %add3A_2273, %add3A_2274 : i32
        %get3A_2276 = arith.index_cast %add3A_2275 : i32 to index
        %get3A_2277 = arith.constant 112 : index
        %get3A_2278 = tpu.vector_load %arg10[%get3A_2276, %get3A_2277] {strides = array<i32>} : memref<256x128xf32, #tpu.memory_space<vmem>>, vector<16xf32>,
        %mul3A_2279 = arith.mulf %get3A_2271, %get3A_2278 : vector<16xf32>
        %mul3A_2280 = arith.mulf %mul3A_2279, %get3A_58 : vector<16xf32>
        %add3A_2281 = arith.addf %add3A_2213, %mul3A_2280 : vector<16xf32>
        %add3A_2282 = arith.constant 12 : i32
        %add3A_2283 = arith.addi %add3A_100, %add3A_2282 : i32
        %add3A_2284 = arith.constant 1 : i32
        %add3A_2285 = arith.addi %add3A_2283, %add3A_2284 : i32
        %get3A_2286 = arith.index_cast %add3A_2285 : i32 to index
        %get3A_2287 = arith.constant 112 : index
        %get3A_2288 = tpu.vector_load %arg9[%get3A_2286, %get3A_2287] {strides = array<i32>} : memref<256x128xf32, #tpu.memory_space<vmem>>, vector<16xf32>,
        %add3A_2289 = arith.constant 12 : i32
        %add3A_2290 = arith.addi %add3A_100, %add3A_2289 : i32
        %add3A_2291 = arith.constant 1 : i32
        %add3A_2292 = arith.addi %add3A_2290, %add3A_2291 : i32
        %get3A_2293 = arith.index_cast %add3A_2292 : i32 to index
        %get3A_2294 = arith.constant 112 : index
        %get3A_2295 = tpu.vector_load %arg10[%get3A_2293, %get3A_2294] {strides = array<i32>} : memref<256x128xf32, #tpu.memory_space<vmem>>, vector<16xf32>,
        %mul3A_2296 = arith.mulf %get3A_2288, %get3A_2295 : vector<16xf32>
        %mul3A_2297 = arith.mulf %mul3A_2296, %get3A_58 : vector<16xf32>
        %add3A_2298 = arith.addf %add3A_2230, %mul3A_2297 : vector<16xf32>
        %add3A_2299 = arith.constant 12 : i32
        %add3A_2300 = arith.addi %add3A_100, %add3A_2299 : i32
        %add3A_2301 = arith.constant 2 : i32
        %add3A_2302 = arith.addi %add3A_2300, %add3A_2301 : i32
        %get3A_2303 = arith.index_cast %add3A_2302 : i32 to index
        %get3A_2304 = arith.constant 112 : index
        %get3A_2305 = tpu.vector_load %arg9[%get3A_2303, %get3A_2304] {strides = array<i32>} : memref<256x128xf32, #tpu.memory_space<vmem>>, vector<16xf32>,
        %add3A_2306 = arith.constant 12 : i32
        %add3A_2307 = arith.addi %add3A_100, %add3A_2306 : i32
        %add3A_2308 = arith.constant 2 : i32
        %add3A_2309 = arith.addi %add3A_2307, %add3A_2308 : i32
        %get3A_2310 = arith.index_cast %add3A_2309 : i32 to index
        %get3A_2311 = arith.constant 112 : index
        %get3A_2312 = tpu.vector_load %arg10[%get3A_2310, %get3A_2311] {strides = array<i32>} : memref<256x128xf32, #tpu.memory_space<vmem>>, vector<16xf32>,
        %mul3A_2313 = arith.mulf %get3A_2305, %get3A_2312 : vector<16xf32>
        %mul3A_2314 = arith.mulf %mul3A_2313, %get3A_58 : vector<16xf32>
        %add3A_2315 = arith.addf %add3A_2247, %mul3A_2314 : vector<16xf32>
        %add3A_2316 = arith.constant 12 : i32
        %add3A_2317 = arith.addi %add3A_100, %add3A_2316 : i32
        %add3A_2318 = arith.constant 3 : i32
        %add3A_2319 = arith.addi %add3A_2317, %add3A_2318 : i32
        %get3A_2320 = arith.index_cast %add3A_2319 : i32 to index
        %get3A_2321 = arith.constant 112 : index
        %get3A_2322 = tpu.vector_load %arg9[%get3A_2320, %get3A_2321] {strides = array<i32>} : memref<256x128xf32, #tpu.memory_space<vmem>>, vector<16xf32>,
        %add3A_2323 = arith.constant 12 : i32
        %add3A_2324 = arith.addi %add3A_100, %add3A_2323 : i32
        %add3A_2325 = arith.constant 3 : i32
        %add3A_2326 = arith.addi %add3A_2324, %add3A_2325 : i32
        %get3A_2327 = arith.index_cast %add3A_2326 : i32 to index
        %get3A_2328 = arith.constant 112 : index
        %get3A_2329 = tpu.vector_load %arg10[%get3A_2327, %get3A_2328] {strides = array<i32>} : memref<256x128xf32, #tpu.memory_space<vmem>>, vector<16xf32>,
        %mul3A_2330 = arith.mulf %get3A_2322, %get3A_2329 : vector<16xf32>
        %mul3A_2331 = arith.mulf %mul3A_2330, %get3A_58 : vector<16xf32>
        %add3A_2332 = arith.addf %add3A_2264, %mul3A_2331 : vector<16xf32>
        %add3A_2333 = arith.constant 12 : i32
        %add3A_2334 = vector.broadcast %add3A_2333 : i32 to vector<16xi32>
        %add3A_2335 = arith.addi %mul3A_11, %add3A_2334 : vector<16xi32>
        %add3A_2336 = arith.constant 0 : i32
        %add3A_2337 = vector.broadcast %add3A_2336 : i32 to vector<16xi32>
        %add3A_2338 = arith.addi %add3A_2335, %add3A_2337 : vector<16xi32>
        tpu.vector_store_idx %arg13[%add3A_2338], %add3A_2281 : memref<272xf32, #tpu.memory_space<vmem>>[vector<16xi32>], vector<16xf32>,
        %add3A_2339 = arith.constant 12 : i32
        %add3A_2340 = vector.broadcast %add3A_2339 : i32 to vector<16xi32>
        %add3A_2341 = arith.addi %mul3A_11, %add3A_2340 : vector<16xi32>
        %add3A_2342 = arith.constant 1 : i32
        %add3A_2343 = vector.broadcast %add3A_2342 : i32 to vector<16xi32>
        %add3A_2344 = arith.addi %add3A_2341, %add3A_2343 : vector<16xi32>
        tpu.vector_store_idx %arg13[%add3A_2344], %add3A_2298 : memref<272xf32, #tpu.memory_space<vmem>>[vector<16xi32>], vector<16xf32>,
        %add3A_2345 = arith.constant 12 : i32
        %add3A_2346 = vector.broadcast %add3A_2345 : i32 to vector<16xi32>
        %add3A_2347 = arith.addi %mul3A_11, %add3A_2346 : vector<16xi32>
        %add3A_2348 = arith.constant 2 : i32
        %add3A_2349 = vector.broadcast %add3A_2348 : i32 to vector<16xi32>
        %add3A_2350 = arith.addi %add3A_2347, %add3A_2349 : vector<16xi32>
        tpu.vector_store_idx %arg13[%add3A_2350], %add3A_2315 : memref<272xf32, #tpu.memory_space<vmem>>[vector<16xi32>], vector<16xf32>,
        %add3A_2351 = arith.constant 12 : i32
        %add3A_2352 = vector.broadcast %add3A_2351 : i32 to vector<16xi32>
        %add3A_2353 = arith.addi %mul3A_11, %add3A_2352 : vector<16xi32>
        %add3A_2354 = arith.constant 3 : i32
        %add3A_2355 = vector.broadcast %add3A_2354 : i32 to vector<16xi32>
        %add3A_2356 = arith.addi %add3A_2353, %add3A_2355 : vector<16xi32>
        tpu.vector_store_idx %arg13[%add3A_2356], %add3A_2332 : memref<272xf32, #tpu.memory_space<vmem>>[vector<16xi32>], vector<16xf32>,
        %get3A_2357 = arith.constant 0 : index
        %get3A_2358 = tpu.vector_load %arg13[%get3A_2357] {strides = array<i32>} : memref<272xf32, #tpu.memory_space<vmem>>, vector<16xf32>,
        %get3A_2359 = arith.constant 17 : index
        %get3A_2360 = tpu.vector_load %arg13[%get3A_2359] {strides = array<i32>} : memref<272xf32, #tpu.memory_space<vmem>>, vector<16xf32>,
        %add3A_2361 = arith.addf %get3A_2358, %get3A_2360 : vector<16xf32>
        %get3A_2362 = arith.constant 34 : index
        %get3A_2363 = tpu.vector_load %arg13[%get3A_2362] {strides = array<i32>} : memref<272xf32, #tpu.memory_space<vmem>>, vector<16xf32>,
        %add3A_2364 = arith.addf %add3A_2361, %get3A_2363 : vector<16xf32>
        %get3A_2365 = arith.constant 51 : index
        %get3A_2366 = tpu.vector_load %arg13[%get3A_2365] {strides = array<i32>} : memref<272xf32, #tpu.memory_space<vmem>>, vector<16xf32>,
        %add3A_2367 = arith.addf %add3A_2364, %get3A_2366 : vector<16xf32>
        %get3A_2368 = arith.constant 68 : index
        %get3A_2369 = tpu.vector_load %arg13[%get3A_2368] {strides = array<i32>} : memref<272xf32, #tpu.memory_space<vmem>>, vector<16xf32>,
        %add3A_2370 = arith.addf %add3A_2367, %get3A_2369 : vector<16xf32>
        %get3A_2371 = arith.constant 85 : index
        %get3A_2372 = tpu.vector_load %arg13[%get3A_2371] {strides = array<i32>} : memref<272xf32, #tpu.memory_space<vmem>>, vector<16xf32>,
        %add3A_2373 = arith.addf %add3A_2370, %get3A_2372 : vector<16xf32>
        %get3A_2374 = arith.constant 102 : index
        %get3A_2375 = tpu.vector_load %arg13[%get3A_2374] {strides = array<i32>} : memref<272xf32, #tpu.memory_space<vmem>>, vector<16xf32>,
        %add3A_2376 = arith.addf %add3A_2373, %get3A_2375 : vector<16xf32>
        %get3A_2377 = arith.constant 119 : index
        %get3A_2378 = tpu.vector_load %arg13[%get3A_2377] {strides = array<i32>} : memref<272xf32, #tpu.memory_space<vmem>>, vector<16xf32>,
        %add3A_2379 = arith.addf %add3A_2376, %get3A_2378 : vector<16xf32>
        %get3A_2380 = arith.constant 136 : index
        %get3A_2381 = tpu.vector_load %arg13[%get3A_2380] {strides = array<i32>} : memref<272xf32, #tpu.memory_space<vmem>>, vector<16xf32>,
        %add3A_2382 = arith.addf %add3A_2379, %get3A_2381 : vector<16xf32>
        %get3A_2383 = arith.constant 153 : index
        %get3A_2384 = tpu.vector_load %arg13[%get3A_2383] {strides = array<i32>} : memref<272xf32, #tpu.memory_space<vmem>>, vector<16xf32>,
        %add3A_2385 = arith.addf %add3A_2382, %get3A_2384 : vector<16xf32>
        %get3A_2386 = arith.constant 170 : index
        %get3A_2387 = tpu.vector_load %arg13[%get3A_2386] {strides = array<i32>} : memref<272xf32, #tpu.memory_space<vmem>>, vector<16xf32>,
        %add3A_2388 = arith.addf %add3A_2385, %get3A_2387 : vector<16xf32>
        %get3A_2389 = arith.constant 187 : index
        %get3A_2390 = tpu.vector_load %arg13[%get3A_2389] {strides = array<i32>} : memref<272xf32, #tpu.memory_space<vmem>>, vector<16xf32>,
        %add3A_2391 = arith.addf %add3A_2388, %get3A_2390 : vector<16xf32>
        %get3A_2392 = arith.constant 204 : index
        %get3A_2393 = tpu.vector_load %arg13[%get3A_2392] {strides = array<i32>} : memref<272xf32, #tpu.memory_space<vmem>>, vector<16xf32>,
        %add3A_2394 = arith.addf %add3A_2391, %get3A_2393 : vector<16xf32>
        %get3A_2395 = arith.constant 221 : index
        %get3A_2396 = tpu.vector_load %arg13[%get3A_2395] {strides = array<i32>} : memref<272xf32, #tpu.memory_space<vmem>>, vector<16xf32>,
        %add3A_2397 = arith.addf %add3A_2394, %get3A_2396 : vector<16xf32>
        %get3A_2398 = arith.constant 238 : index
        %get3A_2399 = tpu.vector_load %arg13[%get3A_2398] {strides = array<i32>} : memref<272xf32, #tpu.memory_space<vmem>>, vector<16xf32>,
        %add3A_2400 = arith.addf %add3A_2397, %get3A_2399 : vector<16xf32>
        %get3A_2401 = arith.constant 255 : index
        %get3A_2402 = tpu.vector_load %arg13[%get3A_2401] {strides = array<i32>} : memref<272xf32, #tpu.memory_space<vmem>>, vector<16xf32>,
        %add3A_2403 = arith.addf %add3A_2400, %get3A_2402 : vector<16xf32>
        %mul3A_2404 = arith.constant 128 : i32
        %mul3A_2405 = arith.muli %scan3A_63, %mul3A_2404 : i32
        %mul3A_2406 = arith.constant 16 : i32
        %mul3A_2407 = arith.muli %scan3A_97, %mul3A_2406 : i32
        %add3A_2408 = arith.addi %mul3A_2405, %mul3A_2407 : i32
        %swap3A = arith.index_cast %add3A_2408 : i32 to index
        %swap3A_2409 = tpu.vector_load %arg12[%swap3A] {strides = array<i32>} : memref<512xf32, #tpu.memory_space<vmem>>, vector<16xf32>,
        tpu.vector_store %arg12[%swap3A], %add3A_2403 {strides = array<i32>} : memref<512xf32, #tpu.memory_space<vmem>>, vector<16xf32>,
      }
      %scan3A_78 = arith.constant 8 : i32
      %eq3A_79 = arith.constant 0 : i32
      %eq3A_80 = arith.cmpi eq, %rem3A_64, %eq3A_79 : i32
      %add3A_81 = arith.constant 2 : i32
      %add3A_82 = arith.addi %scan3A_63, %add3A_81 : i32
      %lt3A = arith.constant 4 : i32
      %lt3A_83 = arith.cmpi slt, %add3A_82, %lt3A : i32
      %and3A = arith.andi %eq3A_80, %lt3A_83 : i1
      %convert_element_type3A_84 = arith.extui %and3A : i1 to i32
      %cond3A_85 = arith.constant 0 : i32
      %cond3A_86 = arith.cmpi ne, %convert_element_type3A_84, %cond3A_85 : i32
      scf.if %cond3A_86 {
        %add3A_97 = arith.constant 2 : i32
        %add3A_98 = arith.addi %scan3A_63, %add3A_97 : i32
        %mul3A_99 = arith.constant 128 : i32
        %mul3A_100 = arith.muli %add3A_98, %mul3A_99 : i32
        %dma_start3A_101 = arith.constant 0 : i32
        %dma_start3A_102 = arith.constant 0 : i32
        %dma_start3A_103 = tpu.memref_slice %arg9[%dma_start3A_101, %dma_start3A_102] : memref<256x128xf32, #tpu.memory_space<vmem>> -> memref<128x128xf32, #tpu.memory_space<vmem>>
        %dma_start3A_104 = tpu.memref_slice %arg7[%mul3A_100] : memref<512xi32, #tpu.memory_space<vmem>> -> memref<128xi32, #tpu.memory_space<vmem>>
        %dma_start3A_105 = arith.constant 0 : i32
        %dma_start3A_106 = arith.constant 0 : i32
        %dma_start3A_107 = tpu.memref_slice %arg4[%dma_start3A_105, %dma_start3A_106] : memref<100000x128xf32, #tpu.memory_space<hbm>> -> memref<100000x128xf32, #tpu.memory_space<hbm>>
        tpu.enqueue_indirect_dma source(%dma_start3A_107 : memref<100000x128xf32, #tpu.memory_space<hbm>>) target(%dma_start3A_103 : memref<128x128xf32, #tpu.memory_space<vmem>>) offsets(%dma_start3A_104 : memref<128xi32, #tpu.memory_space<vmem>>) semaphore(%arg14 : memref<!tpu.dma_semaphore, #tpu.memory_space<semaphore_mem>>)
        %mul3A_108 = arith.constant 128 : i32
        %mul3A_109 = arith.muli %add3A_98, %mul3A_108 : i32
        %dma_start3A_110 = arith.constant 0 : i32
        %dma_start3A_111 = arith.constant 0 : i32
        %dma_start3A_112 = tpu.memref_slice %arg10[%dma_start3A_110, %dma_start3A_111] : memref<256x128xf32, #tpu.memory_space<vmem>> -> memref<128x128xf32, #tpu.memory_space<vmem>>
        %dma_start3A_113 = tpu.memref_slice %arg8[%mul3A_109] : memref<512xi32, #tpu.memory_space<vmem>> -> memref<128xi32, #tpu.memory_space<vmem>>
        %dma_start3A_114 = arith.constant 0 : i32
        %dma_start3A_115 = arith.constant 0 : i32
        %dma_start3A_116 = tpu.memref_slice %arg4[%dma_start3A_114, %dma_start3A_115] : memref<100000x128xf32, #tpu.memory_space<hbm>> -> memref<100000x128xf32, #tpu.memory_space<hbm>>
        tpu.enqueue_indirect_dma source(%dma_start3A_116 : memref<100000x128xf32, #tpu.memory_space<hbm>>) target(%dma_start3A_112 : memref<128x128xf32, #tpu.memory_space<vmem>>) offsets(%dma_start3A_113 : memref<128xi32, #tpu.memory_space<vmem>>) semaphore(%arg16 : memref<!tpu.dma_semaphore, #tpu.memory_space<semaphore_mem>>)
      } else {
      }
      %eq3A_87 = arith.constant 1 : i32
      %eq3A_88 = arith.cmpi eq, %rem3A_64, %eq3A_87 : i32
      %add3A_89 = arith.constant 2 : i32
      %add3A_90 = arith.addi %scan3A_63, %add3A_89 : i32
      %lt3A_91 = arith.constant 4 : i32
      %lt3A_92 = arith.cmpi slt, %add3A_90, %lt3A_91 : i32
      %and3A_93 = arith.andi %eq3A_88, %lt3A_92 : i1
      %convert_element_type3A_94 = arith.extui %and3A_93 : i1 to i32
      %cond3A_95 = arith.constant 0 : i32
      %cond3A_96 = arith.cmpi ne, %convert_element_type3A_94, %cond3A_95 : i32
      scf.if %cond3A_96 {
        %add3A_97 = arith.constant 2 : i32
        %add3A_98 = arith.addi %scan3A_63, %add3A_97 : i32
        %mul3A_99 = arith.constant 128 : i32
        %mul3A_100 = arith.muli %add3A_98, %mul3A_99 : i32
        %dma_start3A_101 = arith.constant 128 : i32
        %dma_start3A_102 = arith.constant 0 : i32
        %dma_start3A_103 = tpu.memref_slice %arg9[%dma_start3A_101, %dma_start3A_102] : memref<256x128xf32, #tpu.memory_space<vmem>> -> memref<128x128xf32, #tpu.memory_space<vmem>>
        %dma_start3A_104 = tpu.memref_slice %arg7[%mul3A_100] : memref<512xi32, #tpu.memory_space<vmem>> -> memref<128xi32, #tpu.memory_space<vmem>>
        %dma_start3A_105 = arith.constant 0 : i32
        %dma_start3A_106 = arith.constant 0 : i32
        %dma_start3A_107 = tpu.memref_slice %arg4[%dma_start3A_105, %dma_start3A_106] : memref<100000x128xf32, #tpu.memory_space<hbm>> -> memref<100000x128xf32, #tpu.memory_space<hbm>>
        tpu.enqueue_indirect_dma source(%dma_start3A_107 : memref<100000x128xf32, #tpu.memory_space<hbm>>) target(%dma_start3A_103 : memref<128x128xf32, #tpu.memory_space<vmem>>) offsets(%dma_start3A_104 : memref<128xi32, #tpu.memory_space<vmem>>) semaphore(%arg15 : memref<!tpu.dma_semaphore, #tpu.memory_space<semaphore_mem>>)
        %mul3A_108 = arith.constant 128 : i32
        %mul3A_109 = arith.muli %add3A_98, %mul3A_108 : i32
        %dma_start3A_110 = arith.constant 128 : i32
        %dma_start3A_111 = arith.constant 0 : i32
        %dma_start3A_112 = tpu.memref_slice %arg10[%dma_start3A_110, %dma_start3A_111] : memref<256x128xf32, #tpu.memory_space<vmem>> -> memref<128x128xf32, #tpu.memory_space<vmem>>
        %dma_start3A_113 = tpu.memref_slice %arg8[%mul3A_109] : memref<512xi32, #tpu.memory_space<vmem>> -> memref<128xi32, #tpu.memory_space<vmem>>
        %dma_start3A_114 = arith.constant 0 : i32
        %dma_start3A_115 = arith.constant 0 : i32
        %dma_start3A_116 = tpu.memref_slice %arg4[%dma_start3A_114, %dma_start3A_115] : memref<100000x128xf32, #tpu.memory_space<hbm>> -> memref<100000x128xf32, #tpu.memory_space<hbm>>
        tpu.enqueue_indirect_dma source(%dma_start3A_116 : memref<100000x128xf32, #tpu.memory_space<hbm>>) target(%dma_start3A_112 : memref<128x128xf32, #tpu.memory_space<vmem>>) offsets(%dma_start3A_113 : memref<128xi32, #tpu.memory_space<vmem>>) semaphore(%arg17 : memref<!tpu.dma_semaphore, #tpu.memory_space<semaphore_mem>>)
      } else {
      }
    }
    %scan3A_62 = arith.constant 4 : i32
    "tpu.region"() ({
      %run_scoped3A = tpu.sem_alloc : memref<!tpu.dma_semaphore, #tpu.memory_space<semaphore_mem>>
      %dma_start3A_63 = tpu.memref_slice %arg6[%mul3A_2] : memref<16384xf32, #tpu.memory_space<hbm>> -> memref<512xf32, #tpu.memory_space<hbm>>
      %dma_start3A_64 = tpu.memref_slice %arg6[%mul3A_2] : memref<16384xf32, #tpu.memory_space<hbm>> -> memref<512xf32, #tpu.memory_space<hbm>>
      tpu.enqueue_dma source(%arg12 : memref<512xf32, #tpu.memory_space<vmem>>) target(%dma_start3A_64 : memref<512xf32, #tpu.memory_space<hbm>>) target_semaphore(%run_scoped3A : memref<!tpu.dma_semaphore, #tpu.memory_space<semaphore_mem>>)
      %dma_wait3A_65 = tpu.memref_slice %arg6[%mul3A_2] : memref<16384xf32, #tpu.memory_space<hbm>> -> memref<512xf32, #tpu.memory_space<hbm>>
      %dma_wait3A_66 = tpu.memref_slice %arg6[%mul3A_2] : memref<16384xf32, #tpu.memory_space<hbm>> -> memref<512xf32, #tpu.memory_space<hbm>>
      tpu.wait_dma2 semaphore(%run_scoped3A : memref<!tpu.dma_semaphore, #tpu.memory_space<semaphore_mem>>) src(%arg12 : memref<512xf32, #tpu.memory_space<vmem>>) dst(%dma_wait3A_66 : memref<512xf32, #tpu.memory_space<hbm>>)
      tpu.yield
    }) : () -> ()
    return
  }
}

</mosaic_0001>

<sc_bundles>
// kernel: kernel.3.cloned.1.call-start
scs
__scs_entry_jumppad:
0x0: {  	(pc) =	sbr.rel $0x88, $3  }
0x1: {  	(tag) =	ssettag $0x0;
	lr =	simm.s32 $0x1  }
0x2: {  	[smem:$0x3F9D] =	sst lr;
	_ =	strace $0xD0000000  }
0x3: {  	_ = 	snop  }
0x4: {  	_ = 	snop  }
0x5: {  	_ = 	snop  }
0x6: {  	_ = 	snop  }
0x7: {  	_ = 	snop  }
__scs_overlays_trampoline_lowered:
0x8: {  	[smem:$0x3FAC] =	sst s0  }
0x9: {  	[smem:$0x3FAD] =	sst s1  }
0xa: {  	[smem:$0x3FAE] =	sst s2  }
0xb: {  	[smem:$0x3FAF] =	sst s3  }
0xc: {  	[smem:$0x3FB0] =	sst s4  }
0xd: {  	[smem:$0x3FB1] =	sst s5  }
0xe: {  	[smem:$0x3FB2] =	sst s6  }
0xf: {  	[smem:$0x3FB3] =	sst s7  }
0x10: {  	[smem:$0x3FB4] =	sst s8  }
0x11: {  	[smem:$0x3FB5] =	sst s9;
	s0 =	simm.s32 @!p0 $0x0  }
0x12: {  	s1 =	sld [smem:$0x3F9B];
	s0 =	simm.s32 @p0 $0x1  }
0x13: {  	[smem:$0x3FB6] =	sst s0;
	s0 =	simm.s32 @!p1 $0x0  }
0x14: {  	s2 =	sld [smem:$0x3F9A];
	s0 =	simm.s32 @p1 $0x1  }
0x15: {  	[smem:$0x3FB7] =	sst s0;
	s0 =	simm.s32 @!p2 $0x0  }
0x16: {  	s3 =	sld [smem:$0x3FDB];
	s0 =	simm.s32 @p2 $0x1  }
0x17: {  	s4 =	simm.s32 $0x1BF5;
	[smem:$0x3FB9] =	sst s0  }
0x18: {  	s0 =	sld [smem:$0x3F9C];
	_ =	swait.ge [sflag:s4], $0x0  }
0x19: {  	s7 =	sld [smem:$0x3F9D]  }
0x1a: {  	s8 =	sadd.s32 $0xFFFFE003, lr  }
0x1b: {  	s9 =	sadd.s32 $0xFFFFFEF7, lr;
	s5 =	simm.s32 $0xFFFFFFFF;
	p2 =	slt.u32 s8, $0xFFFFF086  }
0x1c: {  	p1 =	slt.u32 s9, $0xF7A;
	s5 =	simm.s32 @!p2 $0x0  }
0x1d: {  	s5 =	simm.s32 @p1 $0x1;
	p0 =	seq.s32 s7, s2  }
0x1e: {  	s7 =	smul.u32 @!p0 $0xF7A, s2;
	p2 =	seq.s32 @!p0 s5, $0x0  }
0x1f: {  	s9 =	smul.u32 $0xF7A, s1;
	s8 =	simm.s32 @!p0 $0x1BF5;
	p2 =	por !p2, p0  }
0x20: {  	[sflag:s8] =	ssyncset.s32 @!p0 $0xFFFFF086;
	s6 =	sadd.s32 @!p0 s3, s7;
	s7 =	simm.s32 @!p0 $0x108  }
0x21: {  	s3 =	sadd.s32 s3, s9;
	s6 =	sadd.s32 @!p0 $0x88, s6;
	s7 =	simm.s32 @p2 $0x1082  }
0x22: {  	[simem:s7], [sflag:s8] =	dma.local @!p0 [hbm:s6], $0xF7A  }
0x23: {  	s9 =	sor.u32 $0xD0000000, s2;
	s6 =	simm.s32 $0x108;
	_ =	swait.ge @!p0 [sflag:s8], $0x0  }
0x24: {  	s3 =	sadd.s32 $0x88, s3;
	s6 =	simm.s32 @!p1 $0x1082;
	[sflag:s4] =	ssyncset.s32 $0xFFFFF086  }
0x25: {  	[simem:s6], [sflag:s4] =	dma.local [hbm:s3], $0xF7A  }
0x26: {  	[smem:$0x3F9D] =	sst s1;
	(tag) =	ssettag s2;
	_ =	strace s9  }
0x27: {  	s1 =	sld [smem:$0x3FAD]  }
0x28: {  	s2 =	sld [smem:$0x3FAE]  }
0x29: {  	s4 =	sld [smem:$0x3FB0]  }
0x2a: {  	p0 =	seq.s32 s5, $0x0;
	s5 =	sld [smem:$0x3FB1]  }
0x2b: {  	s6 =	sld [smem:$0x3FB2]  }
0x2c: {  	s7 =	sld [smem:$0x3FB3]  }
0x2d: {  	s3 =	simm.s32 $0x108;
	s8 =	sld [smem:$0x3FB4]  }
0x2e: {  	s3 =	simm.s32 @!p0 $0x1082;
	s9 =	sld [smem:$0x3FB5]  }
0x2f: {  	lr =	sadd.s32 s0, s3;
	s0 =	sld [smem:$0x3FAC]  }
0x30: {  	s3 =	sld [smem:$0x3FAF]  }
0x31: {  	[smem:$0x3FB8] =	sst s10  }
0x32: {  	s10 =	sld [smem:$0x3FB6];
	_ =	sdelay $0x3  }
0x33: {  	p0 =	seq.s32 s10, $0x1;
	s10 =	sld [smem:$0x3FB8];
	_ =	sdelay $0x3  }
0x34: {  	[smem:$0x3FB8] =	sst s10  }
0x35: {  	s10 =	sld [smem:$0x3FB7];
	_ =	sdelay $0x3  }
0x36: {  	p1 =	seq.s32 s10, $0x1;
	s10 =	sld [smem:$0x3FB8];
	_ =	sdelay $0x3  }
0x37: {  	[smem:$0x3FB8] =	sst s10  }
0x38: {  	s10 =	sld [smem:$0x3FB9]  }
0x39: {  	_ = 	snop;
	(pc) =	sbr.ind lr, $3  }
0x3a: {  	_ = 	snop  }
0x3b: {  	_ = 	snop  }
0x3c: {  	p2 =	seq.s32 s10, $0x1;
	s10 =	sld [smem:$0x3FB8]  }
0x3d: {  	_ =	shalt  }
0x3e: {  	_ =	shalt  }
0x3f: {  	_ =	shalt  }
0x40: {  	_ =	shalt  }
0x41: {  	_ =	shalt  }
0x42: {  	_ =	shalt  }
0x43: {  	_ =	shalt  }
0x44: {  	_ =	shalt  }
0x45: {  	_ =	shalt  }
0x46: {  	_ =	shalt  }
0x47: {  	_ =	shalt  }
0x48: {  	_ =	shalt  }
0x49: {  	_ =	shalt  }
0x4a: {  	_ =	shalt  }
0x4b: {  	_ =	shalt  }
0x4c: {  	_ =	shalt  }
0x4d: {  	_ =	shalt  }
0x4e: {  	_ =	shalt  }
0x4f: {  	_ =	shalt  }
0x50: {  	_ =	shalt  }
0x51: {  	_ =	shalt  }
0x52: {  	_ =	shalt  }
0x53: {  	_ =	shalt  }
0x54: {  	_ =	shalt  }
0x55: {  	_ =	shalt  }
0x56: {  	_ =	shalt  }
0x57: {  	_ =	shalt  }
0x58: {  	_ =	shalt  }
0x59: {  	_ =	shalt  }
0x5a: {  	_ =	shalt  }
0x5b: {  	_ =	shalt  }
0x5c: {  	_ =	shalt  }
0x5d: {  	_ =	shalt  }
0x5e: {  	_ =	shalt  }
0x5f: {  	_ =	shalt  }
0x60: {  	_ =	shalt  }
0x61: {  	_ =	shalt  }
0x62: {  	_ =	shalt  }
0x63: {  	_ =	shalt  }
0x64: {  	_ =	shalt  }
0x65: {  	_ =	shalt  }
0x66: {  	_ =	shalt  }
0x67: {  	_ =	shalt  }
0x68: {  	_ =	shalt  }
0x69: {  	_ =	shalt  }
0x6a: {  	_ =	shalt  }
0x6b: {  	_ =	shalt  }
0x6c: {  	_ =	shalt  }
0x6d: {  	_ =	shalt  }
0x6e: {  	_ =	shalt  }
0x6f: {  	_ =	shalt  }
0x70: {  	_ =	shalt  }
0x71: {  	_ =	shalt  }
0x72: {  	_ =	shalt  }
0x73: {  	_ =	shalt  }
0x74: {  	_ =	shalt  }
0x75: {  	_ =	shalt  }
0x76: {  	_ =	shalt  }
0x77: {  	_ =	shalt  }
0x78: {  	_ =	shalt  }
0x79: {  	_ =	shalt  }
0x7a: {  	_ =	shalt  }
0x7b: {  	_ =	shalt  }
0x7c: {  	_ =	shalt  }
0x7d: {  	_ =	shalt  }
0x7e: {  	_ =	shalt  }
0x7f: {  	_ =	shalt  }
0x80: {  	_ =	shalt  }
0x81: {  	_ =	shalt  }
0x82: {  	_ =	shalt  }
0x83: {  	_ =	shalt  }
0x84: {  	_ =	shalt  }
0x85: {  	_ =	shalt  }
0x86: {  	_ =	shalt  }
0x87: {  	_ =	shalt  }
.Lfunc_end0:
.L_simem_size_0:
called_computation_lowered:
.L_overlay_start_0:
0x88: {  	s2 =	sld [smem:$0x3FD9]  }
0x89: {  	s3 =	sld [smem:$0x3FFE];
	_ =	sdelay $0x1  }
0x8a: {  	s1 =	srdreg.scid  }
0x8b: {  	s0 =	sand.u32 $0x1, s1  }
0x8c: {  	s18 =	sshll.u32 s0, $0xA;
	s2 =	sadd.s32 s3, s2  }
0x8d: {  	s2 =	sadd.s32 s2, s18  }
0x8e: {  	[smem:$0x3FC4] =	sst s2  }
0x8f: {  	_ = 	snop  }
0x90: {  	s2 =	sld [smem:$0x3FC9]  }
0x91: {  	s19 =	sld [smem:$0x3FC8]  }
0x92: {  	s4 =	sld [smem:$0x3FC7]  }
0x93: {  	s5 =	sld [smem:$0x3FC6]  }
0x94: {  	s6 =	sld [smem:$0x3FD0];
	(tm) =	ssettm $0x1  }
0x95: {  	s7 =	sld [smem:$0x3FFB];
	_ =	sdelay $0x3  }
0x96: {  	_ =	strace s7  }
0x97: {  	s7 =	sld [smem:$0x3FFC];
	_ =	sdelay $0x3  }
0x98: {  	_ =	strace s7  }
0x99: {  	s7 =	sld [smem:$0x3FFD];
	_ =	sdelay $0x3  }
0x9a: {  	_ =	strace s7  }
0x9b: {  	_ =	strace $0x8FFFFFFF  }
0x9c: {  	s20 =	sld [smem:$0x3FDB];
	_ =	sdelay $0x1  }
0x9d: {  	s8 =	simm.s32 $_scs_section_size  }
0x9e: {  	s9 =	simm.s32 $_size__tile_overlayer_lowered;
	s10 =	simm.s32 $_tile_overlayer_lowered  }
0x9f: {  	s23 =	simm.s32 $0x1BFF;
	s22 =	sshll.u32 s10, $0x1;
	s7 =	sadd.s32 s8, s20  }
0xa0: {  	s11 =	simm.s32 $0x0;
	s21 =	sshll.u32 s9, $0x1;
	s9 =	sadd.s32 s22, s7  }
0xa1: {  	[timem:s11], [sflag:s23] =	dma.local [hbm:s9], s21  }
0xa2: {  	_ =	swait.ge [sflag:s23], s21  }
0xa3: {  	s8 =	ssub.s32 $0x0, s21;
	[sflag:s23] =	ssyncset.done $0x0  }
0xa4: {  	[sflag:s23] =	ssyncadd.s32 s8;
	_ =	sdelay $0x1  }
0xa5: {  	s24 =	simm.s32 $0x1B8B  }
0xa6: {  	_ =	swait.ge [sflag:s24], $0x1  }
0xa7: {  	[sflag:s24] =	ssyncset.done $0x0  }
0xa8: {  	s25 =	simm.s32 $0x1B8E;
	[sflag:s24] =	ssyncadd.s32 $0xFFFFFFFF  }
0xa9: {  	s26 =	simm.s32 $execute0_lowered;
	[smem:$0x3FD2] =	sst s25  }
0xaa: {  	s8 =	sshll.u32 s26, $0x1;
	_ =	strace $0x80000046;
	[dreg:$0x1] =	wrdreg $0xFFFFFFFF  }
0xab: {  	s28 =	simm.s32 $_size_execute0_lowered;
	s7 =	sadd.s32 s7, s8;
	[dreg:$0x0] =	wrdreg $0x0  }
0xac: {  	s8 =	sshll.u32 s28, $0x1;
	[dreg:$0x2] =	wrdreg s7  }
0xad: {  	[dreg:$0x3] =	wrdreg s8  }
0xae: {  	[dreg:$0x4] =	wrdreg $0xC0  }
0xaf: {  	_ =	task [dreg:s11], $0x5FFFF  }
0xb0: {  	[dreg:$0x1] =	wrdreg $0xFFFFFFFF  }
0xb1: {  	[dreg:$0x0] =	wrdreg $0x60  }
0xb2: {  	[dreg:$0x2] =	wrdreg s2  }
0xb3: {  	[dreg:$0x3] =	wrdreg s19  }
0xb4: {  	[dreg:$0x4] =	wrdreg s4  }
0xb5: {  	[dreg:$0x5] =	wrdreg s5  }
0xb6: {  	[dreg:$0x6] =	wrdreg s6  }
0xb7: {  	[dreg:$0x7] =	wrdreg $0x9  }
0xb8: {  	_ =	task.clear_ibuf [dreg:s11], $0x8FFFF;
	_ =	strace $0x90000046  }
0xb9: {  	s29 =	simm.s32 $0x9;
	_ =	strace $0x80000048  }
0xba: {  	_ =	swait.ge [sflag:s29], $0x1  }
0xbb: {  	[sflag:s29] =	ssyncadd.s32 $0xFFFFFFFF  }
0xbc: {  	_ =	strace $0x90000048  }
0xbd: {  	_ =	sfence  }
0xbe: {  	s30 =	sld [smem:$0x0];
	_ =	sdelay $0x2  }
0xbf: {  	s31 =	sshll.u32 s1, $0xD;
	s1 =	sshrl.u32 s1, $0x2  }
0xc0: {  	s3 =	sand.u32 $0x4000, s31;
	s1 =	sadd.s32 s1, s30  }
0xc1: {  	s0 =	sor.u32 s3, s0;
	s1 =	sshll.u32 s1, $0x11  }
0xc2: {  	s0 =	sor.u32 s1, s0  }
0xc3: {  	s0 =	sadd.s32 $0x8F2B, s0  }
0xc4: {  	[sflag:s0] =	ssyncadd.remote.s32 $0x1  }
0xc5: {  	_ =	sfence.sel $0xFFFF  }
0xc6: {  	[dreg:$0x0] =	wrdreg $0xFFFFFFFF;
	(pc) =	sbr.abs _section_cstart, $3  }
0xc7: {  	[dreg:$0x1] =	wrdreg $0xFFFFFFFF  }
0xc8: {  	_ =	task.clear_ibuf [dreg:s11], $0x2FFFF;
	_ =	strace $0x9FFFFFFF  }
0xc9: {  	(tm) =	ssettm $0x7FFFFFFF  }
tec
execute0_lowered:
.L_overlay_start_1:
0x0: {  	(tag) =	ssettag $0x1  }
0x1: {  	s5 =	rddreg [dreg:$0x0]  }
0x2: {  	s6 =	rddreg [dreg:$0x1]  }
0x3: {  	s1 =	rddreg [dreg:$0x2]  }
0x4: {  	s2 =	rddreg [dreg:$0x3]  }
0x5: {  	s7 =	rddreg [dreg:$0x4]  }
0x6: {  	s0 =	rddreg [dreg:$0x5];
	s8 =	srdreg.scid  }
0x7: {  	s4 =	simm.s32 $0x0;
	s3 =	stileid.u32;
	s12 =	simm.s32 $0x3  }
0x8: {  	s13 =	simm.s32 $0x80;
	s14 =	simm.s32 $0x400;
	s15 =	simm.s32 $0x8400  }
0x9: {  	v0 =	vlaneseq.u32;
	s16 =	simm.s32 $0x4400;
	s17 =	simm.s32 $0x280;
	s18 =	simm.s32 $0xC400  }
0xa: {  	s19 =	simm.s32 $0x5;
	s20 =	simm.s32 $0x10680;
	s21 =	simm.s32 $0x10480;
	v0 =	vmul.u32 $0x11, v0  }
0xb: {  	s22 =	simm.s32 $0x6;
	s23 =	simm.s32 $0x0;
	s8 =	sand.u32 $0x1, s8  }
0xc: {  	s10 =	sshll.u32 s3, $0x7;
	[smem:$0x7FF] =	sst s4;
	s9 =	ssub.s32 $0x2, s8;
	v1 =	vadd.s32 $0x1, v0;
	v2 =	vadd.s32 $0x2, v0;
	v3 =	vadd.s32 $0x3, v0  }
0xd: {  	s8 =	sshll.u32 s8, $0x6;
	_ =	strace $0x80000047;
	s11 =	sshrl.u32 s9, $0x1;
	v4 =	vadd.s32 $0x4, v0;
	v5 =	vadd.s32 $0x5, v0;
	v6 =	vadd.s32 $0x6, v0  }
0xe: {  	s8 =	sor.u32 s8, s10;
	s10 =	simm.s32 $0x10400;
	v7 =	vadd.s32 $0x7, v0;
	v8 =	vadd.s32 $0x8, v0;
	v9 =	vadd.s32 $0x9, v0;
	s9 =	ssub.s32 s9, s11  }
0xf: {  	v10 =	vadd.s32 $0xA, v0;
	v11 =	vadd.s32 $0xB, v0;
	v14 =	vadd.s32 $0xC, v0;
	s5 =	sadd.s32 s5, s8;
	s6 =	sadd.s32 s6, s8;
	s7 =	sadd.s32 s7, s8  }
0x10: {  	v15 =	vadd.s32 $0xD, v0;
	v25 =	vadd.s32 $0xE, v0;
	v28 =	vadd.s32 $0xF, v0;
	s11 =	simm.s32 $0x1;
	[tilespmem:$0x1FFF0] =	vst v14;
	s8 =	smax.u32 s9, $0x1;
	s9 =	simm.s32 $0x200  }
.LBB2_1:
0x11: {  	[tilespmem:s4], [sflag:$0x1] =	stream.linear.gather [hbm4b:s5+s4], $0x200, $0x38;
	[tilespmem:$0x10790] =	vst v63  }
0x12: {  	_ = 	snop  }
0x13: {  	[tilespmem:s9], [sflag:$0x3] =	stream.linear.gather [hbm4b:s6+s4], $0x200, $0x38;
	[tilespmem:$0x10790] =	vst v63  }
0x14: {  	_ = 	snop  }
0x15: {  	[tilespmem:s10], [sflag:$0x5] =	stream.linear.gather [hbm4b:s2+s4], $0x80, $0x38;
	[tilespmem:$0x10790] =	vst v63  }
0x16: {  	_ =	swait.ge [sflag:s11], $0x200  }
0x17: {  	[sflag:s11] =	ssyncset.done $0x0  }
0x18: {  	[sflag:s11] =	ssyncadd.s32 $0xFFFFFE00  }
0x19: {  	_ =	swait.ge [sflag:s12], $0x200  }
0x1a: {  	[sflag:s12] =	ssyncset.done $0x0  }
0x1b: {  	[sflag:s12] =	ssyncadd.s32 $0xFFFFFE00  }
0x1c: {  	[tilespmem:s14], [sflag:$0x1] =	stream.indirect.gather [hbm4b:s1+s13], $0x80, s4, s13, $0xb8;
	[tilespmem:$0x10790] =	vst v63  }
0x1d: {  	_ = 	snop  }
0x1e: {  	[tilespmem:s15], [sflag:$0x3] =	stream.indirect.gather [hbm4b:s1+s13], $0x80, s9, s13, $0xb8;
	[tilespmem:$0x10790] =	vst v63  }
0x1f: {  	_ = 	snop  }
0x20: {  	[tilespmem:s16], [sflag:$0x2] =	stream.indirect.gather [hbm4b:s1+s13], $0x80, s13, s13, $0xb8;
	[tilespmem:$0x10790] =	vst v63  }
0x21: {  	_ = 	snop  }
0x22: {  	[tilespmem:s18], [sflag:$0x4] =	stream.indirect.gather [hbm4b:s1+s13], $0x80, s17, s13, $0xb8;
	[tilespmem:$0x10790] =	vst v63  }
0x23: {  	_ =	swait.ge [sflag:s19], $0x80  }
0x24: {  	[sflag:s19] =	ssyncset.done $0x0  }
0x25: {  	[sflag:s19] =	ssyncadd.s32 $0xFFFFFF80  }
0x26: {  	v16 =	vld [tilespmem:$0x10400]  }
0x27: {  	v17 =	vld [tilespmem:$0x10410]  }
0x28: {  	v18 =	vld [tilespmem:$0x10420]  }
0x29: {  	v19 =	vld [tilespmem:$0x10430]  }
0x2a: {  	v20 =	vld [tilespmem:$0x10440]  }
0x2b: {  	v21 =	vld [tilespmem:$0x10450]  }
0x2c: {  	v22 =	vld [tilespmem:$0x10460]  }
0x2d: {  	s24 =	simm.s32 $0x0;
	v23 =	vld [tilespmem:$0x10470]  }
.LBB2_2:
0x2e: {  	s25 =	sand.u32 $0x1, s24  }
0x2f: {  	p0 =	seq.s32 s25, $0x1  }
0x30: {  	s26 =	simm.s32 @!p0 $0x1  }
0x31: {  	_ =	swait.ge @!p0 [sflag:s26], $0x4000  }
0x32: {  	[sflag:s26] =	ssyncset.done @!p0 $0x0  }
0x33: {  	[sflag:s26] =	ssyncadd.s32 @!p0 $0xFFFFC000;
	s26 =	simm.s32 @!p0 $0x3  }
0x34: {  	_ =	swait.ge @!p0 [sflag:s26], $0x4000  }
0x35: {  	p1 =	seq.s32 s25, $0x0;
	[sflag:s26] =	ssyncset.done @!p0 $0x0  }
0x36: {  	[sflag:s26] =	ssyncadd.s32 @!p0 $0xFFFFC000;
	s26 =	simm.s32 @!p1 $0x2  }
0x37: {  	_ =	swait.ge @!p1 [sflag:s26], $0x4000  }
0x38: {  	s28 =	sshll.u32 s24, $0x7;
	s29 =	sshll.u32 s25, $0xE;
	[sflag:s26] =	ssyncset.done @!p1 $0x0  }
0x39: {  	s28 =	sand.u32 $0x3FFFFF80, s28;
	v24 =	vmov s29;
	[sflag:s26] =	ssyncadd.s32 @!p1 $0xFFFFC000;
	s26 =	simm.s32 @!p1 $0x4  }
0x3a: {  	s28 =	sadd.s32 $0x10480, s28;
	_ =	swait.ge @!p1 [sflag:s26], $0x4000  }
0x3b: {  	v12 =	vmov s28;
	[sflag:s26] =	ssyncset.done @!p1 $0x0  }
0x3c: {  	s25 =	simm.s32 $0x0;
	[tilespmem:$0x1FFE0] =	vst v12;
	[sflag:s26] =	ssyncadd.s32 @!p1 $0xFFFFC000  }
.LBB2_3:
0x3d: {  	s26 =	sshll.u32 s25, $0xB  }
0x3e: {  	v26 =	vld.idx.msk [tilespmem:v24+s26+$0x400 ss:$0x1], $0xffff  }
0x3f: {  	v27 =	vld.idx.msk [tilespmem:v24+s26+$0x8400 ss:$0x1], $0xffff  }
0x40: {  	v14 =	vmov v28;
	v28 =	vld.idx.msk [tilespmem:v24+s26+$0x480 ss:$0x1], $0xffff  }
0x41: {  	v29 =	vld.idx.msk [tilespmem:v24+s26+$0x8480 ss:$0x1], $0xffff  }
0x42: {  	v30 =	vld.idx.msk [tilespmem:v24+s26+$0x500 ss:$0x1], $0xffff  }
0x43: {  	v31 =	vld.idx.msk [tilespmem:v24+s26+$0x8500 ss:$0x1], $0xffff  }
0x44: {  	v32 =	vld.idx.msk [tilespmem:v24+s26+$0x580 ss:$0x1], $0xffff  }
0x45: {  	v33 =	vld.idx.msk [tilespmem:v24+s26+$0x8580 ss:$0x1], $0xffff  }
0x46: {  	v34 =	vld.idx.msk [tilespmem:v24+s26+$0x410 ss:$0x1], $0xffff  }
0x47: {  	v35 =	vld.idx.msk [tilespmem:v24+s26+$0x8410 ss:$0x1], $0xffff  }
0x48: {  	v36 =	vld.idx.msk [tilespmem:v24+s26+$0x490 ss:$0x1], $0xffff  }
0x49: {  	v37 =	vld.idx.msk [tilespmem:v24+s26+$0x8490 ss:$0x1], $0xffff  }
0x4a: {  	v38 =	vld.idx.msk [tilespmem:v24+s26+$0x510 ss:$0x1], $0xffff  }
0x4b: {  	v39 =	vld.idx.msk [tilespmem:v24+s26+$0x8510 ss:$0x1], $0xffff  }
0x4c: {  	v40 =	vld.idx.msk [tilespmem:v24+s26+$0x590 ss:$0x1], $0xffff  }
0x4d: {  	v41 =	vld.idx.msk [tilespmem:v24+s26+$0x8590 ss:$0x1], $0xffff  }
0x4e: {  	v42 =	vld.idx.msk [tilespmem:v24+s26+$0x420 ss:$0x1], $0xffff  }
0x4f: {  	v43 =	vld.idx.msk [tilespmem:v24+s26+$0x8420 ss:$0x1], $0xffff  }
0x50: {  	v44 =	vld.idx.msk [tilespmem:v24+s26+$0x4A0 ss:$0x1], $0xffff  }
0x51: {  	v45 =	vld.idx.msk [tilespmem:v24+s26+$0x84A0 ss:$0x1], $0xffff  }
0x52: {  	v46 =	vld.idx.msk [tilespmem:v24+s26+$0x520 ss:$0x1], $0xffff  }
0x53: {  	v47 =	vld.idx.msk [tilespmem:v24+s26+$0x8520 ss:$0x1], $0xffff  }
0x54: {  	v48 =	vld.idx.msk [tilespmem:v24+s26+$0x5A0 ss:$0x1], $0xffff  }
0x55: {  	v49 =	vld.idx.msk [tilespmem:v24+s26+$0x85A0 ss:$0x1], $0xffff  }
0x56: {  	v50 =	vld.idx.msk [tilespmem:v24+s26+$0x430 ss:$0x1], $0xffff  }
0x57: {  	v51 =	vld.idx.msk [tilespmem:v24+s26+$0x8430 ss:$0x1], $0xffff  }
0x58: {  	v52 =	vld.idx.msk [tilespmem:v24+s26+$0x4B0 ss:$0x1], $0xffff  }
0x59: {  	v53 =	vld.idx.msk [tilespmem:v24+s26+$0x84B0 ss:$0x1], $0xffff  }
0x5a: {  	v54 =	vld.idx.msk [tilespmem:v24+s26+$0x530 ss:$0x1], $0xffff  }
0x5b: {  	v55 =	vld.idx.msk [tilespmem:v24+s26+$0x8530 ss:$0x1], $0xffff  }
0x5c: {  	v56 =	vld.idx.msk [tilespmem:v24+s26+$0x5B0 ss:$0x1], $0xffff  }
0x5d: {  	v57 =	vld.idx.msk [tilespmem:v24+s26+$0x85B0 ss:$0x1], $0xffff  }
0x5e: {  	v58 =	vld.idx.msk [tilespmem:v24+s26+$0x440 ss:$0x1], $0xffff  }
0x5f: {  	v59 =	vld.idx.msk [tilespmem:v24+s26+$0x8440 ss:$0x1], $0xffff  }
0x60: {  	v60 =	vld.idx.msk [tilespmem:v24+s26+$0x4C0 ss:$0x1], $0xffff  }
0x61: {  	v61 =	vld.idx.msk [tilespmem:v24+s26+$0x84C0 ss:$0x1], $0xffff  }
0x62: {  	v62 =	vld.idx.msk [tilespmem:v24+s26+$0x540 ss:$0x1], $0xffff;
	v26 =	vmul.f32 v27, v26  }
0x63: {  	v27 =	vld.idx.msk [tilespmem:v24+s26+$0x8540 ss:$0x1], $0xffff;
	v28 =	vmul.f32 v29, v28;
	v30 =	vmul.f32 v31, v30  }
0x64: {  	v29 =	vld.idx.msk [tilespmem:v24+s26+$0x5C0 ss:$0x1], $0xffff;
	v32 =	vmul.f32 v33, v32;
	v34 =	vmul.f32 v35, v34  }
0x65: {  	v31 =	vld.idx.msk [tilespmem:v24+s26+$0x85C0 ss:$0x1], $0xffff;
	v36 =	vmul.f32 v37, v36;
	v38 =	vmul.f32 v39, v38  }
0x66: {  	v33 =	vld.idx.msk [tilespmem:v24+s26+$0x450 ss:$0x1], $0xffff;
	v40 =	vmul.f32 v41, v40;
	v42 =	vmul.f32 v43, v42  }
0x67: {  	v35 =	vld.idx.msk [tilespmem:v24+s26+$0x8450 ss:$0x1], $0xffff;
	v44 =	vmul.f32 v45, v44;
	v63 =	vmul.f32 v49, v48  }
0x68: {  	v37 =	vld.idx.msk [tilespmem:v24+s26+$0x4D0 ss:$0x1], $0xffff;
	v53 =	vmul.f32 v53, v52;
	v55 =	vmul.f32 v55, v54  }
0x69: {  	v39 =	vld.idx.msk [tilespmem:v24+s26+$0x84D0 ss:$0x1], $0xffff;
	v57 =	vmul.f32 v57, v56;
	v58 =	vmul.f32 v59, v58  }
0x6a: {  	v41 =	vld.idx.msk [tilespmem:v24+s26+$0x550 ss:$0x1], $0xffff;
	v26 =	vmul.f32 v26, v16;
	v28 =	vmul.f32 v28, v16  }
0x6b: {  	v43 =	vld.idx.msk [tilespmem:v24+s26+$0x8550 ss:$0x1], $0xffff;
	v30 =	vmul.f32 v30, v16;
	v32 =	vmul.f32 v32, v16  }
0x6c: {  	v45 =	vld.idx.msk [tilespmem:v24+s26+$0x5D0 ss:$0x1], $0xffff;
	v34 =	vmul.f32 v34, v17;
	v36 =	vmul.f32 v36, v17  }
0x6d: {  	v48 =	vld.idx.msk [tilespmem:v24+s26+$0x8460 ss:$0x1], $0xffff;
	v38 =	vmul.f32 v38, v17;
	v40 =	vmul.f32 v40, v17  }
0x6e: {  	v49 =	vld.idx.msk [tilespmem:v24+s26+$0x4E0 ss:$0x1], $0xffff;
	v63 =	vmul.f32 v63, v18;
	v59 =	vmul.f32 v57, v19  }
0x6f: {  	v52 =	vld.idx.msk [tilespmem:v24+s26+$0x8560 ss:$0x1], $0xffff;
	v56 =	vmul.f32 v58, v20;
	v26 =	vadd.f32 v34, v26;
	v34 =	vmul.f32 v42, v18  }
0x70: {  	v42 =	vmul.f32 v47, v46;
	v46 =	vld.idx.msk [tilespmem:v24+s26+$0x85D0 ss:$0x1], $0xffff;
	v28 =	vadd.f32 v36, v28;
	v36 =	vmul.f32 v44, v18  }
0x71: {  	v47 =	vld.idx.msk [tilespmem:v24+s26+$0x460 ss:$0x1], $0xffff;
	v27 =	vmul.f32 v27, v62;
	v29 =	vmul.f32 v31, v29  }
0x72: {  	v30 =	vadd.f32 v38, v30;
	v31 =	vld.idx.msk [tilespmem:v24+s26+$0x470 ss:$0x1], $0xffff;
	v33 =	vmul.f32 v35, v33;
	v37 =	vmul.f32 v39, v37  }
0x73: {  	v32 =	vadd.f32 v40, v32;
	v35 =	vld.idx.msk [tilespmem:v24+s26+$0x8470 ss:$0x1], $0xffff;
	v58 =	vmul.f32 v43, v41;
	v38 =	vmul.f32 v42, v18  }
0x74: {  	v39 =	vld.idx.msk [tilespmem:v24+s26+$0x84F0 ss:$0x1], $0xffff;
	v42 =	vmul.f32 v51, v50;
	v28 =	vadd.f32 v36, v28;
	v36 =	vmul.f32 v53, v19  }
0x75: {  	v50 =	vld.idx.msk [tilespmem:v24+s26+$0x84E0 ss:$0x1], $0xffff;
	v32 =	vadd.f32 v63, v32;
	v63 =	vmul.f32 v61, v60;
	v27 =	vmul.f32 v27, v20  }
0x76: {  	v26 =	vadd.f32 v34, v26;
	v51 =	vld.idx.msk [tilespmem:v24+s26+$0x560 ss:$0x1], $0xffff;
	v29 =	vmul.f32 v29, v20;
	v33 =	vmul.f32 v33, v21  }
0x77: {  	v53 =	vld.idx.msk [tilespmem:v24+s26+$0x5E0 ss:$0x1], $0xffff;
	v34 =	vmul.f32 v42, v19;
	v30 =	vadd.f32 v38, v30;
	v38 =	vmul.f32 v55, v19  }
0x78: {  	v61 =	vld.idx.msk [tilespmem:v24+s26+$0x570 ss:$0x1], $0xffff;
	v57 =	vmul.f32 v63, v20;
	v32 =	vadd.f32 v59, v32;
	v59 =	vmul.f32 v37, v21  }
0x79: {  	v42 =	vld.idx.msk [tilespmem:v24+s26+$0x85E0 ss:$0x1], $0xffff;
	v28 =	vadd.f32 v36, v28;
	v60 =	vmul.f32 v46, v45;
	v62 =	vmul.f32 v48, v47  }
0x7a: {  	v63 =	vld.idx.msk [tilespmem:v24+s26+$0x8570 ss:$0x1], $0xffff;
	v26 =	vadd.f32 v34, v26;
	v30 =	vadd.f32 v38, v30;
	v31 =	vmul.f32 v35, v31  }
0x7b: {  	v38 =	vld.idx.msk [tilespmem:v24+s26+$0x4F0 ss:$0x1], $0xffff;
	v28 =	vadd.f32 v57, v28;
	v48 =	vmul.f32 v60, v21;
	v49 =	vmul.f32 v50, v49  }
0x7c: {  	v29 =	vadd.f32 v29, v32;
	v50 =	vld.idx.msk [tilespmem:v24+s26+$0x5F0 ss:$0x1], $0xffff;
	v54 =	vmul.f32 v62, v22;
	v55 =	vmul.f32 v52, v51  }
0x7d: {  	v26 =	vadd.f32 v56, v26;
	v27 =	vadd.f32 v27, v30;
	v30 =	vmul.f32 v58, v21;
	v56 =	vld.idx.msk [tilespmem:v24+s26+$0x85F0 ss:$0x1], $0xffff  }
0x7e: {  	v28 =	vadd.f32 v59, v28;
	v31 =	vmul.f32 v31, v23;
	v57 =	vmul.f32 v49, v22  }
0x7f: {  	v58 =	vmul.f32 v42, v53;
	v29 =	vadd.f32 v48, v29;
	v26 =	vadd.f32 v33, v26  }
0x80: {  	v61 =	vmul.f32 v63, v61;
	v27 =	vadd.f32 v30, v27;
	v60 =	vmul.f32 v39, v38  }
0x81: {  	v30 =	vmul.f32 v55, v22;
	v59 =	vmul.f32 v58, v22;
	v26 =	vadd.f32 v54, v26  }
0x82: {  	v28 =	vadd.f32 v57, v28;
	v34 =	vmul.f32 v60, v23;
	v62 =	vmul.f32 v56, v50  }
0x83: {  	v27 =	vadd.f32 v30, v27;
	v30 =	vmul.f32 v61, v23;
	v26 =	vadd.f32 v31, v26  }
0x84: {  	v29 =	vadd.f32 v59, v29;
	v28 =	vadd.f32 v34, v28;
	v31 =	vmul.f32 v62, v23  }
0x85: {  	v27 =	vadd.f32 v30, v27;
	[tilespmem:v0+s20+$0x0] =	vst.idx.msk $0xffff, v26  }
0x86: {  	v26 =	vadd.f32 v31, v29;
	[tilespmem:v1+s20+$0x0] =	vst.idx.msk $0xffff, v28  }
0x87: {  	[tilespmem:v2+s20+$0x0] =	vst.idx.msk $0xffff, v27  }
0x88: {  	[tilespmem:v3+s20+$0x0] =	vst.idx.msk $0xffff, v26  }
0x89: {  	v26 =	vld.idx.msk [tilespmem:v24+s26+$0x600 ss:$0x1], $0xffff  }
0x8a: {  	v27 =	vld.idx.msk [tilespmem:v24+s26+$0x8600 ss:$0x1], $0xffff  }
0x8b: {  	v28 =	vld.idx.msk [tilespmem:v24+s26+$0x680 ss:$0x1], $0xffff  }
0x8c: {  	v29 =	vld.idx.msk [tilespmem:v24+s26+$0x8680 ss:$0x1], $0xffff  }
0x8d: {  	v30 =	vld.idx.msk [tilespmem:v24+s26+$0x700 ss:$0x1], $0xffff  }
0x8e: {  	v31 =	vld.idx.msk [tilespmem:v24+s26+$0x8700 ss:$0x1], $0xffff  }
0x8f: {  	v32 =	vld.idx.msk [tilespmem:v24+s26+$0x780 ss:$0x1], $0xffff  }
0x90: {  	v33 =	vld.idx.msk [tilespmem:v24+s26+$0x8780 ss:$0x1], $0xffff  }
0x91: {  	v34 =	vld.idx.msk [tilespmem:v24+s26+$0x610 ss:$0x1], $0xffff  }
0x92: {  	v35 =	vld.idx.msk [tilespmem:v24+s26+$0x8610 ss:$0x1], $0xffff  }
0x93: {  	v36 =	vld.idx.msk [tilespmem:v24+s26+$0x690 ss:$0x1], $0xffff  }
0x94: {  	v37 =	vld.idx.msk [tilespmem:v24+s26+$0x8690 ss:$0x1], $0xffff  }
0x95: {  	v38 =	vld.idx.msk [tilespmem:v24+s26+$0x710 ss:$0x1], $0xffff  }
0x96: {  	v39 =	vld.idx.msk [tilespmem:v24+s26+$0x8710 ss:$0x1], $0xffff  }
0x97: {  	v40 =	vld.idx.msk [tilespmem:v24+s26+$0x790 ss:$0x1], $0xffff  }
0x98: {  	v41 =	vld.idx.msk [tilespmem:v24+s26+$0x8790 ss:$0x1], $0xffff  }
0x99: {  	v42 =	vld.idx.msk [tilespmem:v24+s26+$0x620 ss:$0x1], $0xffff  }
0x9a: {  	v43 =	vld.idx.msk [tilespmem:v24+s26+$0x8620 ss:$0x1], $0xffff  }
0x9b: {  	v44 =	vld.idx.msk [tilespmem:v24+s26+$0x6A0 ss:$0x1], $0xffff  }
0x9c: {  	v45 =	vld.idx.msk [tilespmem:v24+s26+$0x86A0 ss:$0x1], $0xffff  }
0x9d: {  	v46 =	vld.idx.msk [tilespmem:v24+s26+$0x720 ss:$0x1], $0xffff  }
0x9e: {  	v47 =	vld.idx.msk [tilespmem:v24+s26+$0x8720 ss:$0x1], $0xffff  }
0x9f: {  	v48 =	vld.idx.msk [tilespmem:v24+s26+$0x7A0 ss:$0x1], $0xffff  }
0xa0: {  	v49 =	vld.idx.msk [tilespmem:v24+s26+$0x87A0 ss:$0x1], $0xffff  }
0xa1: {  	v50 =	vld.idx.msk [tilespmem:v24+s26+$0x630 ss:$0x1], $0xffff  }
0xa2: {  	v51 =	vld.idx.msk [tilespmem:v24+s26+$0x8630 ss:$0x1], $0xffff  }
0xa3: {  	v52 =	vld.idx.msk [tilespmem:v24+s26+$0x6B0 ss:$0x1], $0xffff  }
0xa4: {  	v53 =	vld.idx.msk [tilespmem:v24+s26+$0x86B0 ss:$0x1], $0xffff  }
0xa5: {  	v54 =	vld.idx.msk [tilespmem:v24+s26+$0x730 ss:$0x1], $0xffff  }
0xa6: {  	v55 =	vld.idx.msk [tilespmem:v24+s26+$0x8730 ss:$0x1], $0xffff  }
0xa7: {  	v56 =	vld.idx.msk [tilespmem:v24+s26+$0x7B0 ss:$0x1], $0xffff  }
0xa8: {  	v57 =	vld.idx.msk [tilespmem:v24+s26+$0x87B0 ss:$0x1], $0xffff  }
0xa9: {  	v58 =	vld.idx.msk [tilespmem:v24+s26+$0x640 ss:$0x1], $0xffff  }
0xaa: {  	v59 =	vld.idx.msk [tilespmem:v24+s26+$0x8640 ss:$0x1], $0xffff  }
0xab: {  	v60 =	vld.idx.msk [tilespmem:v24+s26+$0x6C0 ss:$0x1], $0xffff  }
0xac: {  	v61 =	vld.idx.msk [tilespmem:v24+s26+$0x86C0 ss:$0x1], $0xffff  }
0xad: {  	v62 =	vld.idx.msk [tilespmem:v24+s26+$0x740 ss:$0x1], $0xffff;
	v26 =	vmul.f32 v27, v26  }
0xae: {  	v27 =	vld.idx.msk [tilespmem:v24+s26+$0x8740 ss:$0x1], $0xffff;
	v28 =	vmul.f32 v29, v28;
	v30 =	vmul.f32 v31, v30  }
0xaf: {  	v29 =	vld.idx.msk [tilespmem:v24+s26+$0x7C0 ss:$0x1], $0xffff;
	v32 =	vmul.f32 v33, v32;
	v34 =	vmul.f32 v35, v34  }
0xb0: {  	v31 =	vld.idx.msk [tilespmem:v24+s26+$0x87C0 ss:$0x1], $0xffff;
	v36 =	vmul.f32 v37, v36;
	v38 =	vmul.f32 v39, v38  }
0xb1: {  	v33 =	vld.idx.msk [tilespmem:v24+s26+$0x650 ss:$0x1], $0xffff;
	v40 =	vmul.f32 v41, v40;
	v42 =	vmul.f32 v43, v42  }
0xb2: {  	v35 =	vld.idx.msk [tilespmem:v24+s26+$0x8650 ss:$0x1], $0xffff;
	v44 =	vmul.f32 v45, v44;
	v63 =	vmul.f32 v49, v48  }
0xb3: {  	v37 =	vld.idx.msk [tilespmem:v24+s26+$0x6D0 ss:$0x1], $0xffff;
	v53 =	vmul.f32 v53, v52;
	v55 =	vmul.f32 v55, v54  }
0xb4: {  	v39 =	vld.idx.msk [tilespmem:v24+s26+$0x86D0 ss:$0x1], $0xffff;
	v57 =	vmul.f32 v57, v56;
	v58 =	vmul.f32 v59, v58  }
0xb5: {  	v41 =	vld.idx.msk [tilespmem:v24+s26+$0x750 ss:$0x1], $0xffff;
	v26 =	vmul.f32 v26, v16;
	v28 =	vmul.f32 v28, v16  }
0xb6: {  	v43 =	vld.idx.msk [tilespmem:v24+s26+$0x8750 ss:$0x1], $0xffff;
	v30 =	vmul.f32 v30, v16;
	v32 =	vmul.f32 v32, v16  }
0xb7: {  	v45 =	vld.idx.msk [tilespmem:v24+s26+$0x7D0 ss:$0x1], $0xffff;
	v34 =	vmul.f32 v34, v17;
	v36 =	vmul.f32 v36, v17  }
0xb8: {  	v48 =	vld.idx.msk [tilespmem:v24+s26+$0x8660 ss:$0x1], $0xffff;
	v38 =	vmul.f32 v38, v17;
	v40 =	vmul.f32 v40, v17  }
0xb9: {  	v49 =	vld.idx.msk [tilespmem:v24+s26+$0x6E0 ss:$0x1], $0xffff;
	v63 =	vmul.f32 v63, v18;
	v59 =	vmul.f32 v57, v19  }
0xba: {  	v52 =	vld.idx.msk [tilespmem:v24+s26+$0x8760 ss:$0x1], $0xffff;
	v56 =	vmul.f32 v58, v20;
	v26 =	vadd.f32 v34, v26;
	v34 =	vmul.f32 v42, v18  }
0xbb: {  	v42 =	vmul.f32 v47, v46;
	v46 =	vld.idx.msk [tilespmem:v24+s26+$0x87D0 ss:$0x1], $0xffff;
	v28 =	vadd.f32 v36, v28;
	v36 =	vmul.f32 v44, v18  }
0xbc: {  	v47 =	vld.idx.msk [tilespmem:v24+s26+$0x660 ss:$0x1], $0xffff;
	v27 =	vmul.f32 v27, v62;
	v29 =	vmul.f32 v31, v29  }
0xbd: {  	v30 =	vadd.f32 v38, v30;
	v31 =	vld.idx.msk [tilespmem:v24+s26+$0x670 ss:$0x1], $0xffff;
	v33 =	vmul.f32 v35, v33;
	v37 =	vmul.f32 v39, v37  }
0xbe: {  	v32 =	vadd.f32 v40, v32;
	v35 =	vld.idx.msk [tilespmem:v24+s26+$0x8670 ss:$0x1], $0xffff;
	v58 =	vmul.f32 v43, v41;
	v38 =	vmul.f32 v42, v18  }
0xbf: {  	v39 =	vld.idx.msk [tilespmem:v24+s26+$0x86F0 ss:$0x1], $0xffff;
	v42 =	vmul.f32 v51, v50;
	v28 =	vadd.f32 v36, v28;
	v36 =	vmul.f32 v53, v19  }
0xc0: {  	v50 =	vld.idx.msk [tilespmem:v24+s26+$0x86E0 ss:$0x1], $0xffff;
	v32 =	vadd.f32 v63, v32;
	v63 =	vmul.f32 v61, v60;
	v27 =	vmul.f32 v27, v20  }
0xc1: {  	v26 =	vadd.f32 v34, v26;
	v51 =	vld.idx.msk [tilespmem:v24+s26+$0x760 ss:$0x1], $0xffff;
	v29 =	vmul.f32 v29, v20;
	v33 =	vmul.f32 v33, v21  }
0xc2: {  	v53 =	vld.idx.msk [tilespmem:v24+s26+$0x7E0 ss:$0x1], $0xffff;
	v34 =	vmul.f32 v42, v19;
	v30 =	vadd.f32 v38, v30;
	v38 =	vmul.f32 v55, v19  }
0xc3: {  	v61 =	vld.idx.msk [tilespmem:v24+s26+$0x770 ss:$0x1], $0xffff;
	v57 =	vmul.f32 v63, v20;
	v32 =	vadd.f32 v59, v32;
	v59 =	vmul.f32 v37, v21  }
0xc4: {  	v42 =	vld.idx.msk [tilespmem:v24+s26+$0x87E0 ss:$0x1], $0xffff;
	v28 =	vadd.f32 v36, v28;
	v60 =	vmul.f32 v46, v45;
	v62 =	vmul.f32 v48, v47  }
0xc5: {  	v63 =	vld.idx.msk [tilespmem:v24+s26+$0x8770 ss:$0x1], $0xffff;
	v26 =	vadd.f32 v34, v26;
	v30 =	vadd.f32 v38, v30;
	v31 =	vmul.f32 v35, v31  }
0xc6: {  	v38 =	vld.idx.msk [tilespmem:v24+s26+$0x6F0 ss:$0x1], $0xffff;
	v28 =	vadd.f32 v57, v28;
	v48 =	vmul.f32 v60, v21;
	v49 =	vmul.f32 v50, v49  }
0xc7: {  	v29 =	vadd.f32 v29, v32;
	v50 =	vld.idx.msk [tilespmem:v24+s26+$0x7F0 ss:$0x1], $0xffff;
	v54 =	vmul.f32 v62, v22;
	v55 =	vmul.f32 v52, v51  }
0xc8: {  	v26 =	vadd.f32 v56, v26;
	v27 =	vadd.f32 v27, v30;
	v30 =	vmul.f32 v58, v21;
	v56 =	vld.idx.msk [tilespmem:v24+s26+$0x87F0 ss:$0x1], $0xffff  }
0xc9: {  	v28 =	vadd.f32 v59, v28;
	v31 =	vmul.f32 v31, v23;
	v57 =	vmul.f32 v49, v22  }
0xca: {  	v58 =	vmul.f32 v42, v53;
	v29 =	vadd.f32 v48, v29;
	v26 =	vadd.f32 v33, v26  }
0xcb: {  	v61 =	vmul.f32 v63, v61;
	v27 =	vadd.f32 v30, v27;
	v60 =	vmul.f32 v39, v38  }
0xcc: {  	v30 =	vmul.f32 v55, v22;
	v59 =	vmul.f32 v58, v22;
	v26 =	vadd.f32 v54, v26  }
0xcd: {  	v28 =	vadd.f32 v57, v28;
	v34 =	vmul.f32 v60, v23;
	v62 =	vmul.f32 v56, v50  }
0xce: {  	v27 =	vadd.f32 v30, v27;
	v30 =	vmul.f32 v61, v23;
	v26 =	vadd.f32 v31, v26  }
0xcf: {  	v29 =	vadd.f32 v59, v29;
	v28 =	vadd.f32 v34, v28;
	v31 =	vmul.f32 v62, v23  }
0xd0: {  	v27 =	vadd.f32 v30, v27;
	[tilespmem:v4+s20+$0x0] =	vst.idx.msk $0xffff, v26  }
0xd1: {  	v26 =	vadd.f32 v31, v29;
	[tilespmem:v5+s20+$0x0] =	vst.idx.msk $0xffff, v28  }
0xd2: {  	[tilespmem:v6+s20+$0x0] =	vst.idx.msk $0xffff, v27  }
0xd3: {  	[tilespmem:v7+s20+$0x0] =	vst.idx.msk $0xffff, v26  }
0xd4: {  	v26 =	vld.idx.msk [tilespmem:v24+s26+$0x800 ss:$0x1], $0xffff  }
0xd5: {  	v27 =	vld.idx.msk [tilespmem:v24+s26+$0x8800 ss:$0x1], $0xffff  }
0xd6: {  	v28 =	vld.idx.msk [tilespmem:v24+s26+$0x880 ss:$0x1], $0xffff  }
0xd7: {  	v29 =	vld.idx.msk [tilespmem:v24+s26+$0x8880 ss:$0x1], $0xffff  }
0xd8: {  	v30 =	vld.idx.msk [tilespmem:v24+s26+$0x900 ss:$0x1], $0xffff  }
0xd9: {  	v31 =	vld.idx.msk [tilespmem:v24+s26+$0x8900 ss:$0x1], $0xffff  }
0xda: {  	v32 =	vld.idx.msk [tilespmem:v24+s26+$0x980 ss:$0x1], $0xffff  }
0xdb: {  	v33 =	vld.idx.msk [tilespmem:v24+s26+$0x8980 ss:$0x1], $0xffff  }
0xdc: {  	v34 =	vld.idx.msk [tilespmem:v24+s26+$0x810 ss:$0x1], $0xffff  }
0xdd: {  	v35 =	vld.idx.msk [tilespmem:v24+s26+$0x8810 ss:$0x1], $0xffff  }
0xde: {  	v36 =	vld.idx.msk [tilespmem:v24+s26+$0x890 ss:$0x1], $0xffff  }
0xdf: {  	v37 =	vld.idx.msk [tilespmem:v24+s26+$0x8890 ss:$0x1], $0xffff  }
0xe0: {  	v38 =	vld.idx.msk [tilespmem:v24+s26+$0x910 ss:$0x1], $0xffff  }
0xe1: {  	v39 =	vld.idx.msk [tilespmem:v24+s26+$0x8910 ss:$0x1], $0xffff  }
0xe2: {  	v40 =	vld.idx.msk [tilespmem:v24+s26+$0x990 ss:$0x1], $0xffff  }
0xe3: {  	v41 =	vld.idx.msk [tilespmem:v24+s26+$0x8990 ss:$0x1], $0xffff  }
0xe4: {  	v42 =	vld.idx.msk [tilespmem:v24+s26+$0x820 ss:$0x1], $0xffff  }
0xe5: {  	v43 =	vld.idx.msk [tilespmem:v24+s26+$0x8820 ss:$0x1], $0xffff  }
0xe6: {  	v44 =	vld.idx.msk [tilespmem:v24+s26+$0x8A0 ss:$0x1], $0xffff  }
0xe7: {  	v45 =	vld.idx.msk [tilespmem:v24+s26+$0x88A0 ss:$0x1], $0xffff  }
0xe8: {  	v46 =	vld.idx.msk [tilespmem:v24+s26+$0x920 ss:$0x1], $0xffff  }
0xe9: {  	v47 =	vld.idx.msk [tilespmem:v24+s26+$0x8920 ss:$0x1], $0xffff  }
0xea: {  	v48 =	vld.idx.msk [tilespmem:v24+s26+$0x9A0 ss:$0x1], $0xffff  }
0xeb: {  	v49 =	vld.idx.msk [tilespmem:v24+s26+$0x89A0 ss:$0x1], $0xffff  }
0xec: {  	v50 =	vld.idx.msk [tilespmem:v24+s26+$0x830 ss:$0x1], $0xffff  }
0xed: {  	v51 =	vld.idx.msk [tilespmem:v24+s26+$0x8830 ss:$0x1], $0xffff  }
0xee: {  	v52 =	vld.idx.msk [tilespmem:v24+s26+$0x8B0 ss:$0x1], $0xffff  }
0xef: {  	v53 =	vld.idx.msk [tilespmem:v24+s26+$0x88B0 ss:$0x1], $0xffff  }
0xf0: {  	v54 =	vld.idx.msk [tilespmem:v24+s26+$0x930 ss:$0x1], $0xffff  }
0xf1: {  	v55 =	vld.idx.msk [tilespmem:v24+s26+$0x8930 ss:$0x1], $0xffff  }
0xf2: {  	v56 =	vld.idx.msk [tilespmem:v24+s26+$0x9B0 ss:$0x1], $0xffff  }
0xf3: {  	v57 =	vld.idx.msk [tilespmem:v24+s26+$0x89B0 ss:$0x1], $0xffff  }
0xf4: {  	v58 =	vld.idx.msk [tilespmem:v24+s26+$0x840 ss:$0x1], $0xffff  }
0xf5: {  	v59 =	vld.idx.msk [tilespmem:v24+s26+$0x8840 ss:$0x1], $0xffff  }
0xf6: {  	v60 =	vld.idx.msk [tilespmem:v24+s26+$0x8C0 ss:$0x1], $0xffff  }
0xf7: {  	v61 =	vld.idx.msk [tilespmem:v24+s26+$0x88C0 ss:$0x1], $0xffff  }
0xf8: {  	v62 =	vld.idx.msk [tilespmem:v24+s26+$0x940 ss:$0x1], $0xffff;
	v26 =	vmul.f32 v27, v26;
	v28 =	vmul.f32 v29, v28  }
0xf9: {  	v27 =	vld.idx.msk [tilespmem:v24+s26+$0x8940 ss:$0x1], $0xffff;
	v30 =	vmul.f32 v31, v30;
	v32 =	vmul.f32 v33, v32  }
0xfa: {  	v29 =	vld.idx.msk [tilespmem:v24+s26+$0x9C0 ss:$0x1], $0xffff;
	v34 =	vmul.f32 v35, v34;
	v36 =	vmul.f32 v37, v36  }
0xfb: {  	v31 =	vld.idx.msk [tilespmem:v24+s26+$0x89C0 ss:$0x1], $0xffff;
	v38 =	vmul.f32 v39, v38;
	v40 =	vmul.f32 v41, v40  }
0xfc: {  	v33 =	vld.idx.msk [tilespmem:v24+s26+$0x850 ss:$0x1], $0xffff;
	v42 =	vmul.f32 v43, v42;
	v44 =	vmul.f32 v45, v44  }
0xfd: {  	v35 =	vld.idx.msk [tilespmem:v24+s26+$0x8850 ss:$0x1], $0xffff;
	v63 =	vmul.f32 v47, v46;
	v53 =	vmul.f32 v53, v52  }
0xfe: {  	v37 =	vld.idx.msk [tilespmem:v24+s26+$0x8D0 ss:$0x1], $0xffff;
	v55 =	vmul.f32 v55, v54;
	v56 =	vmul.f32 v57, v56  }
0xff: {  	v39 =	vld.idx.msk [tilespmem:v24+s26+$0x88D0 ss:$0x1], $0xffff;
	v58 =	vmul.f32 v59, v58;
	v60 =	vmul.f32 v61, v60  }
0x100: {  	v41 =	vld.idx.msk [tilespmem:v24+s26+$0x950 ss:$0x1], $0xffff;
	v26 =	vmul.f32 v26, v16;
	v28 =	vmul.f32 v28, v16  }
0x101: {  	v43 =	vld.idx.msk [tilespmem:v24+s26+$0x8950 ss:$0x1], $0xffff;
	v30 =	vmul.f32 v30, v16;
	v32 =	vmul.f32 v32, v16  }
0x102: {  	v45 =	vld.idx.msk [tilespmem:v24+s26+$0x9D0 ss:$0x1], $0xffff;
	v34 =	vmul.f32 v34, v17;
	v36 =	vmul.f32 v36, v17  }
0x103: {  	v46 =	vld.idx.msk [tilespmem:v24+s26+$0x89D0 ss:$0x1], $0xffff;
	v38 =	vmul.f32 v38, v17;
	v40 =	vmul.f32 v40, v17  }
0x104: {  	v47 =	vld.idx.msk [tilespmem:v24+s26+$0x860 ss:$0x1], $0xffff;
	v57 =	vmul.f32 v55, v19;
	v59 =	vmul.f32 v56, v19  }
0x105: {  	v52 =	vld.idx.msk [tilespmem:v24+s26+$0x8960 ss:$0x1], $0xffff;
	v61 =	vmul.f32 v58, v20;
	v26 =	vadd.f32 v34, v26;
	v34 =	vmul.f32 v42, v18  }
0x106: {  	v28 =	vadd.f32 v36, v28;
	v36 =	vmul.f32 v44, v18;
	v44 =	vmul.f32 v49, v48;
	v48 =	vld.idx.msk [tilespmem:v24+s26+$0x8860 ss:$0x1], $0xffff  }
0x107: {  	v30 =	vadd.f32 v38, v30;
	v38 =	vmul.f32 v63, v18;
	v63 =	vmul.f32 v51, v50;
	v49 =	vld.idx.msk [tilespmem:v24+s26+$0x8E0 ss:$0x1], $0xffff  }
0x108: {  	v50 =	vld.idx.msk [tilespmem:v24+s26+$0x88E0 ss:$0x1], $0xffff;
	v27 =	vmul.f32 v27, v62;
	v29 =	vmul.f32 v31, v29  }
0x109: {  	v51 =	vld.idx.msk [tilespmem:v24+s26+$0x960 ss:$0x1], $0xffff;
	v33 =	vmul.f32 v35, v33;
	v37 =	vmul.f32 v39, v37  }
0x10a: {  	v32 =	vadd.f32 v40, v32;
	v42 =	vld.idx.msk [tilespmem:v24+s26+$0x89E0 ss:$0x1], $0xffff;
	v54 =	vmul.f32 v46, v45;
	v40 =	vmul.f32 v44, v18  }
0x10b: {  	v31 =	vld.idx.msk [tilespmem:v24+s26+$0x870 ss:$0x1], $0xffff;
	v26 =	vadd.f32 v34, v26;
	v34 =	vmul.f32 v63, v19;
	v63 =	vmul.f32 v53, v19  }
0x10c: {  	v35 =	vld.idx.msk [tilespmem:v24+s26+$0x8870 ss:$0x1], $0xffff;
	v28 =	vadd.f32 v36, v28;
	v44 =	vmul.f32 v43, v41;
	v27 =	vmul.f32 v27, v20  }
0x10d: {  	v39 =	vld.idx.msk [tilespmem:v24+s26+$0x88F0 ss:$0x1], $0xffff;
	v30 =	vadd.f32 v38, v30;
	v29 =	vmul.f32 v29, v20;
	v33 =	vmul.f32 v33, v21  }
0x10e: {  	v53 =	vld.idx.msk [tilespmem:v24+s26+$0x9E0 ss:$0x1], $0xffff;
	v36 =	vmul.f32 v37, v21;
	v58 =	vmul.f32 v54, v21;
	v32 =	vadd.f32 v40, v32  }
0x10f: {  	v38 =	vld.idx.msk [tilespmem:v24+s26+$0x8F0 ss:$0x1], $0xffff;
	v28 =	vadd.f32 v63, v28;
	v63 =	vmul.f32 v60, v20;
	v30 =	vadd.f32 v57, v30  }
0x110: {  	v55 =	vld.idx.msk [tilespmem:v24+s26+$0x970 ss:$0x1], $0xffff;
	v26 =	vadd.f32 v34, v26;
	v56 =	vmul.f32 v48, v47;
	v62 =	vmul.f32 v52, v51  }
0x111: {  	v57 =	vld.idx.msk [tilespmem:v24+s26+$0x8970 ss:$0x1], $0xffff;
	v32 =	vadd.f32 v59, v32;
	v27 =	vadd.f32 v27, v30;
	v30 =	vmul.f32 v44, v21  }
0x112: {  	v60 =	vld.idx.msk [tilespmem:v24+s26+$0x9F0 ss:$0x1], $0xffff;
	v26 =	vadd.f32 v61, v26;
	v59 =	vmul.f32 v50, v49;
	v31 =	vmul.f32 v35, v31  }
0x113: {  	v28 =	vadd.f32 v63, v28;
	v63 =	vld.idx.msk [tilespmem:v24+s26+$0x89F0 ss:$0x1], $0xffff;
	v61 =	vmul.f32 v56, v22;
	v48 =	vmul.f32 v42, v53  }
0x114: {  	v50 =	vmul.f32 v39, v38;
	v29 =	vadd.f32 v29, v32;
	v26 =	vadd.f32 v33, v26  }
0x115: {  	v47 =	vmul.f32 v59, v22;
	v27 =	vadd.f32 v30, v27;
	v30 =	vmul.f32 v62, v22  }
0x116: {  	v28 =	vadd.f32 v36, v28;
	v31 =	vmul.f32 v31, v23;
	v49 =	vmul.f32 v48, v22  }
0x117: {  	v51 =	vmul.f32 v57, v55;
	v34 =	vmul.f32 v50, v23;
	v26 =	vadd.f32 v61, v26  }
0x118: {  	v29 =	vadd.f32 v58, v29;
	v28 =	vadd.f32 v47, v28;
	v52 =	vmul.f32 v63, v60  }
0x119: {  	v27 =	vadd.f32 v30, v27;
	v30 =	vmul.f32 v51, v23;
	v26 =	vadd.f32 v31, v26  }
0x11a: {  	v29 =	vadd.f32 v49, v29;
	v28 =	vadd.f32 v34, v28;
	v31 =	vmul.f32 v52, v23  }
0x11b: {  	v27 =	vadd.f32 v30, v27;
	[tilespmem:v8+s20+$0x0] =	vst.idx.msk $0xffff, v26  }
0x11c: {  	v26 =	vadd.f32 v31, v29;
	[tilespmem:v9+s20+$0x0] =	vst.idx.msk $0xffff, v28  }
0x11d: {  	[tilespmem:v10+s20+$0x0] =	vst.idx.msk $0xffff, v27  }
0x11e: {  	[tilespmem:v11+s20+$0x0] =	vst.idx.msk $0xffff, v26  }
0x11f: {  	v26 =	vld.idx.msk [tilespmem:v24+s26+$0xA00 ss:$0x1], $0xffff  }
0x120: {  	v27 =	vld.idx.msk [tilespmem:v24+s26+$0x8A00 ss:$0x1], $0xffff  }
0x121: {  	v28 =	vld.idx.msk [tilespmem:v24+s26+$0xA80 ss:$0x1], $0xffff  }
0x122: {  	v29 =	vld.idx.msk [tilespmem:v24+s26+$0x8A80 ss:$0x1], $0xffff  }
0x123: {  	v30 =	vld.idx.msk [tilespmem:v24+s26+$0xB00 ss:$0x1], $0xffff  }
0x124: {  	v31 =	vld.idx.msk [tilespmem:v24+s26+$0x8B00 ss:$0x1], $0xffff  }
0x125: {  	v32 =	vld.idx.msk [tilespmem:v24+s26+$0xB80 ss:$0x1], $0xffff  }
0x126: {  	v33 =	vld.idx.msk [tilespmem:v24+s26+$0x8B80 ss:$0x1], $0xffff  }
0x127: {  	v34 =	vld.idx.msk [tilespmem:v24+s26+$0xA10 ss:$0x1], $0xffff  }
0x128: {  	v35 =	vld.idx.msk [tilespmem:v24+s26+$0x8A10 ss:$0x1], $0xffff  }
0x129: {  	v36 =	vld.idx.msk [tilespmem:v24+s26+$0xA90 ss:$0x1], $0xffff  }
0x12a: {  	v37 =	vld.idx.msk [tilespmem:v24+s26+$0x8A90 ss:$0x1], $0xffff  }
0x12b: {  	v38 =	vld.idx.msk [tilespmem:v24+s26+$0xB10 ss:$0x1], $0xffff  }
0x12c: {  	v39 =	vld.idx.msk [tilespmem:v24+s26+$0x8B10 ss:$0x1], $0xffff  }
0x12d: {  	v40 =	vld.idx.msk [tilespmem:v24+s26+$0xB90 ss:$0x1], $0xffff  }
0x12e: {  	v41 =	vld.idx.msk [tilespmem:v24+s26+$0x8B90 ss:$0x1], $0xffff  }
0x12f: {  	v42 =	vld.idx.msk [tilespmem:v24+s26+$0xA20 ss:$0x1], $0xffff  }
0x130: {  	v43 =	vld.idx.msk [tilespmem:v24+s26+$0x8A20 ss:$0x1], $0xffff  }
0x131: {  	v44 =	vld.idx.msk [tilespmem:v24+s26+$0xAA0 ss:$0x1], $0xffff  }
0x132: {  	v45 =	vld.idx.msk [tilespmem:v24+s26+$0x8AA0 ss:$0x1], $0xffff  }
0x133: {  	v46 =	vld.idx.msk [tilespmem:v24+s26+$0xB20 ss:$0x1], $0xffff  }
0x134: {  	v47 =	vld.idx.msk [tilespmem:v24+s26+$0x8B20 ss:$0x1], $0xffff  }
0x135: {  	v48 =	vld.idx.msk [tilespmem:v24+s26+$0xBA0 ss:$0x1], $0xffff  }
0x136: {  	v49 =	vld.idx.msk [tilespmem:v24+s26+$0x8BA0 ss:$0x1], $0xffff  }
0x137: {  	v50 =	vld.idx.msk [tilespmem:v24+s26+$0xA30 ss:$0x1], $0xffff  }
0x138: {  	v51 =	vld.idx.msk [tilespmem:v24+s26+$0x8A30 ss:$0x1], $0xffff  }
0x139: {  	v52 =	vld.idx.msk [tilespmem:v24+s26+$0xAB0 ss:$0x1], $0xffff  }
0x13a: {  	v53 =	vld.idx.msk [tilespmem:v24+s26+$0x8AB0 ss:$0x1], $0xffff  }
0x13b: {  	v54 =	vld.idx.msk [tilespmem:v24+s26+$0xB30 ss:$0x1], $0xffff  }
0x13c: {  	v55 =	vld.idx.msk [tilespmem:v24+s26+$0x8B30 ss:$0x1], $0xffff  }
0x13d: {  	v56 =	vld.idx.msk [tilespmem:v24+s26+$0xBB0 ss:$0x1], $0xffff  }
0x13e: {  	v57 =	vld.idx.msk [tilespmem:v24+s26+$0x8BB0 ss:$0x1], $0xffff  }
0x13f: {  	v12 =	vmovc v10;
	v10 =	vmov v8;
	v8 =	vmov v6;
	v6 =	vmov v4;
	v58 =	vld.idx.msk [tilespmem:v24+s26+$0xA40 ss:$0x1], $0xffff  }
0x140: {  	v4 =	vmovc v2;
	v2 =	vmov v0;
	v0 =	vld.idx.msk [tilespmem:v24+s26+$0xBC0 ss:$0x1], $0xffff;
	v26 =	vmul.f32 v27, v26;
	v27 =	vmul.f32 v29, v28  }
0x141: {  	v13 =	vmovc v3;
	v3 =	vmov v1;
	v1 =	vld.idx.msk [tilespmem:v24+s26+$0x8BC0 ss:$0x1], $0xffff;
	v29 =	vmul.f32 v31, v30;
	v30 =	vmul.f32 v33, v32  }
0x142: {  	v59 =	vld.idx.msk [tilespmem:v24+s26+$0x8A40 ss:$0x1], $0xffff;
	v32 =	vmul.f32 v35, v34;
	v33 =	vmul.f32 v37, v36  }
0x143: {  	v60 =	vld.idx.msk [tilespmem:v24+s26+$0xAC0 ss:$0x1], $0xffff;
	v35 =	vmul.f32 v39, v38;
	v37 =	vmul.f32 v41, v40  }
0x144: {  	v61 =	vld.idx.msk [tilespmem:v24+s26+$0x8AC0 ss:$0x1], $0xffff;
	v39 =	vmul.f32 v43, v42;
	v41 =	vmul.f32 v45, v44  }
0x145: {  	v62 =	vld.idx.msk [tilespmem:v24+s26+$0xB40 ss:$0x1], $0xffff;
	v43 =	vmul.f32 v47, v46;
	v45 =	vmul.f32 v49, v48  }
0x146: {  	v63 =	vld.idx.msk [tilespmem:v24+s26+$0x8B40 ss:$0x1], $0xffff;
	v0 =	vmul.f32 v1, v0;
	v26 =	vmul.f32 v26, v16  }
0x147: {  	v28 =	vld.idx.msk [tilespmem:v24+s26+$0xA50 ss:$0x1], $0xffff;
	v27 =	vmul.f32 v27, v16;
	v32 =	vmul.f32 v32, v17  }
0x148: {  	v31 =	vld.idx.msk [tilespmem:v24+s26+$0x8A50 ss:$0x1], $0xffff;
	v29 =	vmul.f32 v29, v16;
	v33 =	vmul.f32 v33, v17  }
0x149: {  	v34 =	vld.idx.msk [tilespmem:v24+s26+$0xAD0 ss:$0x1], $0xffff;
	v30 =	vmul.f32 v30, v16;
	v26 =	vadd.f32 v32, v26;
	v32 =	vmul.f32 v35, v17  }
0x14a: {  	v36 =	vld.idx.msk [tilespmem:v24+s26+$0x8AD0 ss:$0x1], $0xffff;
	v35 =	vmul.f32 v51, v50;
	v27 =	vadd.f32 v33, v27;
	v33 =	vmul.f32 v37, v17  }
0x14b: {  	v38 =	vld.idx.msk [tilespmem:v24+s26+$0xB50 ss:$0x1], $0xffff;
	v37 =	vmul.f32 v53, v52;
	v53 =	vmul.f32 v39, v18  }
0x14c: {  	v40 =	vld.idx.msk [tilespmem:v24+s26+$0x8B50 ss:$0x1], $0xffff;
	v39 =	vmul.f32 v55, v54;
	v55 =	vmul.f32 v41, v18  }
0x14d: {  	v42 =	vld.idx.msk [tilespmem:v24+s26+$0xBD0 ss:$0x1], $0xffff;
	v41 =	vmul.f32 v57, v56;
	v57 =	vmul.f32 v43, v18  }
0x14e: {  	v46 =	vld.idx.msk [tilespmem:v24+s26+$0xA60 ss:$0x1], $0xffff;
	v43 =	vmul.f32 v59, v58;
	v59 =	vmul.f32 v45, v18  }
0x14f: {  	v47 =	vld.idx.msk [tilespmem:v24+s26+$0x8A60 ss:$0x1], $0xffff;
	v45 =	vmul.f32 v61, v60;
	v28 =	vmul.f32 v31, v28  }
0x150: {  	v50 =	vld.idx.msk [tilespmem:v24+s26+$0xB60 ss:$0x1], $0xffff;
	v29 =	vadd.f32 v32, v29;
	v30 =	vadd.f32 v33, v30;
	v56 =	vmul.f32 v35, v19  }
0x151: {  	v51 =	vld.idx.msk [tilespmem:v24+s26+$0x8B60 ss:$0x1], $0xffff;
	v26 =	vadd.f32 v53, v26;
	v58 =	vmul.f32 v37, v19;
	v60 =	vmul.f32 v41, v19  }
0x152: {  	v1 =	vld.idx.msk [tilespmem:v24+s26+$0xA70 ss:$0x1], $0xffff;
	v61 =	vmul.f32 v43, v20;
	v29 =	vadd.f32 v57, v29;
	v57 =	vmul.f32 v63, v62  }
0x153: {  	v31 =	vld.idx.msk [tilespmem:v24+s26+$0x8A70 ss:$0x1], $0xffff;
	v30 =	vadd.f32 v59, v30;
	v26 =	vadd.f32 v56, v26;
	v59 =	vmul.f32 v39, v19  }
0x154: {  	v44 =	vld.idx.msk [tilespmem:v24+s26+$0x8BD0 ss:$0x1], $0xffff;
	v27 =	vadd.f32 v55, v27;
	v37 =	vmul.f32 v40, v38;
	v28 =	vmul.f32 v28, v21  }
0x155: {  	v54 =	vld.idx.msk [tilespmem:v24+s26+$0xB70 ss:$0x1], $0xffff;
	v29 =	vadd.f32 v59, v29;
	v26 =	vadd.f32 v61, v26;
	v55 =	vmul.f32 v57, v20  }
0x156: {  	v56 =	vmul.f32 v47, v46;
	v30 =	vadd.f32 v60, v30;
	v57 =	vld.idx.msk [tilespmem:v24+s26+$0x8B70 ss:$0x1], $0xffff;
	v60 =	vmul.f32 v51, v50  }
0x157: {  	v48 =	vld.idx.msk [tilespmem:v24+s26+$0xAE0 ss:$0x1], $0xffff;
	v29 =	vadd.f32 v55, v29;
	v26 =	vadd.f32 v28, v26;
	v28 =	vmul.f32 v37, v21  }
0x158: {  	v49 =	vld.idx.msk [tilespmem:v24+s26+$0x8AE0 ss:$0x1], $0xffff;
	v1 =	vmul.f32 v31, v1  }
0x159: {  	v52 =	vld.idx.msk [tilespmem:v24+s26+$0xBE0 ss:$0x1], $0xffff;
	v35 =	vmul.f32 v56, v22;
	v32 =	vmul.f32 v60, v22;
	v28 =	vadd.f32 v28, v29  }
0x15a: {  	v34 =	vmul.f32 v36, v34;
	v36 =	vld.idx.msk [tilespmem:v24+s26+$0xAF0 ss:$0x1], $0xffff;
	v1 =	vmul.f32 v1, v23  }
0x15b: {  	v53 =	vld.idx.msk [tilespmem:v24+s26+$0x8BE0 ss:$0x1], $0xffff;
	v26 =	vadd.f32 v35, v26;
	v29 =	vmul.f32 v57, v54;
	v28 =	vadd.f32 v32, v28  }
0x15c: {  	v27 =	vadd.f32 v58, v27;
	v62 =	vld.idx.msk [tilespmem:v24+s26+$0x8AF0 ss:$0x1], $0xffff  }
0x15d: {  	v63 =	vmul.f32 v45, v20;
	v59 =	vld.idx.msk [tilespmem:v24+s26+$0xBF0 ss:$0x1], $0xffff;
	v1 =	vadd.f32 v1, v26;
	v26 =	vmul.f32 v29, v23  }
0x15e: {  	v0 =	vmul.f32 v0, v20;
	v58 =	vmul.f32 v49, v48;
	v61 =	vld.idx.msk [tilespmem:v24+s26+$0x8BF0 ss:$0x1], $0xffff  }
0x15f: {  	v34 =	vmul.f32 v34, v21;
	v27 =	vadd.f32 v63, v27;
	v26 =	vadd.f32 v26, v28;
	v28 =	vmovc v14;
	v14 =	vld [tilespmem:$0x1FFF0]  }
0x160: {  	v45 =	vmul.f32 v44, v42;
	v33 =	vmul.f32 v58, v22  }
0x161: {  	v0 =	vadd.f32 v0, v30;
	v30 =	vmul.f32 v53, v52;
	v27 =	vadd.f32 v34, v27  }
0x162: {  	v31 =	vmul.f32 v62, v36;
	v62 =	vmul.f32 v45, v21  }
0x163: {  	v27 =	vadd.f32 v33, v27;
	v30 =	vmul.f32 v30, v22  }
0x164: {  	v0 =	vadd.f32 v62, v0;
	v63 =	vmul.f32 v61, v59;
	v31 =	vmul.f32 v31, v23;
	_ =	sdelay $0x1  }
0x165: {  	v0 =	vadd.f32 v30, v0;
	v27 =	vadd.f32 v31, v27;
	v29 =	vmul.f32 v63, v23  }
0x166: {  	[tilespmem:v14+s20+$0x0] =	vst.idx.msk $0xffff, v1  }
0x167: {  	v0 =	vadd.f32 v29, v0;
	[tilespmem:v15+s20+$0x0] =	vst.idx.msk $0xffff, v27  }
0x168: {  	[tilespmem:v25+s20+$0x0] =	vst.idx.msk $0xffff, v26  }
0x169: {  	[tilespmem:v28+s20+$0x0] =	vst.idx.msk $0xffff, v0  }
0x16a: {  	v0 =	vld [tilespmem:$0x10680]  }
0x16b: {  	v1 =	vld [tilespmem:$0x10691];
	_ =	sdelay $0x1  }
0x16c: {  	v26 =	vld [tilespmem:$0x106A2];
	_ =	sdelay $0x1  }
0x16d: {  	v27 =	vld [tilespmem:$0x106B3]  }
0x16e: {  	v0 =	vadd.f32 v1, v0  }
0x16f: {  	v1 =	vld [tilespmem:$0x106C4]  }
0x170: {  	v0 =	vadd.f32 v26, v0  }
0x171: {  	v26 =	vld [tilespmem:$0x106D5]  }
0x172: {  	v0 =	vadd.f32 v27, v0  }
0x173: {  	v27 =	vld [tilespmem:$0x106E6]  }
0x174: {  	v0 =	vadd.f32 v1, v0  }
0x175: {  	v1 =	vld [tilespmem:$0x106F7]  }
0x176: {  	v0 =	vadd.f32 v26, v0  }
0x177: {  	v26 =	vld [tilespmem:$0x10708]  }
0x178: {  	v0 =	vadd.f32 v27, v0  }
0x179: {  	v27 =	vld [tilespmem:$0x10719]  }
0x17a: {  	v0 =	vadd.f32 v1, v0  }
0x17b: {  	v1 =	vld [tilespmem:$0x1072A]  }
0x17c: {  	v0 =	vadd.f32 v26, v0  }
0x17d: {  	v26 =	vld [tilespmem:$0x1073B]  }
0x17e: {  	v0 =	vadd.f32 v27, v0  }
0x17f: {  	v27 =	vld [tilespmem:$0x1074C]  }
0x180: {  	v0 =	vadd.f32 v1, v0  }
0x181: {  	v1 =	vld [tilespmem:$0x1075D]  }
0x182: {  	v0 =	vadd.f32 v26, v0  }
0x183: {  	v26 =	vld [tilespmem:$0x1076E]  }
0x184: {  	v0 =	vadd.f32 v27, v0  }
0x185: {  	v27 =	vld [tilespmem:$0x1077F]  }
0x186: {  	v0 =	vadd.f32 v1, v0;
	v1 =	vmov v3;
	v3 =	vmov v13;
	v13 =	vld [tilespmem:$0x1FFE0];
	_ =	sdelay $0x1  }
0x187: {  	v0 =	vadd.f32 v26, v0;
	_ =	sdelay $0x1  }
0x188: {  	p0 =	sne.s32 s25, $0x7;
	v0 =	vadd.f32 v27, v0  }
.Ltmp0:
0x189: {  	_ = 	snop;
	(pc) =	sbr.rel @p0 .LBB2_3-.Ltmp0, $4  }
0x18a: {  	s31 =	sshll.u32 s25, $0x4  }
0x18b: {  	s26 =	sand.u32 $0x3FFFFFF0, s31  }
0x18c: {  	[tilespmem:v13+s26+$0x0 ss:$0x1] =	vst.idx.msk $0xffff, v0;
	v0 =	vmov v2  }
0x18d: {  	s25 =	sadd.s32 $0x1, s25;
	v2 =	vmovc v4;
	v4 =	vmovc v6;
	v6 =	vmov v8;
	v8 =	vmov v10;
	v10 =	vmov v12  }
0x18e: {  	p0 =	seq.s32 s24, $0x1  }
0x18f: {  	s25 =	simm.s32 @p0 $0x80;
	s26 =	simm.s32 @p0 $0x180;
	s28 =	simm.s32 @p0 $0x4400  }
0x190: {  	[tilespmem:s28], [sflag:$0x2] =	stream.indirect.gather @p0 [hbm4b:s1+s25], $0x80, s26, s25, $0xb8;
	[tilespmem:$0x10790] =	vst v63  }
0x191: {  	p1 =	sne.s32 @!p0 s24, $0x0;
	s26 =	simm.s32 @p0 $0x380;
	s28 =	simm.s32 @p0 $0xC400  }
0x192: {  	[tilespmem:s28], [sflag:$0x4] =	stream.indirect.gather @p0 [hbm4b:s1+s25], $0x80, s26, s25, $0xb8;
	[tilespmem:$0x10790] =	vst v63  }
0x193: {  	p0 =	por p1, p0  }
0x194: {  	s25 =	simm.s32 @!p0 $0x80;
	s26 =	simm.s32 @!p0 $0x100;
	s28 =	simm.s32 @!p0 $0x400  }
0x195: {  	[tilespmem:s28], [sflag:$0x1] =	stream.indirect.gather @!p0 [hbm4b:s1+s25], $0x80, s26, s25, $0xb8;
	[tilespmem:$0x10790] =	vst v63  }
0x196: {  	s24 =	sadd.s32 $0x1, s24;
	s26 =	simm.s32 @!p0 $0x300;
	s28 =	simm.s32 @!p0 $0x8400  }
0x197: {  	[tilespmem:s28], [sflag:$0x3] =	stream.indirect.gather @!p0 [hbm4b:s1+s25], $0x80, s26, s25, $0xb8;
	[tilespmem:$0x10790] =	vst v63  }
0x198: {  	p0 =	sne.s32 s24, $0x4  }
.Ltmp1:
0x199: {  	_ = 	snop;
	(pc) =	sbr.rel @p0 .LBB2_2-.Ltmp1, $1  }
0x19a: {  	_ =	sdelay $0x3  }
0x19b: {  	s23 =	sadd.s32 $0x1, s23  }
0x19c: {  	p0 =	sne.s32 s23, s8  }
.Ltmp2:
0x19d: {  	_ = 	snop;
	(pc) =	sbr.rel @p0 .LBB2_1-.Ltmp2, $4  }
0x19e: {  	[hbm4b:s7+s4] =	stream.linear.scatter [tilespmem:s21], [sflag:$0x6], $0x200, $0x38;
	[tilespmem:$0x10790] =	vst v63  }
0x19f: {  	_ =	swait.ge [sflag:s22], $0x200  }
0x1a0: {  	[sflag:s22] =	ssyncset.done $0x0  }
0x1a1: {  	[sflag:s22] =	ssyncadd.s32 $0xFFFFFE00  }
0x1a2: {  	_ =	sfence.sel $0x180000  }
0x1a3: {  	[bflag:$0x0] =	sbarrier.arrive $0xFFFF  }
0x1a4: {  	p0 =	sne.s32 s3, $0x0;
	_ =	strace $0x90000047  }
0x1a5: {  	s0 =	sadd.s32 @!p0 $0x100000, s0;
	[bflag:$0x2] =	sbarrier.arrive $0xFFFF  }
0x1a6: {  	[sflag:s0] =	ssyncadd.tile.s32 @!p0 $0x1;
	_ =	shalt  }
.Lfunc_end2:
_tile_overlayer_lowered:
.L_overlay_start_2:
0x1a7: {  	(tag) =	ssettag $0x2  }
0x1a8: {  	s0 =	rddreg [dreg:$0x0];
	s2 =	stileid.u32  }
0x1a9: {  	s1 =	rddreg [dreg:$0x1];
	p0 =	sne.s32 s2, $0x0  }
0x1aa: {  	s3 =	rddreg [dreg:$0x2];
	[bflag:$0x3] =	sbarrier.arrive $0xFFFF;
	s2 =	simm.s32 @!p0 $0x1C06  }
0x1ab: {  	[timem:s3], [sflag:s2] =	dma.local @!p0 [hbm:s0], s1  }
0x1ac: {  	s0 =	simm.s32 @!p0 $0x6  }
0x1ad: {  	_ =	swait.ge @!p0 [sflag:s0], s1  }
0x1ae: {  	s1 =	ssub.s32 @!p0 $0x0, s1;
	[sflag:s0] =	ssyncset.done @!p0 $0x0  }
0x1af: {  	[sflag:s0] =	ssyncadd.s32 @!p0 s1  }
0x1b0: {  	[bflag:$0x3] =	sbarrier.arrive $0xFFFF  }
0x1b1: {  	_ =	shalt  }

</sc_bundles>
